<compile_context>
chip_gen: v7x
topology: tpu7x:2x2x1
jax: 0.10.2.dev20260603
libtpu: 0.0.44.dev20260713+nightly
codegen_flags: <defaults>
</compile_context>

<pallas_src>
import functools
import math

import jax
import jax.numpy as jnp
from jax import lax
from jax.experimental import pallas as pl
from jax.experimental.pallas import tpu as pltpu
from jax.experimental.pallas import tpu_sc as plsc

N = 10000
E = 320000
HID = 256
HEADS = 8
C = HID // HEADS
INV_SQRT_C = 1.0 / math.sqrt(C)

NC = 2
NS = 16
NW = NC * NS

BR = 1000
BE = 2000
GB = 80
EPW = E // NW
EPT = E // NS
NPT = 624
NPT_LAST = N - 15 * NPT
HP = 16


def _head_selector(dtype=jnp.float32):
    i = lax.broadcasted_iota(jnp.int32, (HID, HP), 0)
    j = lax.broadcasted_iota(jnp.int32, (HID, HP), 1)
    return (i // C == j).astype(dtype)


def _head_replicator(dtype=jnp.float32):
    j = lax.broadcasted_iota(jnp.int32, (HP, HID), 0)
    i = lax.broadcasted_iota(jnp.int32, (HP, HID), 1)
    return (i // C == j).astype(dtype)



def _proj_body(x_ref, wq_ref, bq_ref, wk_ref, bk_ref, wv_ref, bv_ref,
               ws_ref, bs_ref, q_ref, k_ref, v_ref, s_ref):
    xb = x_ref[...]
    q_ref[...] = jnp.dot(xb, wq_ref[...], preferred_element_type=jnp.float32) + bq_ref[...]
    k_ref[...] = jnp.dot(xb, wk_ref[...], preferred_element_type=jnp.float32) + bk_ref[...]
    v_ref[...] = jnp.dot(xb, wv_ref[...], preferred_element_type=jnp.float32) + bv_ref[...]
    s_ref[...] = jnp.dot(xb, ws_ref[...], preferred_element_type=jnp.float32) + bs_ref[...]


def _proj(x, Wq, bq, Wk, bk, Wv, bv, Ws, bs):
    n, d = x.shape
    grid = (n // BR,)
    w_spec = pl.BlockSpec((d, HID), lambda i: (0, 0))
    b_spec = pl.BlockSpec((1, HID), lambda i: (0, 0))
    row_spec = pl.BlockSpec((BR, d), lambda i: (i, 0))
    out_spec = pl.BlockSpec((BR, HID), lambda i: (i, 0))
    outs = jax.ShapeDtypeStruct((n, HID), jnp.float32)
    return pl.pallas_call(
        _proj_body,
        grid=grid,
        in_specs=[row_spec, w_spec, b_spec, w_spec, b_spec, w_spec, b_spec,
                  w_spec, b_spec],
        out_specs=[out_spec] * 4,
        out_shape=[outs] * 4,
    )(x, Wq, bq.reshape(1, HID), Wk, bk.reshape(1, HID),
      Wv, bv.reshape(1, HID), Ws, bs.reshape(1, HID))


def _den_selector(dtype=jnp.float32):
    j = lax.broadcasted_iota(jnp.int32, (128, HID), 0)
    i = lax.broadcasted_iota(jnp.int32, (128, HID), 1)
    return (j == (i // C) * 16).astype(dtype)


def _finish(agg0_ref, agg1_ref, den_ref, skip_ref):
    den = jnp.dot(den_ref[...], _den_selector(),
                  preferred_element_type=jnp.float32)
    agg = jnp.concatenate([agg0_ref[...], agg1_ref[...]], axis=1)
    return jnp.maximum(agg / (den + 1e-16) + skip_ref[...], 0.0)


def _finish_proj_body(agg0_ref, agg1_ref, den_ref, skip_ref, wq_ref, bq_ref,
                      wk_ref, bk_ref, wv_ref, bv_ref, ws_ref, bs_ref,
                      q_ref, k_ref, v_ref, s_ref):
    h = _finish(agg0_ref, agg1_ref, den_ref, skip_ref)
    q_ref[...] = jnp.dot(h, wq_ref[...], preferred_element_type=jnp.float32) + bq_ref[...]
    k_ref[...] = jnp.dot(h, wk_ref[...], preferred_element_type=jnp.float32) + bk_ref[...]
    v_ref[...] = jnp.dot(h, wv_ref[...], preferred_element_type=jnp.float32) + bv_ref[...]
    s_ref[...] = jnp.dot(h, ws_ref[...], preferred_element_type=jnp.float32) + bs_ref[...]


def _finish_proj(agg0, agg1, den, skip, Wq, bq, Wk, bk, Wv, bv, Ws, bs):
    grid = (N // BR,)
    w_spec = pl.BlockSpec((HID, HID), lambda i: (0, 0))
    b_spec = pl.BlockSpec((1, HID), lambda i: (0, 0))
    half_spec = pl.BlockSpec((BR, HID // 2), lambda i: (i, 0))
    row_spec = pl.BlockSpec((BR, HID), lambda i: (i, 0))
    den_spec = pl.BlockSpec((BR, 128), lambda i: (i, 0))
    outs = jax.ShapeDtypeStruct((N, HID), jnp.float32)
    return pl.pallas_call(
        _finish_proj_body,
        grid=grid,
        in_specs=[half_spec, half_spec, den_spec, row_spec, w_spec, b_spec,
                  w_spec, b_spec, w_spec, b_spec, w_spec, b_spec],
        out_specs=[row_spec] * 4,
        out_shape=[outs] * 4,
    )(agg0, agg1, den, skip, Wq, bq.reshape(1, HID), Wk, bk.reshape(1, HID),
      Wv, bv.reshape(1, HID), Ws, bs.reshape(1, HID))


def _rep16(dtype=jnp.float32):
    j = lax.broadcasted_iota(jnp.int32, (HP, 128), 0)
    i = lax.broadcasted_iota(jnp.int32, (HP, 128), 1)
    return (i // 16 == j).astype(dtype)


def _edge_body(qd_ref, ks_ref, vs_ref, uw0_ref, uw1_ref, exr_ref):
    a = qd_ref[...] * ks_ref[...]
    sel = _head_selector()
    alpha8 = jnp.dot(a, sel, preferred_element_type=jnp.float32) * INV_SQRT_C
    ex8 = jnp.exp(alpha8)
    exr_ref[...] = jnp.dot(ex8, _rep16(), preferred_element_type=jnp.float32)
    rep = _head_replicator()
    exrep = jnp.dot(ex8, rep, preferred_element_type=jnp.float32)
    uw = vs_ref[...] * exrep
    uw0_ref[...] = uw[:, : HID // 2]
    uw1_ref[...] = uw[:, HID // 2:]


def _edge(qd, ks, vs):
    grid = (E // BE,)
    row_spec = pl.BlockSpec((BE, HID), lambda i: (i, 0))
    half_spec = pl.BlockSpec((BE, HID // 2), lambda i: (i, 0))
    ex_spec = pl.BlockSpec((BE, 128), lambda i: (i, 0))
    return pl.pallas_call(
        _edge_body,
        grid=grid,
        in_specs=[row_spec, row_spec, row_spec],
        out_specs=[half_spec, half_spec, ex_spec],
        out_shape=[
            jax.ShapeDtypeStruct((E, HID // 2), jnp.float32),
            jax.ShapeDtypeStruct((E, HID // 2), jnp.float32),
            jax.ShapeDtypeStruct((E, 128), jnp.float32),
        ],
    )(qd, ks, vs)


def _mlp_body(agg0_ref, agg1_ref, den_ref, skip_ref, w0_ref, b0_ref,
              w1_ref, b1_ref, out_ref):
    h = _finish(agg0_ref, agg1_ref, den_ref, skip_ref)
    h = jnp.maximum(
        jnp.dot(h, w0_ref[...], preferred_element_type=jnp.float32) + b0_ref[...], 0.0)
    out_ref[...] = jnp.maximum(
        jnp.dot(h, w1_ref[...], preferred_element_type=jnp.float32) + b1_ref[...], 0.0)


def _mlp(agg0, agg1, den, skip, W0, b0, W1, b1):
    grid = (N // BR,)
    w_spec = pl.BlockSpec((HID, HID), lambda i: (0, 0))
    b_spec = pl.BlockSpec((1, HID), lambda i: (0, 0))
    half_spec = pl.BlockSpec((BR, HID // 2), lambda i: (i, 0))
    row_spec = pl.BlockSpec((BR, HID), lambda i: (i, 0))
    den_spec = pl.BlockSpec((BR, 128), lambda i: (i, 0))
    return pl.pallas_call(
        _mlp_body,
        grid=grid,
        in_specs=[half_spec, half_spec, den_spec, row_spec, w_spec, b_spec,
                  w_spec, b_spec],
        out_specs=row_spec,
        out_shape=jax.ShapeDtypeStruct((N, HID), jnp.float32),
    )(agg0, agg1, den, skip, W0, b0.reshape(1, HID), W1, b1.reshape(1, HID))



_SC_MESH = plsc.VectorSubcoreMesh(core_axis_name="c", subcore_axis_name="s")


def _gather_kernel_body(q_hbm, k_hbm, v_hbm, src_hbm, dst_hbm,
                        qd_out, ks_out, vs_out, idxd, idxs, rows, rows2,
                        rows3, sem1, sem2, sem3):
    wid = lax.axis_index("s") * NC + lax.axis_index("c")
    base = wid * EPW

    def blk(b, carry):
        off = pl.multiple_of(base + b * GB, 8)
        c1 = pltpu.async_copy(dst_hbm.at[pl.ds(off, GB)], idxd, sem1)
        c2 = pltpu.async_copy(src_hbm.at[pl.ds(off, GB)], idxs, sem2)
        c1.wait()
        c2.wait()
        c1 = pltpu.async_copy(q_hbm.at[idxd], rows, sem1)
        c2 = pltpu.async_copy(k_hbm.at[idxs], rows2, sem2)
        c3 = pltpu.async_copy(v_hbm.at[idxs], rows3, sem3)
        c1.wait()
        c2.wait()
        c3.wait()
        c1 = pltpu.async_copy(rows, qd_out.at[pl.ds(off, GB)], sem1)
        c2 = pltpu.async_copy(rows2, ks_out.at[pl.ds(off, GB)], sem2)
        c3 = pltpu.async_copy(rows3, vs_out.at[pl.ds(off, GB)], sem3)
        c1.wait()
        c2.wait()
        c3.wait()
        return carry

    lax.fori_loop(0, EPW // GB, blk, 0)


@functools.partial(
    pl.kernel,
    out_type=[jax.ShapeDtypeStruct((E, HID), jnp.float32)] * 3,
    mesh=_SC_MESH,
    scratch_types=[
        pltpu.VMEM((GB,), jnp.int32),
        pltpu.VMEM((GB,), jnp.int32),
        pltpu.VMEM((GB, HID), jnp.float32),
        pltpu.VMEM((GB, HID), jnp.float32),
        pltpu.VMEM((GB, HID), jnp.float32),
        pltpu.SemaphoreType.DMA,
        pltpu.SemaphoreType.DMA,
        pltpu.SemaphoreType.DMA,
    ],
)
def _gather(q_hbm, k_hbm, v_hbm, src_hbm, dst_hbm, qd_out, ks_out, vs_out,
            idxd, idxs, rows, rows2, rows3, sem1, sem2, sem3):
    _gather_kernel_body(q_hbm, k_hbm, v_hbm, src_hbm, dst_hbm,
                        qd_out, ks_out, vs_out, idxd, idxs, rows, rows2,
                        rows3, sem1, sem2, sem3)


NBLK_N = N // GB


def _sc_add_loop(rows_hbm, dst_hbm, sp, idxv, buf, tid, sem1, sem2):
    def blk(b, carry):
        off = pl.multiple_of(tid * EPT + b * GB, 8)
        c1 = pltpu.async_copy(dst_hbm.at[pl.ds(off, GB)], idxv, sem1)
        c2 = pltpu.async_copy(rows_hbm.at[pl.ds(off, GB)], buf, sem2)
        c1.wait()
        c2.wait()
        pltpu.sync_copy(buf, sp.at[idxv], add=True)
        return carry

    lax.fori_loop(0, EPT // GB, blk, 0)


def _sc_zero_loop(sp, zbuf, tid):
    def zb(b, carry):
        @pl.when(b % NS == tid)
        def _():
            r = pl.multiple_of(b * GB, 8)
            pltpu.sync_copy(zbuf, sp.at[pl.ds(r, GB)])
        return carry

    lax.fori_loop(0, NBLK_N, zb, 0)


def _sc_out_loop(sp, out_hbm, buf, tid):
    def cb(b, carry):
        @pl.when(b % NS == tid)
        def _():
            r = pl.multiple_of(b * GB, 8)
            pltpu.sync_copy(sp.at[pl.ds(r, GB)], buf)
            pltpu.sync_copy(buf, out_hbm.at[pl.ds(r, GB)])
        return carry

    lax.fori_loop(0, NBLK_N, cb, 0)


@functools.partial(
    pl.kernel,
    out_type=[
        jax.ShapeDtypeStruct((N, HID // 2), jnp.float32),
        jax.ShapeDtypeStruct((N, HID // 2), jnp.float32),
        jax.ShapeDtypeStruct((N, 128), jnp.float32),
    ],
    mesh=_SC_MESH,
    scratch_types=[
        pltpu.VMEM((GB,), jnp.int32),
        pltpu.VMEM((GB, 128), jnp.float32),
        pltpu.VMEM((GB, 128), jnp.float32),
        pltpu.VMEM_SHARED((N, 128), jnp.float32),
        pltpu.SemaphoreType.DMA,
        pltpu.SemaphoreType.DMA,
    ],
)
def _scatter(uw0_hbm, uw1_hbm, exr_hbm, dst_hbm, zeros_hbm,
             agg0_out, agg1_out, den_out, idxv, buf, zbuf, sp, sem1, sem2):
    cid = lax.axis_index("c")
    tid = lax.axis_index("s")

    pltpu.sync_copy(zeros_hbm, zbuf)

    _sc_zero_loop(sp, zbuf, tid)
    plsc.subcore_barrier()

    @pl.when(cid == 0)
    def _():
        _sc_add_loop(uw0_hbm, dst_hbm, sp, idxv, buf, tid, sem1, sem2)

    @pl.when(cid == 1)
    def _():
        _sc_add_loop(uw1_hbm, dst_hbm, sp, idxv, buf, tid, sem1, sem2)

    plsc.subcore_barrier()

    @pl.when(cid == 0)
    def _():
        _sc_out_loop(sp, agg0_out, buf, tid)

    @pl.when(cid == 1)
    def _():
        _sc_out_loop(sp, agg1_out, buf, tid)

    plsc.subcore_barrier()

    @pl.when(cid == 0)
    def _():
        _sc_zero_loop(sp, zbuf, tid)
        plsc.subcore_barrier()
        _sc_add_loop(exr_hbm, dst_hbm, sp, idxv, buf, tid, sem1, sem2)
        plsc.subcore_barrier()
        _sc_out_loop(sp, den_out, buf, tid)



def kernel(x, edge_index, l0_Wq, l0_bq, l0_Wk, l0_bk, l0_Wv, l0_bv, l0_Ws,
           l0_bs, l1_Wq, l1_bq, l1_Wk, l1_bk, l1_Wv, l1_bv, l1_Ws, l1_bs,
           mlp0_W, mlp0_b, mlp1_W, mlp1_b):
    src = edge_index[0]
    dst = edge_index[1]
    zeros = jnp.zeros((GB, 128), jnp.float32)

    q, k, v, s0 = _proj(x, l0_Wq, l0_bq, l0_Wk, l0_bk, l0_Wv, l0_bv,
                        l0_Ws, l0_bs)
    qd, ks, vs = _gather(q, k, v, src, dst)
    uw0, uw1, exr = _edge(qd, ks, vs)
    agg0, agg1, den = _scatter(uw0, uw1, exr, dst, zeros)

    q, k, v, s1 = _finish_proj(agg0, agg1, den, s0, l1_Wq, l1_bq, l1_Wk, l1_bk,
                               l1_Wv, l1_bv, l1_Ws, l1_bs)
    qd, ks, vs = _gather(q, k, v, src, dst)
    uw0, uw1, exr = _edge(qd, ks, vs)
    agg0, agg1, den = _scatter(uw0, uw1, exr, dst, zeros)

    return _mlp(agg0, agg1, den, s1, mlp0_W, mlp0_b, mlp1_W, mlp1_b)

# --- scband reference (transcript-rebuilt; emitter-appended) ---
"""Pipeline reference for scband-gnn-74749610819920 (READ-ONLY COPY).

The authoritative reference and input builder live on the scoring server;
editing this copy changes nothing except your own understanding.
"""

import jax, jax.numpy as jnp
import numpy as np

N = 10000
E = 320000
D_IN = 128
HID = 256
HEADS = 8
C = HID // HEADS


def _init_linear(key, fan_in, fan_out):
    kw, _ = jax.random.split(key)
    W = jax.random.normal(kw, (fan_in, fan_out), dtype=jnp.float32) * (1.0 / np.sqrt(fan_in))
    b = jnp.zeros((fan_out,), dtype=jnp.float32)
    return W, b


def setup_inputs(seed=0):
    key = jax.random.key(seed)
    ks = jax.random.split(key, 24)
    inp = {}
    inp['x'] = jax.random.normal(ks[0], (N, D_IN), dtype=jnp.float32)
    inp['edge_index'] = jax.random.randint(ks[1], (2, E), 0, N, dtype=jnp.int32)
    dims = [D_IN, HID]
    i = 2
    for l, din in enumerate(dims):
        for nm in ['Wq', 'Wk', 'Wv', 'Ws']:
            W, b = _init_linear(ks[i], din, HID)
            i += 1
            inp['l%d_%s' % (l, nm)] = W
            inp['l%d_b%s' % (l, nm[1])] = b
    for m in range(2):
        W, b = _init_linear(ks[i], HID, HID)
        i += 1
        inp['mlp%d_W' % m] = W
        inp['mlp%d_b' % m] = b
    return inp


def _transformer_conv(x, src, dst, Wq, bq, Wk, bk, Wv, bv, Ws, bs):
    n = x.shape[0]
    q = (x @ Wq + bq).reshape(n, HEADS, C)
    k = (x @ Wk + bk).reshape(n, HEADS, C)
    v = (x @ Wv + bv).reshape(n, HEADS, C)
    alpha = jnp.sum(q[dst] * k[src], axis=-1) / np.sqrt(C)
    amax = jax.ops.segment_max(alpha, dst, num_segments=n)
    amax = jax.lax.stop_gradient(jnp.where(jnp.isfinite(amax), amax, 0.0))
    ex = jnp.exp(alpha - amax[dst])
    denom = jax.ops.segment_sum(ex, dst, num_segments=n)
    attn = ex / (denom[dst] + 1e-16)
    agg = jax.ops.segment_sum(v[src] * attn[:, :, None], dst, num_segments=n)
    return agg.reshape(n, HID) + x @ Ws + bs


def _forward(x, edge_index, params):
    src, dst = edge_index[0], edge_index[1]
    h = x
    for l in range(2):
        args = [params['l%d_%s' % (l, s)] for s in ['Wq', 'bq', 'Wk', 'bk', 'Wv', 'bv', 'Ws', 'bs']]
        h = _transformer_conv(h, src, dst, *args)
        h = jax.nn.relu(h)
    for m in range(2):
        h = jax.nn.relu(h @ params['mlp%d_W' % m] + params['mlp%d_b' % m])
    return h


def reference(x, edge_index,
              l0_Wq, l0_bq, l0_Wk, l0_bk, l0_Wv, l0_bv, l0_Ws, l0_bs,
              l1_Wq, l1_bq, l1_Wk, l1_bk, l1_Wv, l1_bv, l1_Ws, l1_bs,
              mlp0_W, mlp0_b, mlp1_W, mlp1_b):
    params = {
        'l0_Wq': l0_Wq, 'l0_bq': l0_bq, 'l0_Wk': l0_Wk, 'l0_bk': l0_bk,
        'l0_Wv': l0_Wv, 'l0_bv': l0_bv, 'l0_Ws': l0_Ws, 'l0_bs': l0_bs,
        'l1_Wq': l1_Wq, 'l1_bq': l1_bq, 'l1_Wk': l1_Wk, 'l1_bk': l1_bk,
        'l1_Wv': l1_Wv, 'l1_bv': l1_bv, 'l1_Ws': l1_Ws, 'l1_bs': l1_bs,
        'mlp0_W': mlp0_W, 'mlp0_b': mlp0_b, 'mlp1_W': mlp1_W, 'mlp1_b': mlp1_b,
    }
    return _forward(x, edge_index, params)

if __name__ == "__main__":
    import jax
    _d = setup_inputs()
    print(jax.jit(kernel)(*tuple(_d.values())))

</pallas_src>

<mosaic_0001>
#map = affine_map<(d0, d1) -> (0, 0)>
#map1 = affine_map<(d0, d1) -> (0)>
module attributes {stable_mosaic.version = 14 : i64} {
  func.func @_scatter(%arg0: i32, %arg1: i32, %arg2: memref<320000x128xf32, #tpu.memory_space<hbm>>, %arg3: memref<320000x128xf32, #tpu.memory_space<hbm>>, %arg4: memref<320000x128xf32, #tpu.memory_space<hbm>>, %arg5: memref<320000xi32, #tpu.memory_space<hbm>>, %arg6: memref<80x128xf32, #tpu.memory_space<hbm>>, %arg7: memref<10000x128xf32, #tpu.memory_space<hbm>>, %arg8: memref<10000x128xf32, #tpu.memory_space<hbm>>, %arg9: memref<10000x128xf32, #tpu.memory_space<hbm>>, %arg10: memref<80xi32, #tpu.memory_space<vmem>>, %arg11: memref<80x128xf32, #tpu.memory_space<vmem>>, %arg12: memref<80x128xf32, #tpu.memory_space<vmem>>, %arg13: memref<10000x128xf32, #tpu.memory_space<vmem_shared>>, %arg14: memref<!tpu.dma_semaphore, #tpu.memory_space<semaphore_mem>>, %arg15: memref<!tpu.dma_semaphore, #tpu.memory_space<semaphore_mem>>) attributes {dimension_semantics = [#tpu.dimension_semantics<core_parallel>, #tpu.dimension_semantics<subcore_parallel>], iteration_bounds = array<i64: 2, 16>, scalar_prefetch = 0 : i64, scratch_operands = 6 : i64, tpu.core_type = #tpu.core_type<sc_vector_subcore>, window_params = [{transform_indices = #map}, {transform_indices = #map}, {transform_indices = #map}, {transform_indices = #map1}, {transform_indices = #map}, {transform_indices = #map}, {transform_indices = #map}, {transform_indices = #map}]} {
    "tpu.region"() ({
      %run_scoped3A = tpu.sem_alloc : memref<!tpu.dma_semaphore, #tpu.memory_space<semaphore_mem>>
      tpu.enqueue_dma source(%arg6 : memref<80x128xf32, #tpu.memory_space<hbm>>) target(%arg12 : memref<80x128xf32, #tpu.memory_space<vmem>>) target_semaphore(%run_scoped3A : memref<!tpu.dma_semaphore, #tpu.memory_space<semaphore_mem>>)
      tpu.wait_dma2 semaphore(%run_scoped3A : memref<!tpu.dma_semaphore, #tpu.memory_space<semaphore_mem>>) src(%arg6 : memref<80x128xf32, #tpu.memory_space<hbm>>) dst(%arg12 : memref<80x128xf32, #tpu.memory_space<vmem>>)
      tpu.yield
    }) : () -> ()
    %scan3A = arith.constant 0 : i32
    %scan3A_0 = arith.constant 0 : i32
    %scan3A_1 = arith.constant 125 : i32
    %scan3A_2 = arith.addi %scan3A_0, %scan3A_1 : i32
    %scan3A_3 = arith.constant 1 : i32
    scf.for %scan3A_29 = %scan3A_0 to %scan3A_2 step %scan3A_3  : i32 {
      %jit3A = arith.constant 16 : i32
      %eq3A_30 = arith.constant 0 : i32
      %eq3A_31 = arith.cmpi eq, %jit3A, %eq3A_30 : i32
      %jit3A_32 = arith.constant 1 : i32
      %select_n3A = arith.select %eq3A_31, %jit3A_32, %jit3A : i32
      %rem3A = arith.remsi %scan3A_29, %select_n3A : i32
      %ne3A = arith.constant 0 : i32
      %ne3A_33 = arith.cmpi ne, %rem3A, %ne3A : i32
      %lt3A = arith.constant 0 : i32
      %lt3A_34 = arith.cmpi slt, %rem3A, %lt3A : i32
      %lt3A_35 = arith.constant 0 : i32
      %lt3A_36 = arith.cmpi slt, %select_n3A, %lt3A_35 : i32
      %ne3A_37 = arith.xori %lt3A_34, %lt3A_36 : i1
      %and3A = arith.andi %ne3A_37, %ne3A_33 : i1
      %add3A = arith.addi %rem3A, %select_n3A : i32
      %select_n3A_38 = arith.select %and3A, %add3A, %rem3A : i32
      %eq3A_39 = arith.cmpi eq, %select_n3A_38, %arg1 : i32
      %convert_element_type3A_40 = arith.extui %eq3A_39 : i1 to i32
      %cond3A_41 = arith.constant 0 : i32
      %cond3A_42 = arith.cmpi ne, %convert_element_type3A_40, %cond3A_41 : i32
      scf.if %cond3A_42 {
        %mul3A = arith.constant 80 : i32
        %mul3A_43 = arith.muli %scan3A_29, %mul3A : i32
        %multiple_of3A = tpu.assume_multiple %mul3A_43, 8 : i32
        "tpu.region"() ({
          %run_scoped3A = tpu.sem_alloc : memref<!tpu.dma_semaphore, #tpu.memory_space<semaphore_mem>>
          %dma_start3A = arith.constant 0 : i32
          %dma_start3A_44 = tpu.memref_slice %arg13[%multiple_of3A, %dma_start3A] : memref<10000x128xf32, #tpu.memory_space<vmem_shared>> -> memref<80x128xf32, #tpu.memory_space<vmem_shared>>
          %dma_start3A_45 = arith.constant 0 : i32
          %dma_start3A_46 = tpu.memref_slice %arg13[%multiple_of3A, %dma_start3A_45] : memref<10000x128xf32, #tpu.memory_space<vmem_shared>> -> memref<80x128xf32, #tpu.memory_space<vmem_shared>>
          tpu.enqueue_dma source(%arg12 : memref<80x128xf32, #tpu.memory_space<vmem>>) target(%dma_start3A_46 : memref<80x128xf32, #tpu.memory_space<vmem_shared>>) target_semaphore(%run_scoped3A : memref<!tpu.dma_semaphore, #tpu.memory_space<semaphore_mem>>)
          %dma_wait3A = arith.constant 0 : i32
          %dma_wait3A_47 = tpu.memref_slice %arg13[%multiple_of3A, %dma_wait3A] : memref<10000x128xf32, #tpu.memory_space<vmem_shared>> -> memref<80x128xf32, #tpu.memory_space<vmem_shared>>
          %dma_wait3A_48 = arith.constant 0 : i32
          %dma_wait3A_49 = tpu.memref_slice %arg13[%multiple_of3A, %dma_wait3A_48] : memref<10000x128xf32, #tpu.memory_space<vmem_shared>> -> memref<80x128xf32, #tpu.memory_space<vmem_shared>>
          tpu.wait_dma2 semaphore(%run_scoped3A : memref<!tpu.dma_semaphore, #tpu.memory_space<semaphore_mem>>) src(%arg12 : memref<80x128xf32, #tpu.memory_space<vmem>>) dst(%dma_wait3A_49 : memref<80x128xf32, #tpu.memory_space<vmem_shared>>)
          tpu.yield
        }) : () -> ()
      } else {
      }
    }
    %scan3A_4 = arith.constant 125 : i32
    %barrier3A = arith.constant 0 : index
    tpu.barrier barrier_id(%barrier3A)
    %eq3A = arith.constant 0 : i32
    %eq3A_5 = arith.cmpi eq, %arg0, %eq3A : i32
    %convert_element_type3A = arith.extui %eq3A_5 : i1 to i32
    %cond3A = arith.constant 0 : i32
    %cond3A_6 = arith.cmpi ne, %convert_element_type3A, %cond3A : i32
    scf.if %cond3A_6 {
      %scan3A_29 = arith.constant 0 : i32
      %scan3A_30 = arith.constant 0 : i32
      %scan3A_31 = arith.constant 250 : i32
      %scan3A_32 = arith.addi %scan3A_30, %scan3A_31 : i32
      %scan3A_33 = arith.constant 1 : i32
      scf.for %scan3A_35 = %scan3A_30 to %scan3A_32 step %scan3A_33  : i32 {
        %mul3A = arith.constant 20000 : i32
        %mul3A_36 = arith.muli %arg1, %mul3A : i32
        %mul3A_37 = arith.constant 80 : i32
        %mul3A_38 = arith.muli %scan3A_35, %mul3A_37 : i32
        %add3A = arith.addi %mul3A_36, %mul3A_38 : i32
        %multiple_of3A = tpu.assume_multiple %add3A, 8 : i32
        %dma_start3A = tpu.memref_slice %arg5[%multiple_of3A] : memref<320000xi32, #tpu.memory_space<hbm>> -> memref<80xi32, #tpu.memory_space<hbm>>
        %dma_start3A_39 = tpu.memref_slice %arg5[%multiple_of3A] : memref<320000xi32, #tpu.memory_space<hbm>> -> memref<80xi32, #tpu.memory_space<hbm>>
        tpu.enqueue_dma source(%dma_start3A_39 : memref<80xi32, #tpu.memory_space<hbm>>) target(%arg10 : memref<80xi32, #tpu.memory_space<vmem>>) target_semaphore(%arg14 : memref<!tpu.dma_semaphore, #tpu.memory_space<semaphore_mem>>)
        %dma_start3A_40 = arith.constant 0 : i32
        %dma_start3A_41 = tpu.memref_slice %arg2[%multiple_of3A, %dma_start3A_40] : memref<320000x128xf32, #tpu.memory_space<hbm>> -> memref<80x128xf32, #tpu.memory_space<hbm>>
        %dma_start3A_42 = arith.constant 0 : i32
        %dma_start3A_43 = tpu.memref_slice %arg2[%multiple_of3A, %dma_start3A_42] : memref<320000x128xf32, #tpu.memory_space<hbm>> -> memref<80x128xf32, #tpu.memory_space<hbm>>
        tpu.enqueue_dma source(%dma_start3A_43 : memref<80x128xf32, #tpu.memory_space<hbm>>) target(%arg11 : memref<80x128xf32, #tpu.memory_space<vmem>>) target_semaphore(%arg15 : memref<!tpu.dma_semaphore, #tpu.memory_space<semaphore_mem>>)
        %dma_wait3A = tpu.memref_slice %arg5[%multiple_of3A] : memref<320000xi32, #tpu.memory_space<hbm>> -> memref<80xi32, #tpu.memory_space<hbm>>
        %dma_wait3A_44 = tpu.memref_slice %arg5[%multiple_of3A] : memref<320000xi32, #tpu.memory_space<hbm>> -> memref<80xi32, #tpu.memory_space<hbm>>
        tpu.wait_dma2 semaphore(%arg14 : memref<!tpu.dma_semaphore, #tpu.memory_space<semaphore_mem>>) src(%dma_wait3A_44 : memref<80xi32, #tpu.memory_space<hbm>>) dst(%arg10 : memref<80xi32, #tpu.memory_space<vmem>>)
        %dma_wait3A_45 = arith.constant 0 : i32
        %dma_wait3A_46 = tpu.memref_slice %arg2[%multiple_of3A, %dma_wait3A_45] : memref<320000x128xf32, #tpu.memory_space<hbm>> -> memref<80x128xf32, #tpu.memory_space<hbm>>
        %dma_wait3A_47 = arith.constant 0 : i32
        %dma_wait3A_48 = tpu.memref_slice %arg2[%multiple_of3A, %dma_wait3A_47] : memref<320000x128xf32, #tpu.memory_space<hbm>> -> memref<80x128xf32, #tpu.memory_space<hbm>>
        tpu.wait_dma2 semaphore(%arg15 : memref<!tpu.dma_semaphore, #tpu.memory_space<semaphore_mem>>) src(%dma_wait3A_48 : memref<80x128xf32, #tpu.memory_space<hbm>>) dst(%arg11 : memref<80x128xf32, #tpu.memory_space<vmem>>)
        "tpu.region"() ({
          %run_scoped3A = tpu.sem_alloc : memref<!tpu.dma_semaphore, #tpu.memory_space<semaphore_mem>>
          %dma_start3A_49 = arith.constant 0 : i32
          %dma_start3A_50 = arith.constant 0 : i32
          %dma_start3A_51 = tpu.memref_slice %arg13[%dma_start3A_49, %dma_start3A_50] : memref<10000x128xf32, #tpu.memory_space<vmem_shared>> -> memref<10000x128xf32, #tpu.memory_space<vmem_shared>>
          tpu.enqueue_indirect_dma source(%arg11 : memref<80x128xf32, #tpu.memory_space<vmem>>) target(%dma_start3A_51 : memref<10000x128xf32, #tpu.memory_space<vmem_shared>>) offsets(%arg10 : memref<80xi32, #tpu.memory_space<vmem>>) semaphore(%run_scoped3A : memref<!tpu.dma_semaphore, #tpu.memory_space<semaphore_mem>>) {add = true}
          %dma_wait3A_52 = arith.constant 0 : i32
          %dma_wait3A_53 = arith.constant 0 : i32
          %dma_wait3A_54 = tpu.memref_slice %arg13[%dma_wait3A_52, %dma_wait3A_53] : memref<10000x128xf32, #tpu.memory_space<vmem_shared>> -> memref<10000x128xf32, #tpu.memory_space<vmem_shared>>
          tpu.wait_indirect_dma semaphore(%run_scoped3A : memref<!tpu.dma_semaphore, #tpu.memory_space<semaphore_mem>>) src(%arg11 : memref<80x128xf32, #tpu.memory_space<vmem>>) dst(%dma_wait3A_54 : memref<10000x128xf32, #tpu.memory_space<vmem_shared>>)
          tpu.yield
        }) : () -> ()
      }
      %scan3A_34 = arith.constant 250 : i32
    } else {
    }
    %eq3A_7 = arith.constant 1 : i32
    %eq3A_8 = arith.cmpi eq, %arg0, %eq3A_7 : i32
    %convert_element_type3A_9 = arith.extui %eq3A_8 : i1 to i32
    %cond3A_10 = arith.constant 0 : i32
    %cond3A_11 = arith.cmpi ne, %convert_element_type3A_9, %cond3A_10 : i32
    scf.if %cond3A_11 {
      %scan3A_29 = arith.constant 0 : i32
      %scan3A_30 = arith.constant 0 : i32
      %scan3A_31 = arith.constant 250 : i32
      %scan3A_32 = arith.addi %scan3A_30, %scan3A_31 : i32
      %scan3A_33 = arith.constant 1 : i32
      scf.for %scan3A_35 = %scan3A_30 to %scan3A_32 step %scan3A_33  : i32 {
        %mul3A = arith.constant 20000 : i32
        %mul3A_36 = arith.muli %arg1, %mul3A : i32
        %mul3A_37 = arith.constant 80 : i32
        %mul3A_38 = arith.muli %scan3A_35, %mul3A_37 : i32
        %add3A = arith.addi %mul3A_36, %mul3A_38 : i32
        %multiple_of3A = tpu.assume_multiple %add3A, 8 : i32
        %dma_start3A = tpu.memref_slice %arg5[%multiple_of3A] : memref<320000xi32, #tpu.memory_space<hbm>> -> memref<80xi32, #tpu.memory_space<hbm>>
        %dma_start3A_39 = tpu.memref_slice %arg5[%multiple_of3A] : memref<320000xi32, #tpu.memory_space<hbm>> -> memref<80xi32, #tpu.memory_space<hbm>>
        tpu.enqueue_dma source(%dma_start3A_39 : memref<80xi32, #tpu.memory_space<hbm>>) target(%arg10 : memref<80xi32, #tpu.memory_space<vmem>>) target_semaphore(%arg14 : memref<!tpu.dma_semaphore, #tpu.memory_space<semaphore_mem>>)
        %dma_start3A_40 = arith.constant 0 : i32
        %dma_start3A_41 = tpu.memref_slice %arg3[%multiple_of3A, %dma_start3A_40] : memref<320000x128xf32, #tpu.memory_space<hbm>> -> memref<80x128xf32, #tpu.memory_space<hbm>>
        %dma_start3A_42 = arith.constant 0 : i32
        %dma_start3A_43 = tpu.memref_slice %arg3[%multiple_of3A, %dma_start3A_42] : memref<320000x128xf32, #tpu.memory_space<hbm>> -> memref<80x128xf32, #tpu.memory_space<hbm>>
        tpu.enqueue_dma source(%dma_start3A_43 : memref<80x128xf32, #tpu.memory_space<hbm>>) target(%arg11 : memref<80x128xf32, #tpu.memory_space<vmem>>) target_semaphore(%arg15 : memref<!tpu.dma_semaphore, #tpu.memory_space<semaphore_mem>>)
        %dma_wait3A = tpu.memref_slice %arg5[%multiple_of3A] : memref<320000xi32, #tpu.memory_space<hbm>> -> memref<80xi32, #tpu.memory_space<hbm>>
        %dma_wait3A_44 = tpu.memref_slice %arg5[%multiple_of3A] : memref<320000xi32, #tpu.memory_space<hbm>> -> memref<80xi32, #tpu.memory_space<hbm>>
        tpu.wait_dma2 semaphore(%arg14 : memref<!tpu.dma_semaphore, #tpu.memory_space<semaphore_mem>>) src(%dma_wait3A_44 : memref<80xi32, #tpu.memory_space<hbm>>) dst(%arg10 : memref<80xi32, #tpu.memory_space<vmem>>)
        %dma_wait3A_45 = arith.constant 0 : i32
        %dma_wait3A_46 = tpu.memref_slice %arg3[%multiple_of3A, %dma_wait3A_45] : memref<320000x128xf32, #tpu.memory_space<hbm>> -> memref<80x128xf32, #tpu.memory_space<hbm>>
        %dma_wait3A_47 = arith.constant 0 : i32
        %dma_wait3A_48 = tpu.memref_slice %arg3[%multiple_of3A, %dma_wait3A_47] : memref<320000x128xf32, #tpu.memory_space<hbm>> -> memref<80x128xf32, #tpu.memory_space<hbm>>
        tpu.wait_dma2 semaphore(%arg15 : memref<!tpu.dma_semaphore, #tpu.memory_space<semaphore_mem>>) src(%dma_wait3A_48 : memref<80x128xf32, #tpu.memory_space<hbm>>) dst(%arg11 : memref<80x128xf32, #tpu.memory_space<vmem>>)
        "tpu.region"() ({
          %run_scoped3A = tpu.sem_alloc : memref<!tpu.dma_semaphore, #tpu.memory_space<semaphore_mem>>
          %dma_start3A_49 = arith.constant 0 : i32
          %dma_start3A_50 = arith.constant 0 : i32
          %dma_start3A_51 = tpu.memref_slice %arg13[%dma_start3A_49, %dma_start3A_50] : memref<10000x128xf32, #tpu.memory_space<vmem_shared>> -> memref<10000x128xf32, #tpu.memory_space<vmem_shared>>
          tpu.enqueue_indirect_dma source(%arg11 : memref<80x128xf32, #tpu.memory_space<vmem>>) target(%dma_start3A_51 : memref<10000x128xf32, #tpu.memory_space<vmem_shared>>) offsets(%arg10 : memref<80xi32, #tpu.memory_space<vmem>>) semaphore(%run_scoped3A : memref<!tpu.dma_semaphore, #tpu.memory_space<semaphore_mem>>) {add = true}
          %dma_wait3A_52 = arith.constant 0 : i32
          %dma_wait3A_53 = arith.constant 0 : i32
          %dma_wait3A_54 = tpu.memref_slice %arg13[%dma_wait3A_52, %dma_wait3A_53] : memref<10000x128xf32, #tpu.memory_space<vmem_shared>> -> memref<10000x128xf32, #tpu.memory_space<vmem_shared>>
          tpu.wait_indirect_dma semaphore(%run_scoped3A : memref<!tpu.dma_semaphore, #tpu.memory_space<semaphore_mem>>) src(%arg11 : memref<80x128xf32, #tpu.memory_space<vmem>>) dst(%dma_wait3A_54 : memref<10000x128xf32, #tpu.memory_space<vmem_shared>>)
          tpu.yield
        }) : () -> ()
      }
      %scan3A_34 = arith.constant 250 : i32
    } else {
    }
    %barrier3A_12 = arith.constant 0 : index
    tpu.barrier barrier_id(%barrier3A_12)
    %eq3A_13 = arith.constant 0 : i32
    %eq3A_14 = arith.cmpi eq, %arg0, %eq3A_13 : i32
    %convert_element_type3A_15 = arith.extui %eq3A_14 : i1 to i32
    %cond3A_16 = arith.constant 0 : i32
    %cond3A_17 = arith.cmpi ne, %convert_element_type3A_15, %cond3A_16 : i32
    scf.if %cond3A_17 {
      %scan3A_29 = arith.constant 0 : i32
      %scan3A_30 = arith.constant 0 : i32
      %scan3A_31 = arith.constant 125 : i32
      %scan3A_32 = arith.addi %scan3A_30, %scan3A_31 : i32
      %scan3A_33 = arith.constant 1 : i32
      scf.for %scan3A_35 = %scan3A_30 to %scan3A_32 step %scan3A_33  : i32 {
        %jit3A = arith.constant 16 : i32
        %eq3A_36 = arith.constant 0 : i32
        %eq3A_37 = arith.cmpi eq, %jit3A, %eq3A_36 : i32
        %jit3A_38 = arith.constant 1 : i32
        %select_n3A = arith.select %eq3A_37, %jit3A_38, %jit3A : i32
        %rem3A = arith.remsi %scan3A_35, %select_n3A : i32
        %ne3A = arith.constant 0 : i32
        %ne3A_39 = arith.cmpi ne, %rem3A, %ne3A : i32
        %lt3A = arith.constant 0 : i32
        %lt3A_40 = arith.cmpi slt, %rem3A, %lt3A : i32
        %lt3A_41 = arith.constant 0 : i32
        %lt3A_42 = arith.cmpi slt, %select_n3A, %lt3A_41 : i32
        %ne3A_43 = arith.xori %lt3A_40, %lt3A_42 : i1
        %and3A = arith.andi %ne3A_43, %ne3A_39 : i1
        %add3A = arith.addi %rem3A, %select_n3A : i32
        %select_n3A_44 = arith.select %and3A, %add3A, %rem3A : i32
        %eq3A_45 = arith.cmpi eq, %select_n3A_44, %arg1 : i32
        %convert_element_type3A_46 = arith.extui %eq3A_45 : i1 to i32
        %cond3A_47 = arith.constant 0 : i32
        %cond3A_48 = arith.cmpi ne, %convert_element_type3A_46, %cond3A_47 : i32
        scf.if %cond3A_48 {
          %mul3A = arith.constant 80 : i32
          %mul3A_49 = arith.muli %scan3A_35, %mul3A : i32
          %multiple_of3A = tpu.assume_multiple %mul3A_49, 8 : i32
          "tpu.region"() ({
            %run_scoped3A = tpu.sem_alloc : memref<!tpu.dma_semaphore, #tpu.memory_space<semaphore_mem>>
            %dma_start3A = arith.constant 0 : i32
            %dma_start3A_50 = tpu.memref_slice %arg13[%multiple_of3A, %dma_start3A] : memref<10000x128xf32, #tpu.memory_space<vmem_shared>> -> memref<80x128xf32, #tpu.memory_space<vmem_shared>>
            %dma_start3A_51 = arith.constant 0 : i32
            %dma_start3A_52 = tpu.memref_slice %arg13[%multiple_of3A, %dma_start3A_51] : memref<10000x128xf32, #tpu.memory_space<vmem_shared>> -> memref<80x128xf32, #tpu.memory_space<vmem_shared>>
            tpu.enqueue_dma source(%dma_start3A_52 : memref<80x128xf32, #tpu.memory_space<vmem_shared>>) target(%arg11 : memref<80x128xf32, #tpu.memory_space<vmem>>) target_semaphore(%run_scoped3A : memref<!tpu.dma_semaphore, #tpu.memory_space<semaphore_mem>>)
            %dma_wait3A = arith.constant 0 : i32
            %dma_wait3A_53 = tpu.memref_slice %arg13[%multiple_of3A, %dma_wait3A] : memref<10000x128xf32, #tpu.memory_space<vmem_shared>> -> memref<80x128xf32, #tpu.memory_space<vmem_shared>>
            %dma_wait3A_54 = arith.constant 0 : i32
            %dma_wait3A_55 = tpu.memref_slice %arg13[%multiple_of3A, %dma_wait3A_54] : memref<10000x128xf32, #tpu.memory_space<vmem_shared>> -> memref<80x128xf32, #tpu.memory_space<vmem_shared>>
            tpu.wait_dma2 semaphore(%run_scoped3A : memref<!tpu.dma_semaphore, #tpu.memory_space<semaphore_mem>>) src(%dma_wait3A_55 : memref<80x128xf32, #tpu.memory_space<vmem_shared>>) dst(%arg11 : memref<80x128xf32, #tpu.memory_space<vmem>>)
            tpu.yield
          }) : () -> ()
          "tpu.region"() ({
            %run_scoped3A = tpu.sem_alloc : memref<!tpu.dma_semaphore, #tpu.memory_space<semaphore_mem>>
            %dma_start3A = arith.constant 0 : i32
            %dma_start3A_50 = tpu.memref_slice %arg7[%multiple_of3A, %dma_start3A] : memref<10000x128xf32, #tpu.memory_space<hbm>> -> memref<80x128xf32, #tpu.memory_space<hbm>>
            %dma_start3A_51 = arith.constant 0 : i32
            %dma_start3A_52 = tpu.memref_slice %arg7[%multiple_of3A, %dma_start3A_51] : memref<10000x128xf32, #tpu.memory_space<hbm>> -> memref<80x128xf32, #tpu.memory_space<hbm>>
            tpu.enqueue_dma source(%arg11 : memref<80x128xf32, #tpu.memory_space<vmem>>) target(%dma_start3A_52 : memref<80x128xf32, #tpu.memory_space<hbm>>) target_semaphore(%run_scoped3A : memref<!tpu.dma_semaphore, #tpu.memory_space<semaphore_mem>>)
            %dma_wait3A = arith.constant 0 : i32
            %dma_wait3A_53 = tpu.memref_slice %arg7[%multiple_of3A, %dma_wait3A] : memref<10000x128xf32, #tpu.memory_space<hbm>> -> memref<80x128xf32, #tpu.memory_space<hbm>>
            %dma_wait3A_54 = arith.constant 0 : i32
            %dma_wait3A_55 = tpu.memref_slice %arg7[%multiple_of3A, %dma_wait3A_54] : memref<10000x128xf32, #tpu.memory_space<hbm>> -> memref<80x128xf32, #tpu.memory_space<hbm>>
            tpu.wait_dma2 semaphore(%run_scoped3A : memref<!tpu.dma_semaphore, #tpu.memory_space<semaphore_mem>>) src(%arg11 : memref<80x128xf32, #tpu.memory_space<vmem>>) dst(%dma_wait3A_55 : memref<80x128xf32, #tpu.memory_space<hbm>>)
            tpu.yield
          }) : () -> ()
        } else {
        }
      }
      %scan3A_34 = arith.constant 125 : i32
    } else {
    }
    %eq3A_18 = arith.constant 1 : i32
    %eq3A_19 = arith.cmpi eq, %arg0, %eq3A_18 : i32
    %convert_element_type3A_20 = arith.extui %eq3A_19 : i1 to i32
    %cond3A_21 = arith.constant 0 : i32
    %cond3A_22 = arith.cmpi ne, %convert_element_type3A_20, %cond3A_21 : i32
    scf.if %cond3A_22 {
      %scan3A_29 = arith.constant 0 : i32
      %scan3A_30 = arith.constant 0 : i32
      %scan3A_31 = arith.constant 125 : i32
      %scan3A_32 = arith.addi %scan3A_30, %scan3A_31 : i32
      %scan3A_33 = arith.constant 1 : i32
      scf.for %scan3A_35 = %scan3A_30 to %scan3A_32 step %scan3A_33  : i32 {
        %jit3A = arith.constant 16 : i32
        %eq3A_36 = arith.constant 0 : i32
        %eq3A_37 = arith.cmpi eq, %jit3A, %eq3A_36 : i32
        %jit3A_38 = arith.constant 1 : i32
        %select_n3A = arith.select %eq3A_37, %jit3A_38, %jit3A : i32
        %rem3A = arith.remsi %scan3A_35, %select_n3A : i32
        %ne3A = arith.constant 0 : i32
        %ne3A_39 = arith.cmpi ne, %rem3A, %ne3A : i32
        %lt3A = arith.constant 0 : i32
        %lt3A_40 = arith.cmpi slt, %rem3A, %lt3A : i32
        %lt3A_41 = arith.constant 0 : i32
        %lt3A_42 = arith.cmpi slt, %select_n3A, %lt3A_41 : i32
        %ne3A_43 = arith.xori %lt3A_40, %lt3A_42 : i1
        %and3A = arith.andi %ne3A_43, %ne3A_39 : i1
        %add3A = arith.addi %rem3A, %select_n3A : i32
        %select_n3A_44 = arith.select %and3A, %add3A, %rem3A : i32
        %eq3A_45 = arith.cmpi eq, %select_n3A_44, %arg1 : i32
        %convert_element_type3A_46 = arith.extui %eq3A_45 : i1 to i32
        %cond3A_47 = arith.constant 0 : i32
        %cond3A_48 = arith.cmpi ne, %convert_element_type3A_46, %cond3A_47 : i32
        scf.if %cond3A_48 {
          %mul3A = arith.constant 80 : i32
          %mul3A_49 = arith.muli %scan3A_35, %mul3A : i32
          %multiple_of3A = tpu.assume_multiple %mul3A_49, 8 : i32
          "tpu.region"() ({
            %run_scoped3A = tpu.sem_alloc : memref<!tpu.dma_semaphore, #tpu.memory_space<semaphore_mem>>
            %dma_start3A = arith.constant 0 : i32
            %dma_start3A_50 = tpu.memref_slice %arg13[%multiple_of3A, %dma_start3A] : memref<10000x128xf32, #tpu.memory_space<vmem_shared>> -> memref<80x128xf32, #tpu.memory_space<vmem_shared>>
            %dma_start3A_51 = arith.constant 0 : i32
            %dma_start3A_52 = tpu.memref_slice %arg13[%multiple_of3A, %dma_start3A_51] : memref<10000x128xf32, #tpu.memory_space<vmem_shared>> -> memref<80x128xf32, #tpu.memory_space<vmem_shared>>
            tpu.enqueue_dma source(%dma_start3A_52 : memref<80x128xf32, #tpu.memory_space<vmem_shared>>) target(%arg11 : memref<80x128xf32, #tpu.memory_space<vmem>>) target_semaphore(%run_scoped3A : memref<!tpu.dma_semaphore, #tpu.memory_space<semaphore_mem>>)
            %dma_wait3A = arith.constant 0 : i32
            %dma_wait3A_53 = tpu.memref_slice %arg13[%multiple_of3A, %dma_wait3A] : memref<10000x128xf32, #tpu.memory_space<vmem_shared>> -> memref<80x128xf32, #tpu.memory_space<vmem_shared>>
            %dma_wait3A_54 = arith.constant 0 : i32
            %dma_wait3A_55 = tpu.memref_slice %arg13[%multiple_of3A, %dma_wait3A_54] : memref<10000x128xf32, #tpu.memory_space<vmem_shared>> -> memref<80x128xf32, #tpu.memory_space<vmem_shared>>
            tpu.wait_dma2 semaphore(%run_scoped3A : memref<!tpu.dma_semaphore, #tpu.memory_space<semaphore_mem>>) src(%dma_wait3A_55 : memref<80x128xf32, #tpu.memory_space<vmem_shared>>) dst(%arg11 : memref<80x128xf32, #tpu.memory_space<vmem>>)
            tpu.yield
          }) : () -> ()
          "tpu.region"() ({
            %run_scoped3A = tpu.sem_alloc : memref<!tpu.dma_semaphore, #tpu.memory_space<semaphore_mem>>
            %dma_start3A = arith.constant 0 : i32
            %dma_start3A_50 = tpu.memref_slice %arg8[%multiple_of3A, %dma_start3A] : memref<10000x128xf32, #tpu.memory_space<hbm>> -> memref<80x128xf32, #tpu.memory_space<hbm>>
            %dma_start3A_51 = arith.constant 0 : i32
            %dma_start3A_52 = tpu.memref_slice %arg8[%multiple_of3A, %dma_start3A_51] : memref<10000x128xf32, #tpu.memory_space<hbm>> -> memref<80x128xf32, #tpu.memory_space<hbm>>
            tpu.enqueue_dma source(%arg11 : memref<80x128xf32, #tpu.memory_space<vmem>>) target(%dma_start3A_52 : memref<80x128xf32, #tpu.memory_space<hbm>>) target_semaphore(%run_scoped3A : memref<!tpu.dma_semaphore, #tpu.memory_space<semaphore_mem>>)
            %dma_wait3A = arith.constant 0 : i32
            %dma_wait3A_53 = tpu.memref_slice %arg8[%multiple_of3A, %dma_wait3A] : memref<10000x128xf32, #tpu.memory_space<hbm>> -> memref<80x128xf32, #tpu.memory_space<hbm>>
            %dma_wait3A_54 = arith.constant 0 : i32
            %dma_wait3A_55 = tpu.memref_slice %arg8[%multiple_of3A, %dma_wait3A_54] : memref<10000x128xf32, #tpu.memory_space<hbm>> -> memref<80x128xf32, #tpu.memory_space<hbm>>
            tpu.wait_dma2 semaphore(%run_scoped3A : memref<!tpu.dma_semaphore, #tpu.memory_space<semaphore_mem>>) src(%arg11 : memref<80x128xf32, #tpu.memory_space<vmem>>) dst(%dma_wait3A_55 : memref<80x128xf32, #tpu.memory_space<hbm>>)
            tpu.yield
          }) : () -> ()
        } else {
        }
      }
      %scan3A_34 = arith.constant 125 : i32
    } else {
    }
    %barrier3A_23 = arith.constant 0 : index
    tpu.barrier barrier_id(%barrier3A_23)
    %eq3A_24 = arith.constant 0 : i32
    %eq3A_25 = arith.cmpi eq, %arg0, %eq3A_24 : i32
    %convert_element_type3A_26 = arith.extui %eq3A_25 : i1 to i32
    %cond3A_27 = arith.constant 0 : i32
    %cond3A_28 = arith.cmpi ne, %convert_element_type3A_26, %cond3A_27 : i32
    scf.if %cond3A_28 {
      %scan3A_29 = arith.constant 0 : i32
      %scan3A_30 = arith.constant 0 : i32
      %scan3A_31 = arith.constant 125 : i32
      %scan3A_32 = arith.addi %scan3A_30, %scan3A_31 : i32
      %scan3A_33 = arith.constant 1 : i32
      scf.for %scan3A_49 = %scan3A_30 to %scan3A_32 step %scan3A_33  : i32 {
        %jit3A = arith.constant 16 : i32
        %eq3A_50 = arith.constant 0 : i32
        %eq3A_51 = arith.cmpi eq, %jit3A, %eq3A_50 : i32
        %jit3A_52 = arith.constant 1 : i32
        %select_n3A = arith.select %eq3A_51, %jit3A_52, %jit3A : i32
        %rem3A = arith.remsi %scan3A_49, %select_n3A : i32
        %ne3A = arith.constant 0 : i32
        %ne3A_53 = arith.cmpi ne, %rem3A, %ne3A : i32
        %lt3A = arith.constant 0 : i32
        %lt3A_54 = arith.cmpi slt, %rem3A, %lt3A : i32
        %lt3A_55 = arith.constant 0 : i32
        %lt3A_56 = arith.cmpi slt, %select_n3A, %lt3A_55 : i32
        %ne3A_57 = arith.xori %lt3A_54, %lt3A_56 : i1
        %and3A = arith.andi %ne3A_57, %ne3A_53 : i1
        %add3A = arith.addi %rem3A, %select_n3A : i32
        %select_n3A_58 = arith.select %and3A, %add3A, %rem3A : i32
        %eq3A_59 = arith.cmpi eq, %select_n3A_58, %arg1 : i32
        %convert_element_type3A_60 = arith.extui %eq3A_59 : i1 to i32
        %cond3A_61 = arith.constant 0 : i32
        %cond3A_62 = arith.cmpi ne, %convert_element_type3A_60, %cond3A_61 : i32
        scf.if %cond3A_62 {
          %mul3A = arith.constant 80 : i32
          %mul3A_63 = arith.muli %scan3A_49, %mul3A : i32
          %multiple_of3A = tpu.assume_multiple %mul3A_63, 8 : i32
          "tpu.region"() ({
            %run_scoped3A = tpu.sem_alloc : memref<!tpu.dma_semaphore, #tpu.memory_space<semaphore_mem>>
            %dma_start3A = arith.constant 0 : i32
            %dma_start3A_64 = tpu.memref_slice %arg13[%multiple_of3A, %dma_start3A] : memref<10000x128xf32, #tpu.memory_space<vmem_shared>> -> memref<80x128xf32, #tpu.memory_space<vmem_shared>>
            %dma_start3A_65 = arith.constant 0 : i32
            %dma_start3A_66 = tpu.memref_slice %arg13[%multiple_of3A, %dma_start3A_65] : memref<10000x128xf32, #tpu.memory_space<vmem_shared>> -> memref<80x128xf32, #tpu.memory_space<vmem_shared>>
            tpu.enqueue_dma source(%arg12 : memref<80x128xf32, #tpu.memory_space<vmem>>) target(%dma_start3A_66 : memref<80x128xf32, #tpu.memory_space<vmem_shared>>) target_semaphore(%run_scoped3A : memref<!tpu.dma_semaphore, #tpu.memory_space<semaphore_mem>>)
            %dma_wait3A = arith.constant 0 : i32
            %dma_wait3A_67 = tpu.memref_slice %arg13[%multiple_of3A, %dma_wait3A] : memref<10000x128xf32, #tpu.memory_space<vmem_shared>> -> memref<80x128xf32, #tpu.memory_space<vmem_shared>>
            %dma_wait3A_68 = arith.constant 0 : i32
            %dma_wait3A_69 = tpu.memref_slice %arg13[%multiple_of3A, %dma_wait3A_68] : memref<10000x128xf32, #tpu.memory_space<vmem_shared>> -> memref<80x128xf32, #tpu.memory_space<vmem_shared>>
            tpu.wait_dma2 semaphore(%run_scoped3A : memref<!tpu.dma_semaphore, #tpu.memory_space<semaphore_mem>>) src(%arg12 : memref<80x128xf32, #tpu.memory_space<vmem>>) dst(%dma_wait3A_69 : memref<80x128xf32, #tpu.memory_space<vmem_shared>>)
            tpu.yield
          }) : () -> ()
        } else {
        }
      }
      %scan3A_34 = arith.constant 125 : i32
      %barrier3A_35 = arith.constant 0 : index
      tpu.barrier barrier_id(%barrier3A_35)
      %scan3A_36 = arith.constant 0 : i32
      %scan3A_37 = arith.constant 0 : i32
      %scan3A_38 = arith.constant 250 : i32
      %scan3A_39 = arith.addi %scan3A_37, %scan3A_38 : i32
      %scan3A_40 = arith.constant 1 : i32
      scf.for %scan3A_49 = %scan3A_37 to %scan3A_39 step %scan3A_40  : i32 {
        %mul3A = arith.constant 20000 : i32
        %mul3A_50 = arith.muli %arg1, %mul3A : i32
        %mul3A_51 = arith.constant 80 : i32
        %mul3A_52 = arith.muli %scan3A_49, %mul3A_51 : i32
        %add3A = arith.addi %mul3A_50, %mul3A_52 : i32
        %multiple_of3A = tpu.assume_multiple %add3A, 8 : i32
        %dma_start3A = tpu.memref_slice %arg5[%multiple_of3A] : memref<320000xi32, #tpu.memory_space<hbm>> -> memref<80xi32, #tpu.memory_space<hbm>>
        %dma_start3A_53 = tpu.memref_slice %arg5[%multiple_of3A] : memref<320000xi32, #tpu.memory_space<hbm>> -> memref<80xi32, #tpu.memory_space<hbm>>
        tpu.enqueue_dma source(%dma_start3A_53 : memref<80xi32, #tpu.memory_space<hbm>>) target(%arg10 : memref<80xi32, #tpu.memory_space<vmem>>) target_semaphore(%arg14 : memref<!tpu.dma_semaphore, #tpu.memory_space<semaphore_mem>>)
        %dma_start3A_54 = arith.constant 0 : i32
        %dma_start3A_55 = tpu.memref_slice %arg4[%multiple_of3A, %dma_start3A_54] : memref<320000x128xf32, #tpu.memory_space<hbm>> -> memref<80x128xf32, #tpu.memory_space<hbm>>
        %dma_start3A_56 = arith.constant 0 : i32
        %dma_start3A_57 = tpu.memref_slice %arg4[%multiple_of3A, %dma_start3A_56] : memref<320000x128xf32, #tpu.memory_space<hbm>> -> memref<80x128xf32, #tpu.memory_space<hbm>>
        tpu.enqueue_dma source(%dma_start3A_57 : memref<80x128xf32, #tpu.memory_space<hbm>>) target(%arg11 : memref<80x128xf32, #tpu.memory_space<vmem>>) target_semaphore(%arg15 : memref<!tpu.dma_semaphore, #tpu.memory_space<semaphore_mem>>)
        %dma_wait3A = tpu.memref_slice %arg5[%multiple_of3A] : memref<320000xi32, #tpu.memory_space<hbm>> -> memref<80xi32, #tpu.memory_space<hbm>>
        %dma_wait3A_58 = tpu.memref_slice %arg5[%multiple_of3A] : memref<320000xi32, #tpu.memory_space<hbm>> -> memref<80xi32, #tpu.memory_space<hbm>>
        tpu.wait_dma2 semaphore(%arg14 : memref<!tpu.dma_semaphore, #tpu.memory_space<semaphore_mem>>) src(%dma_wait3A_58 : memref<80xi32, #tpu.memory_space<hbm>>) dst(%arg10 : memref<80xi32, #tpu.memory_space<vmem>>)
        %dma_wait3A_59 = arith.constant 0 : i32
        %dma_wait3A_60 = tpu.memref_slice %arg4[%multiple_of3A, %dma_wait3A_59] : memref<320000x128xf32, #tpu.memory_space<hbm>> -> memref<80x128xf32, #tpu.memory_space<hbm>>
        %dma_wait3A_61 = arith.constant 0 : i32
        %dma_wait3A_62 = tpu.memref_slice %arg4[%multiple_of3A, %dma_wait3A_61] : memref<320000x128xf32, #tpu.memory_space<hbm>> -> memref<80x128xf32, #tpu.memory_space<hbm>>
        tpu.wait_dma2 semaphore(%arg15 : memref<!tpu.dma_semaphore, #tpu.memory_space<semaphore_mem>>) src(%dma_wait3A_62 : memref<80x128xf32, #tpu.memory_space<hbm>>) dst(%arg11 : memref<80x128xf32, #tpu.memory_space<vmem>>)
        "tpu.region"() ({
          %run_scoped3A = tpu.sem_alloc : memref<!tpu.dma_semaphore, #tpu.memory_space<semaphore_mem>>
          %dma_start3A_63 = arith.constant 0 : i32
          %dma_start3A_64 = arith.constant 0 : i32
          %dma_start3A_65 = tpu.memref_slice %arg13[%dma_start3A_63, %dma_start3A_64] : memref<10000x128xf32, #tpu.memory_space<vmem_shared>> -> memref<10000x128xf32, #tpu.memory_space<vmem_shared>>
          tpu.enqueue_indirect_dma source(%arg11 : memref<80x128xf32, #tpu.memory_space<vmem>>) target(%dma_start3A_65 : memref<10000x128xf32, #tpu.memory_space<vmem_shared>>) offsets(%arg10 : memref<80xi32, #tpu.memory_space<vmem>>) semaphore(%run_scoped3A : memref<!tpu.dma_semaphore, #tpu.memory_space<semaphore_mem>>) {add = true}
          %dma_wait3A_66 = arith.constant 0 : i32
          %dma_wait3A_67 = arith.constant 0 : i32
          %dma_wait3A_68 = tpu.memref_slice %arg13[%dma_wait3A_66, %dma_wait3A_67] : memref<10000x128xf32, #tpu.memory_space<vmem_shared>> -> memref<10000x128xf32, #tpu.memory_space<vmem_shared>>
          tpu.wait_indirect_dma semaphore(%run_scoped3A : memref<!tpu.dma_semaphore, #tpu.memory_space<semaphore_mem>>) src(%arg11 : memref<80x128xf32, #tpu.memory_space<vmem>>) dst(%dma_wait3A_68 : memref<10000x128xf32, #tpu.memory_space<vmem_shared>>)
          tpu.yield
        }) : () -> ()
      }
      %scan3A_41 = arith.constant 250 : i32
      %barrier3A_42 = arith.constant 0 : index
      tpu.barrier barrier_id(%barrier3A_42)
      %scan3A_43 = arith.constant 0 : i32
      %scan3A_44 = arith.constant 0 : i32
      %scan3A_45 = arith.constant 125 : i32
      %scan3A_46 = arith.addi %scan3A_44, %scan3A_45 : i32
      %scan3A_47 = arith.constant 1 : i32
      scf.for %scan3A_49 = %scan3A_44 to %scan3A_46 step %scan3A_47  : i32 {
        %jit3A = arith.constant 16 : i32
        %eq3A_50 = arith.constant 0 : i32
        %eq3A_51 = arith.cmpi eq, %jit3A, %eq3A_50 : i32
        %jit3A_52 = arith.constant 1 : i32
        %select_n3A = arith.select %eq3A_51, %jit3A_52, %jit3A : i32
        %rem3A = arith.remsi %scan3A_49, %select_n3A : i32
        %ne3A = arith.constant 0 : i32
        %ne3A_53 = arith.cmpi ne, %rem3A, %ne3A : i32
        %lt3A = arith.constant 0 : i32
        %lt3A_54 = arith.cmpi slt, %rem3A, %lt3A : i32
        %lt3A_55 = arith.constant 0 : i32
        %lt3A_56 = arith.cmpi slt, %select_n3A, %lt3A_55 : i32
        %ne3A_57 = arith.xori %lt3A_54, %lt3A_56 : i1
        %and3A = arith.andi %ne3A_57, %ne3A_53 : i1
        %add3A = arith.addi %rem3A, %select_n3A : i32
        %select_n3A_58 = arith.select %and3A, %add3A, %rem3A : i32
        %eq3A_59 = arith.cmpi eq, %select_n3A_58, %arg1 : i32
        %convert_element_type3A_60 = arith.extui %eq3A_59 : i1 to i32
        %cond3A_61 = arith.constant 0 : i32
        %cond3A_62 = arith.cmpi ne, %convert_element_type3A_60, %cond3A_61 : i32
        scf.if %cond3A_62 {
          %mul3A = arith.constant 80 : i32
          %mul3A_63 = arith.muli %scan3A_49, %mul3A : i32
          %multiple_of3A = tpu.assume_multiple %mul3A_63, 8 : i32
          "tpu.region"() ({
            %run_scoped3A = tpu.sem_alloc : memref<!tpu.dma_semaphore, #tpu.memory_space<semaphore_mem>>
            %dma_start3A = arith.constant 0 : i32
            %dma_start3A_64 = tpu.memref_slice %arg13[%multiple_of3A, %dma_start3A] : memref<10000x128xf32, #tpu.memory_space<vmem_shared>> -> memref<80x128xf32, #tpu.memory_space<vmem_shared>>
            %dma_start3A_65 = arith.constant 0 : i32
            %dma_start3A_66 = tpu.memref_slice %arg13[%multiple_of3A, %dma_start3A_65] : memref<10000x128xf32, #tpu.memory_space<vmem_shared>> -> memref<80x128xf32, #tpu.memory_space<vmem_shared>>
            tpu.enqueue_dma source(%dma_start3A_66 : memref<80x128xf32, #tpu.memory_space<vmem_shared>>) target(%arg11 : memref<80x128xf32, #tpu.memory_space<vmem>>) target_semaphore(%run_scoped3A : memref<!tpu.dma_semaphore, #tpu.memory_space<semaphore_mem>>)
            %dma_wait3A = arith.constant 0 : i32
            %dma_wait3A_67 = tpu.memref_slice %arg13[%multiple_of3A, %dma_wait3A] : memref<10000x128xf32, #tpu.memory_space<vmem_shared>> -> memref<80x128xf32, #tpu.memory_space<vmem_shared>>
            %dma_wait3A_68 = arith.constant 0 : i32
            %dma_wait3A_69 = tpu.memref_slice %arg13[%multiple_of3A, %dma_wait3A_68] : memref<10000x128xf32, #tpu.memory_space<vmem_shared>> -> memref<80x128xf32, #tpu.memory_space<vmem_shared>>
            tpu.wait_dma2 semaphore(%run_scoped3A : memref<!tpu.dma_semaphore, #tpu.memory_space<semaphore_mem>>) src(%dma_wait3A_69 : memref<80x128xf32, #tpu.memory_space<vmem_shared>>) dst(%arg11 : memref<80x128xf32, #tpu.memory_space<vmem>>)
            tpu.yield
          }) : () -> ()
          "tpu.region"() ({
            %run_scoped3A = tpu.sem_alloc : memref<!tpu.dma_semaphore, #tpu.memory_space<semaphore_mem>>
            %dma_start3A = arith.constant 0 : i32
            %dma_start3A_64 = tpu.memref_slice %arg9[%multiple_of3A, %dma_start3A] : memref<10000x128xf32, #tpu.memory_space<hbm>> -> memref<80x128xf32, #tpu.memory_space<hbm>>
            %dma_start3A_65 = arith.constant 0 : i32
            %dma_start3A_66 = tpu.memref_slice %arg9[%multiple_of3A, %dma_start3A_65] : memref<10000x128xf32, #tpu.memory_space<hbm>> -> memref<80x128xf32, #tpu.memory_space<hbm>>
            tpu.enqueue_dma source(%arg11 : memref<80x128xf32, #tpu.memory_space<vmem>>) target(%dma_start3A_66 : memref<80x128xf32, #tpu.memory_space<hbm>>) target_semaphore(%run_scoped3A : memref<!tpu.dma_semaphore, #tpu.memory_space<semaphore_mem>>)
            %dma_wait3A = arith.constant 0 : i32
            %dma_wait3A_67 = tpu.memref_slice %arg9[%multiple_of3A, %dma_wait3A] : memref<10000x128xf32, #tpu.memory_space<hbm>> -> memref<80x128xf32, #tpu.memory_space<hbm>>
            %dma_wait3A_68 = arith.constant 0 : i32
            %dma_wait3A_69 = tpu.memref_slice %arg9[%multiple_of3A, %dma_wait3A_68] : memref<10000x128xf32, #tpu.memory_space<hbm>> -> memref<80x128xf32, #tpu.memory_space<hbm>>
            tpu.wait_dma2 semaphore(%run_scoped3A : memref<!tpu.dma_semaphore, #tpu.memory_space<semaphore_mem>>) src(%arg11 : memref<80x128xf32, #tpu.memory_space<vmem>>) dst(%dma_wait3A_69 : memref<80x128xf32, #tpu.memory_space<hbm>>)
            tpu.yield
          }) : () -> ()
        } else {
        }
      }
      %scan3A_48 = arith.constant 125 : i32
    } else {
    }
    return
  }
}

#map = affine_map<(d0, d1) -> (0, 0)>
#map1 = affine_map<(d0, d1) -> (0)>
module attributes {stable_mosaic.version = 14 : i64} {
  func.func @_scatter(%arg0: i32, %arg1: i32, %arg2: memref<320000x128xf32, #tpu.memory_space<hbm>>, %arg3: memref<320000x128xf32, #tpu.memory_space<hbm>>, %arg4: memref<320000x128xf32, #tpu.memory_space<hbm>>, %arg5: memref<320000xi32, #tpu.memory_space<hbm>>, %arg6: memref<80x128xf32, #tpu.memory_space<hbm>>, %arg7: memref<10000x128xf32, #tpu.memory_space<hbm>>, %arg8: memref<10000x128xf32, #tpu.memory_space<hbm>>, %arg9: memref<10000x128xf32, #tpu.memory_space<hbm>>, %arg10: memref<80xi32, #tpu.memory_space<vmem>>, %arg11: memref<80x128xf32, #tpu.memory_space<vmem>>, %arg12: memref<80x128xf32, #tpu.memory_space<vmem>>, %arg13: memref<10000x128xf32, #tpu.memory_space<vmem_shared>>, %arg14: memref<!tpu.dma_semaphore, #tpu.memory_space<semaphore_mem>>, %arg15: memref<!tpu.dma_semaphore, #tpu.memory_space<semaphore_mem>>) attributes {dimension_semantics = [#tpu.dimension_semantics<core_parallel>, #tpu.dimension_semantics<subcore_parallel>], iteration_bounds = array<i64: 2, 16>, scalar_prefetch = 0 : i64, scratch_operands = 6 : i64, tpu.core_type = #tpu.core_type<sc_vector_subcore>, window_params = [{transform_indices = #map}, {transform_indices = #map}, {transform_indices = #map}, {transform_indices = #map1}, {transform_indices = #map}, {transform_indices = #map}, {transform_indices = #map}, {transform_indices = #map}]} {
    "tpu.region"() ({
      %run_scoped3A = tpu.sem_alloc : memref<!tpu.dma_semaphore, #tpu.memory_space<semaphore_mem>>
      tpu.enqueue_dma source(%arg6 : memref<80x128xf32, #tpu.memory_space<hbm>>) target(%arg12 : memref<80x128xf32, #tpu.memory_space<vmem>>) target_semaphore(%run_scoped3A : memref<!tpu.dma_semaphore, #tpu.memory_space<semaphore_mem>>)
      tpu.wait_dma2 semaphore(%run_scoped3A : memref<!tpu.dma_semaphore, #tpu.memory_space<semaphore_mem>>) src(%arg6 : memref<80x128xf32, #tpu.memory_space<hbm>>) dst(%arg12 : memref<80x128xf32, #tpu.memory_space<vmem>>)
      tpu.yield
    }) : () -> ()
    %scan3A = arith.constant 0 : i32
    %scan3A_0 = arith.constant 0 : i32
    %scan3A_1 = arith.constant 125 : i32
    %scan3A_2 = arith.addi %scan3A_0, %scan3A_1 : i32
    %scan3A_3 = arith.constant 1 : i32
    scf.for %scan3A_29 = %scan3A_0 to %scan3A_2 step %scan3A_3  : i32 {
      %jit3A = arith.constant 16 : i32
      %eq3A_30 = arith.constant 0 : i32
      %eq3A_31 = arith.cmpi eq, %jit3A, %eq3A_30 : i32
      %jit3A_32 = arith.constant 1 : i32
      %select_n3A = arith.select %eq3A_31, %jit3A_32, %jit3A : i32
      %rem3A = arith.remsi %scan3A_29, %select_n3A : i32
      %ne3A = arith.constant 0 : i32
      %ne3A_33 = arith.cmpi ne, %rem3A, %ne3A : i32
      %lt3A = arith.constant 0 : i32
      %lt3A_34 = arith.cmpi slt, %rem3A, %lt3A : i32
      %lt3A_35 = arith.constant 0 : i32
      %lt3A_36 = arith.cmpi slt, %select_n3A, %lt3A_35 : i32
      %ne3A_37 = arith.xori %lt3A_34, %lt3A_36 : i1
      %and3A = arith.andi %ne3A_37, %ne3A_33 : i1
      %add3A = arith.addi %rem3A, %select_n3A : i32
      %select_n3A_38 = arith.select %and3A, %add3A, %rem3A : i32
      %eq3A_39 = arith.cmpi eq, %select_n3A_38, %arg1 : i32
      %convert_element_type3A_40 = arith.extui %eq3A_39 : i1 to i32
      %cond3A_41 = arith.constant 0 : i32
      %cond3A_42 = arith.cmpi ne, %convert_element_type3A_40, %cond3A_41 : i32
      scf.if %cond3A_42 {
        %mul3A = arith.constant 80 : i32
        %mul3A_43 = arith.muli %scan3A_29, %mul3A : i32
        %multiple_of3A = tpu.assume_multiple %mul3A_43, 8 : i32
        "tpu.region"() ({
          %run_scoped3A = tpu.sem_alloc : memref<!tpu.dma_semaphore, #tpu.memory_space<semaphore_mem>>
          %dma_start3A = arith.constant 0 : i32
          %dma_start3A_44 = tpu.memref_slice %arg13[%multiple_of3A, %dma_start3A] : memref<10000x128xf32, #tpu.memory_space<vmem_shared>> -> memref<80x128xf32, #tpu.memory_space<vmem_shared>>
          %dma_start3A_45 = arith.constant 0 : i32
          %dma_start3A_46 = tpu.memref_slice %arg13[%multiple_of3A, %dma_start3A_45] : memref<10000x128xf32, #tpu.memory_space<vmem_shared>> -> memref<80x128xf32, #tpu.memory_space<vmem_shared>>
          tpu.enqueue_dma source(%arg12 : memref<80x128xf32, #tpu.memory_space<vmem>>) target(%dma_start3A_46 : memref<80x128xf32, #tpu.memory_space<vmem_shared>>) target_semaphore(%run_scoped3A : memref<!tpu.dma_semaphore, #tpu.memory_space<semaphore_mem>>)
          %dma_wait3A = arith.constant 0 : i32
          %dma_wait3A_47 = tpu.memref_slice %arg13[%multiple_of3A, %dma_wait3A] : memref<10000x128xf32, #tpu.memory_space<vmem_shared>> -> memref<80x128xf32, #tpu.memory_space<vmem_shared>>
          %dma_wait3A_48 = arith.constant 0 : i32
          %dma_wait3A_49 = tpu.memref_slice %arg13[%multiple_of3A, %dma_wait3A_48] : memref<10000x128xf32, #tpu.memory_space<vmem_shared>> -> memref<80x128xf32, #tpu.memory_space<vmem_shared>>
          tpu.wait_dma2 semaphore(%run_scoped3A : memref<!tpu.dma_semaphore, #tpu.memory_space<semaphore_mem>>) src(%arg12 : memref<80x128xf32, #tpu.memory_space<vmem>>) dst(%dma_wait3A_49 : memref<80x128xf32, #tpu.memory_space<vmem_shared>>)
          tpu.yield
        }) : () -> ()
      } else {
      }
    }
    %scan3A_4 = arith.constant 125 : i32
    %barrier3A = arith.constant 0 : index
    tpu.barrier barrier_id(%barrier3A)
    %eq3A = arith.constant 0 : i32
    %eq3A_5 = arith.cmpi eq, %arg0, %eq3A : i32
    %convert_element_type3A = arith.extui %eq3A_5 : i1 to i32
    %cond3A = arith.constant 0 : i32
    %cond3A_6 = arith.cmpi ne, %convert_element_type3A, %cond3A : i32
    scf.if %cond3A_6 {
      %scan3A_29 = arith.constant 0 : i32
      %scan3A_30 = arith.constant 0 : i32
      %scan3A_31 = arith.constant 250 : i32
      %scan3A_32 = arith.addi %scan3A_30, %scan3A_31 : i32
      %scan3A_33 = arith.constant 1 : i32
      scf.for %scan3A_35 = %scan3A_30 to %scan3A_32 step %scan3A_33  : i32 {
        %mul3A = arith.constant 20000 : i32
        %mul3A_36 = arith.muli %arg1, %mul3A : i32
        %mul3A_37 = arith.constant 80 : i32
        %mul3A_38 = arith.muli %scan3A_35, %mul3A_37 : i32
        %add3A = arith.addi %mul3A_36, %mul3A_38 : i32
        %multiple_of3A = tpu.assume_multiple %add3A, 8 : i32
        %dma_start3A = tpu.memref_slice %arg5[%multiple_of3A] : memref<320000xi32, #tpu.memory_space<hbm>> -> memref<80xi32, #tpu.memory_space<hbm>>
        %dma_start3A_39 = tpu.memref_slice %arg5[%multiple_of3A] : memref<320000xi32, #tpu.memory_space<hbm>> -> memref<80xi32, #tpu.memory_space<hbm>>
        tpu.enqueue_dma source(%dma_start3A_39 : memref<80xi32, #tpu.memory_space<hbm>>) target(%arg10 : memref<80xi32, #tpu.memory_space<vmem>>) target_semaphore(%arg14 : memref<!tpu.dma_semaphore, #tpu.memory_space<semaphore_mem>>)
        %dma_start3A_40 = arith.constant 0 : i32
        %dma_start3A_41 = tpu.memref_slice %arg2[%multiple_of3A, %dma_start3A_40] : memref<320000x128xf32, #tpu.memory_space<hbm>> -> memref<80x128xf32, #tpu.memory_space<hbm>>
        %dma_start3A_42 = arith.constant 0 : i32
        %dma_start3A_43 = tpu.memref_slice %arg2[%multiple_of3A, %dma_start3A_42] : memref<320000x128xf32, #tpu.memory_space<hbm>> -> memref<80x128xf32, #tpu.memory_space<hbm>>
        tpu.enqueue_dma source(%dma_start3A_43 : memref<80x128xf32, #tpu.memory_space<hbm>>) target(%arg11 : memref<80x128xf32, #tpu.memory_space<vmem>>) target_semaphore(%arg15 : memref<!tpu.dma_semaphore, #tpu.memory_space<semaphore_mem>>)
        %dma_wait3A = tpu.memref_slice %arg5[%multiple_of3A] : memref<320000xi32, #tpu.memory_space<hbm>> -> memref<80xi32, #tpu.memory_space<hbm>>
        %dma_wait3A_44 = tpu.memref_slice %arg5[%multiple_of3A] : memref<320000xi32, #tpu.memory_space<hbm>> -> memref<80xi32, #tpu.memory_space<hbm>>
        tpu.wait_dma2 semaphore(%arg14 : memref<!tpu.dma_semaphore, #tpu.memory_space<semaphore_mem>>) src(%dma_wait3A_44 : memref<80xi32, #tpu.memory_space<hbm>>) dst(%arg10 : memref<80xi32, #tpu.memory_space<vmem>>)
        %dma_wait3A_45 = arith.constant 0 : i32
        %dma_wait3A_46 = tpu.memref_slice %arg2[%multiple_of3A, %dma_wait3A_45] : memref<320000x128xf32, #tpu.memory_space<hbm>> -> memref<80x128xf32, #tpu.memory_space<hbm>>
        %dma_wait3A_47 = arith.constant 0 : i32
        %dma_wait3A_48 = tpu.memref_slice %arg2[%multiple_of3A, %dma_wait3A_47] : memref<320000x128xf32, #tpu.memory_space<hbm>> -> memref<80x128xf32, #tpu.memory_space<hbm>>
        tpu.wait_dma2 semaphore(%arg15 : memref<!tpu.dma_semaphore, #tpu.memory_space<semaphore_mem>>) src(%dma_wait3A_48 : memref<80x128xf32, #tpu.memory_space<hbm>>) dst(%arg11 : memref<80x128xf32, #tpu.memory_space<vmem>>)
        "tpu.region"() ({
          %run_scoped3A = tpu.sem_alloc : memref<!tpu.dma_semaphore, #tpu.memory_space<semaphore_mem>>
          %dma_start3A_49 = arith.constant 0 : i32
          %dma_start3A_50 = arith.constant 0 : i32
          %dma_start3A_51 = tpu.memref_slice %arg13[%dma_start3A_49, %dma_start3A_50] : memref<10000x128xf32, #tpu.memory_space<vmem_shared>> -> memref<10000x128xf32, #tpu.memory_space<vmem_shared>>
          tpu.enqueue_indirect_dma source(%arg11 : memref<80x128xf32, #tpu.memory_space<vmem>>) target(%dma_start3A_51 : memref<10000x128xf32, #tpu.memory_space<vmem_shared>>) offsets(%arg10 : memref<80xi32, #tpu.memory_space<vmem>>) semaphore(%run_scoped3A : memref<!tpu.dma_semaphore, #tpu.memory_space<semaphore_mem>>) {add = true}
          %dma_wait3A_52 = arith.constant 0 : i32
          %dma_wait3A_53 = arith.constant 0 : i32
          %dma_wait3A_54 = tpu.memref_slice %arg13[%dma_wait3A_52, %dma_wait3A_53] : memref<10000x128xf32, #tpu.memory_space<vmem_shared>> -> memref<10000x128xf32, #tpu.memory_space<vmem_shared>>
          tpu.wait_indirect_dma semaphore(%run_scoped3A : memref<!tpu.dma_semaphore, #tpu.memory_space<semaphore_mem>>) src(%arg11 : memref<80x128xf32, #tpu.memory_space<vmem>>) dst(%dma_wait3A_54 : memref<10000x128xf32, #tpu.memory_space<vmem_shared>>)
          tpu.yield
        }) : () -> ()
      }
      %scan3A_34 = arith.constant 250 : i32
    } else {
    }
    %eq3A_7 = arith.constant 1 : i32
    %eq3A_8 = arith.cmpi eq, %arg0, %eq3A_7 : i32
    %convert_element_type3A_9 = arith.extui %eq3A_8 : i1 to i32
    %cond3A_10 = arith.constant 0 : i32
    %cond3A_11 = arith.cmpi ne, %convert_element_type3A_9, %cond3A_10 : i32
    scf.if %cond3A_11 {
      %scan3A_29 = arith.constant 0 : i32
      %scan3A_30 = arith.constant 0 : i32
      %scan3A_31 = arith.constant 250 : i32
      %scan3A_32 = arith.addi %scan3A_30, %scan3A_31 : i32
      %scan3A_33 = arith.constant 1 : i32
      scf.for %scan3A_35 = %scan3A_30 to %scan3A_32 step %scan3A_33  : i32 {
        %mul3A = arith.constant 20000 : i32
        %mul3A_36 = arith.muli %arg1, %mul3A : i32
        %mul3A_37 = arith.constant 80 : i32
        %mul3A_38 = arith.muli %scan3A_35, %mul3A_37 : i32
        %add3A = arith.addi %mul3A_36, %mul3A_38 : i32
        %multiple_of3A = tpu.assume_multiple %add3A, 8 : i32
        %dma_start3A = tpu.memref_slice %arg5[%multiple_of3A] : memref<320000xi32, #tpu.memory_space<hbm>> -> memref<80xi32, #tpu.memory_space<hbm>>
        %dma_start3A_39 = tpu.memref_slice %arg5[%multiple_of3A] : memref<320000xi32, #tpu.memory_space<hbm>> -> memref<80xi32, #tpu.memory_space<hbm>>
        tpu.enqueue_dma source(%dma_start3A_39 : memref<80xi32, #tpu.memory_space<hbm>>) target(%arg10 : memref<80xi32, #tpu.memory_space<vmem>>) target_semaphore(%arg14 : memref<!tpu.dma_semaphore, #tpu.memory_space<semaphore_mem>>)
        %dma_start3A_40 = arith.constant 0 : i32
        %dma_start3A_41 = tpu.memref_slice %arg3[%multiple_of3A, %dma_start3A_40] : memref<320000x128xf32, #tpu.memory_space<hbm>> -> memref<80x128xf32, #tpu.memory_space<hbm>>
        %dma_start3A_42 = arith.constant 0 : i32
        %dma_start3A_43 = tpu.memref_slice %arg3[%multiple_of3A, %dma_start3A_42] : memref<320000x128xf32, #tpu.memory_space<hbm>> -> memref<80x128xf32, #tpu.memory_space<hbm>>
        tpu.enqueue_dma source(%dma_start3A_43 : memref<80x128xf32, #tpu.memory_space<hbm>>) target(%arg11 : memref<80x128xf32, #tpu.memory_space<vmem>>) target_semaphore(%arg15 : memref<!tpu.dma_semaphore, #tpu.memory_space<semaphore_mem>>)
        %dma_wait3A = tpu.memref_slice %arg5[%multiple_of3A] : memref<320000xi32, #tpu.memory_space<hbm>> -> memref<80xi32, #tpu.memory_space<hbm>>
        %dma_wait3A_44 = tpu.memref_slice %arg5[%multiple_of3A] : memref<320000xi32, #tpu.memory_space<hbm>> -> memref<80xi32, #tpu.memory_space<hbm>>
        tpu.wait_dma2 semaphore(%arg14 : memref<!tpu.dma_semaphore, #tpu.memory_space<semaphore_mem>>) src(%dma_wait3A_44 : memref<80xi32, #tpu.memory_space<hbm>>) dst(%arg10 : memref<80xi32, #tpu.memory_space<vmem>>)
        %dma_wait3A_45 = arith.constant 0 : i32
        %dma_wait3A_46 = tpu.memref_slice %arg3[%multiple_of3A, %dma_wait3A_45] : memref<320000x128xf32, #tpu.memory_space<hbm>> -> memref<80x128xf32, #tpu.memory_space<hbm>>
        %dma_wait3A_47 = arith.constant 0 : i32
        %dma_wait3A_48 = tpu.memref_slice %arg3[%multiple_of3A, %dma_wait3A_47] : memref<320000x128xf32, #tpu.memory_space<hbm>> -> memref<80x128xf32, #tpu.memory_space<hbm>>
        tpu.wait_dma2 semaphore(%arg15 : memref<!tpu.dma_semaphore, #tpu.memory_space<semaphore_mem>>) src(%dma_wait3A_48 : memref<80x128xf32, #tpu.memory_space<hbm>>) dst(%arg11 : memref<80x128xf32, #tpu.memory_space<vmem>>)
        "tpu.region"() ({
          %run_scoped3A = tpu.sem_alloc : memref<!tpu.dma_semaphore, #tpu.memory_space<semaphore_mem>>
          %dma_start3A_49 = arith.constant 0 : i32
          %dma_start3A_50 = arith.constant 0 : i32
          %dma_start3A_51 = tpu.memref_slice %arg13[%dma_start3A_49, %dma_start3A_50] : memref<10000x128xf32, #tpu.memory_space<vmem_shared>> -> memref<10000x128xf32, #tpu.memory_space<vmem_shared>>
          tpu.enqueue_indirect_dma source(%arg11 : memref<80x128xf32, #tpu.memory_space<vmem>>) target(%dma_start3A_51 : memref<10000x128xf32, #tpu.memory_space<vmem_shared>>) offsets(%arg10 : memref<80xi32, #tpu.memory_space<vmem>>) semaphore(%run_scoped3A : memref<!tpu.dma_semaphore, #tpu.memory_space<semaphore_mem>>) {add = true}
          %dma_wait3A_52 = arith.constant 0 : i32
          %dma_wait3A_53 = arith.constant 0 : i32
          %dma_wait3A_54 = tpu.memref_slice %arg13[%dma_wait3A_52, %dma_wait3A_53] : memref<10000x128xf32, #tpu.memory_space<vmem_shared>> -> memref<10000x128xf32, #tpu.memory_space<vmem_shared>>
          tpu.wait_indirect_dma semaphore(%run_scoped3A : memref<!tpu.dma_semaphore, #tpu.memory_space<semaphore_mem>>) src(%arg11 : memref<80x128xf32, #tpu.memory_space<vmem>>) dst(%dma_wait3A_54 : memref<10000x128xf32, #tpu.memory_space<vmem_shared>>)
          tpu.yield
        }) : () -> ()
      }
      %scan3A_34 = arith.constant 250 : i32
    } else {
    }
    %barrier3A_12 = arith.constant 0 : index
    tpu.barrier barrier_id(%barrier3A_12)
    %eq3A_13 = arith.constant 0 : i32
    %eq3A_14 = arith.cmpi eq, %arg0, %eq3A_13 : i32
    %convert_element_type3A_15 = arith.extui %eq3A_14 : i1 to i32
    %cond3A_16 = arith.constant 0 : i32
    %cond3A_17 = arith.cmpi ne, %convert_element_type3A_15, %cond3A_16 : i32
    scf.if %cond3A_17 {
      %scan3A_29 = arith.constant 0 : i32
      %scan3A_30 = arith.constant 0 : i32
      %scan3A_31 = arith.constant 125 : i32
      %scan3A_32 = arith.addi %scan3A_30, %scan3A_31 : i32
      %scan3A_33 = arith.constant 1 : i32
      scf.for %scan3A_35 = %scan3A_30 to %scan3A_32 step %scan3A_33  : i32 {
        %jit3A = arith.constant 16 : i32
        %eq3A_36 = arith.constant 0 : i32
        %eq3A_37 = arith.cmpi eq, %jit3A, %eq3A_36 : i32
        %jit3A_38 = arith.constant 1 : i32
        %select_n3A = arith.select %eq3A_37, %jit3A_38, %jit3A : i32
        %rem3A = arith.remsi %scan3A_35, %select_n3A : i32
        %ne3A = arith.constant 0 : i32
        %ne3A_39 = arith.cmpi ne, %rem3A, %ne3A : i32
        %lt3A = arith.constant 0 : i32
        %lt3A_40 = arith.cmpi slt, %rem3A, %lt3A : i32
        %lt3A_41 = arith.constant 0 : i32
        %lt3A_42 = arith.cmpi slt, %select_n3A, %lt3A_41 : i32
        %ne3A_43 = arith.xori %lt3A_40, %lt3A_42 : i1
        %and3A = arith.andi %ne3A_43, %ne3A_39 : i1
        %add3A = arith.addi %rem3A, %select_n3A : i32
        %select_n3A_44 = arith.select %and3A, %add3A, %rem3A : i32
        %eq3A_45 = arith.cmpi eq, %select_n3A_44, %arg1 : i32
        %convert_element_type3A_46 = arith.extui %eq3A_45 : i1 to i32
        %cond3A_47 = arith.constant 0 : i32
        %cond3A_48 = arith.cmpi ne, %convert_element_type3A_46, %cond3A_47 : i32
        scf.if %cond3A_48 {
          %mul3A = arith.constant 80 : i32
          %mul3A_49 = arith.muli %scan3A_35, %mul3A : i32
          %multiple_of3A = tpu.assume_multiple %mul3A_49, 8 : i32
          "tpu.region"() ({
            %run_scoped3A = tpu.sem_alloc : memref<!tpu.dma_semaphore, #tpu.memory_space<semaphore_mem>>
            %dma_start3A = arith.constant 0 : i32
            %dma_start3A_50 = tpu.memref_slice %arg13[%multiple_of3A, %dma_start3A] : memref<10000x128xf32, #tpu.memory_space<vmem_shared>> -> memref<80x128xf32, #tpu.memory_space<vmem_shared>>
            %dma_start3A_51 = arith.constant 0 : i32
            %dma_start3A_52 = tpu.memref_slice %arg13[%multiple_of3A, %dma_start3A_51] : memref<10000x128xf32, #tpu.memory_space<vmem_shared>> -> memref<80x128xf32, #tpu.memory_space<vmem_shared>>
            tpu.enqueue_dma source(%dma_start3A_52 : memref<80x128xf32, #tpu.memory_space<vmem_shared>>) target(%arg11 : memref<80x128xf32, #tpu.memory_space<vmem>>) target_semaphore(%run_scoped3A : memref<!tpu.dma_semaphore, #tpu.memory_space<semaphore_mem>>)
            %dma_wait3A = arith.constant 0 : i32
            %dma_wait3A_53 = tpu.memref_slice %arg13[%multiple_of3A, %dma_wait3A] : memref<10000x128xf32, #tpu.memory_space<vmem_shared>> -> memref<80x128xf32, #tpu.memory_space<vmem_shared>>
            %dma_wait3A_54 = arith.constant 0 : i32
            %dma_wait3A_55 = tpu.memref_slice %arg13[%multiple_of3A, %dma_wait3A_54] : memref<10000x128xf32, #tpu.memory_space<vmem_shared>> -> memref<80x128xf32, #tpu.memory_space<vmem_shared>>
            tpu.wait_dma2 semaphore(%run_scoped3A : memref<!tpu.dma_semaphore, #tpu.memory_space<semaphore_mem>>) src(%dma_wait3A_55 : memref<80x128xf32, #tpu.memory_space<vmem_shared>>) dst(%arg11 : memref<80x128xf32, #tpu.memory_space<vmem>>)
            tpu.yield
          }) : () -> ()
          "tpu.region"() ({
            %run_scoped3A = tpu.sem_alloc : memref<!tpu.dma_semaphore, #tpu.memory_space<semaphore_mem>>
            %dma_start3A = arith.constant 0 : i32
            %dma_start3A_50 = tpu.memref_slice %arg7[%multiple_of3A, %dma_start3A] : memref<10000x128xf32, #tpu.memory_space<hbm>> -> memref<80x128xf32, #tpu.memory_space<hbm>>
            %dma_start3A_51 = arith.constant 0 : i32
            %dma_start3A_52 = tpu.memref_slice %arg7[%multiple_of3A, %dma_start3A_51] : memref<10000x128xf32, #tpu.memory_space<hbm>> -> memref<80x128xf32, #tpu.memory_space<hbm>>
            tpu.enqueue_dma source(%arg11 : memref<80x128xf32, #tpu.memory_space<vmem>>) target(%dma_start3A_52 : memref<80x128xf32, #tpu.memory_space<hbm>>) target_semaphore(%run_scoped3A : memref<!tpu.dma_semaphore, #tpu.memory_space<semaphore_mem>>)
            %dma_wait3A = arith.constant 0 : i32
            %dma_wait3A_53 = tpu.memref_slice %arg7[%multiple_of3A, %dma_wait3A] : memref<10000x128xf32, #tpu.memory_space<hbm>> -> memref<80x128xf32, #tpu.memory_space<hbm>>
            %dma_wait3A_54 = arith.constant 0 : i32
            %dma_wait3A_55 = tpu.memref_slice %arg7[%multiple_of3A, %dma_wait3A_54] : memref<10000x128xf32, #tpu.memory_space<hbm>> -> memref<80x128xf32, #tpu.memory_space<hbm>>
            tpu.wait_dma2 semaphore(%run_scoped3A : memref<!tpu.dma_semaphore, #tpu.memory_space<semaphore_mem>>) src(%arg11 : memref<80x128xf32, #tpu.memory_space<vmem>>) dst(%dma_wait3A_55 : memref<80x128xf32, #tpu.memory_space<hbm>>)
            tpu.yield
          }) : () -> ()
        } else {
        }
      }
      %scan3A_34 = arith.constant 125 : i32
    } else {
    }
    %eq3A_18 = arith.constant 1 : i32
    %eq3A_19 = arith.cmpi eq, %arg0, %eq3A_18 : i32
    %convert_element_type3A_20 = arith.extui %eq3A_19 : i1 to i32
    %cond3A_21 = arith.constant 0 : i32
    %cond3A_22 = arith.cmpi ne, %convert_element_type3A_20, %cond3A_21 : i32
    scf.if %cond3A_22 {
      %scan3A_29 = arith.constant 0 : i32
      %scan3A_30 = arith.constant 0 : i32
      %scan3A_31 = arith.constant 125 : i32
      %scan3A_32 = arith.addi %scan3A_30, %scan3A_31 : i32
      %scan3A_33 = arith.constant 1 : i32
      scf.for %scan3A_35 = %scan3A_30 to %scan3A_32 step %scan3A_33  : i32 {
        %jit3A = arith.constant 16 : i32
        %eq3A_36 = arith.constant 0 : i32
        %eq3A_37 = arith.cmpi eq, %jit3A, %eq3A_36 : i32
        %jit3A_38 = arith.constant 1 : i32
        %select_n3A = arith.select %eq3A_37, %jit3A_38, %jit3A : i32
        %rem3A = arith.remsi %scan3A_35, %select_n3A : i32
        %ne3A = arith.constant 0 : i32
        %ne3A_39 = arith.cmpi ne, %rem3A, %ne3A : i32
        %lt3A = arith.constant 0 : i32
        %lt3A_40 = arith.cmpi slt, %rem3A, %lt3A : i32
        %lt3A_41 = arith.constant 0 : i32
        %lt3A_42 = arith.cmpi slt, %select_n3A, %lt3A_41 : i32
        %ne3A_43 = arith.xori %lt3A_40, %lt3A_42 : i1
        %and3A = arith.andi %ne3A_43, %ne3A_39 : i1
        %add3A = arith.addi %rem3A, %select_n3A : i32
        %select_n3A_44 = arith.select %and3A, %add3A, %rem3A : i32
        %eq3A_45 = arith.cmpi eq, %select_n3A_44, %arg1 : i32
        %convert_element_type3A_46 = arith.extui %eq3A_45 : i1 to i32
        %cond3A_47 = arith.constant 0 : i32
        %cond3A_48 = arith.cmpi ne, %convert_element_type3A_46, %cond3A_47 : i32
        scf.if %cond3A_48 {
          %mul3A = arith.constant 80 : i32
          %mul3A_49 = arith.muli %scan3A_35, %mul3A : i32
          %multiple_of3A = tpu.assume_multiple %mul3A_49, 8 : i32
          "tpu.region"() ({
            %run_scoped3A = tpu.sem_alloc : memref<!tpu.dma_semaphore, #tpu.memory_space<semaphore_mem>>
            %dma_start3A = arith.constant 0 : i32
            %dma_start3A_50 = tpu.memref_slice %arg13[%multiple_of3A, %dma_start3A] : memref<10000x128xf32, #tpu.memory_space<vmem_shared>> -> memref<80x128xf32, #tpu.memory_space<vmem_shared>>
            %dma_start3A_51 = arith.constant 0 : i32
            %dma_start3A_52 = tpu.memref_slice %arg13[%multiple_of3A, %dma_start3A_51] : memref<10000x128xf32, #tpu.memory_space<vmem_shared>> -> memref<80x128xf32, #tpu.memory_space<vmem_shared>>
            tpu.enqueue_dma source(%dma_start3A_52 : memref<80x128xf32, #tpu.memory_space<vmem_shared>>) target(%arg11 : memref<80x128xf32, #tpu.memory_space<vmem>>) target_semaphore(%run_scoped3A : memref<!tpu.dma_semaphore, #tpu.memory_space<semaphore_mem>>)
            %dma_wait3A = arith.constant 0 : i32
            %dma_wait3A_53 = tpu.memref_slice %arg13[%multiple_of3A, %dma_wait3A] : memref<10000x128xf32, #tpu.memory_space<vmem_shared>> -> memref<80x128xf32, #tpu.memory_space<vmem_shared>>
            %dma_wait3A_54 = arith.constant 0 : i32
            %dma_wait3A_55 = tpu.memref_slice %arg13[%multiple_of3A, %dma_wait3A_54] : memref<10000x128xf32, #tpu.memory_space<vmem_shared>> -> memref<80x128xf32, #tpu.memory_space<vmem_shared>>
            tpu.wait_dma2 semaphore(%run_scoped3A : memref<!tpu.dma_semaphore, #tpu.memory_space<semaphore_mem>>) src(%dma_wait3A_55 : memref<80x128xf32, #tpu.memory_space<vmem_shared>>) dst(%arg11 : memref<80x128xf32, #tpu.memory_space<vmem>>)
            tpu.yield
          }) : () -> ()
          "tpu.region"() ({
            %run_scoped3A = tpu.sem_alloc : memref<!tpu.dma_semaphore, #tpu.memory_space<semaphore_mem>>
            %dma_start3A = arith.constant 0 : i32
            %dma_start3A_50 = tpu.memref_slice %arg8[%multiple_of3A, %dma_start3A] : memref<10000x128xf32, #tpu.memory_space<hbm>> -> memref<80x128xf32, #tpu.memory_space<hbm>>
            %dma_start3A_51 = arith.constant 0 : i32
            %dma_start3A_52 = tpu.memref_slice %arg8[%multiple_of3A, %dma_start3A_51] : memref<10000x128xf32, #tpu.memory_space<hbm>> -> memref<80x128xf32, #tpu.memory_space<hbm>>
            tpu.enqueue_dma source(%arg11 : memref<80x128xf32, #tpu.memory_space<vmem>>) target(%dma_start3A_52 : memref<80x128xf32, #tpu.memory_space<hbm>>) target_semaphore(%run_scoped3A : memref<!tpu.dma_semaphore, #tpu.memory_space<semaphore_mem>>)
            %dma_wait3A = arith.constant 0 : i32
            %dma_wait3A_53 = tpu.memref_slice %arg8[%multiple_of3A, %dma_wait3A] : memref<10000x128xf32, #tpu.memory_space<hbm>> -> memref<80x128xf32, #tpu.memory_space<hbm>>
            %dma_wait3A_54 = arith.constant 0 : i32
            %dma_wait3A_55 = tpu.memref_slice %arg8[%multiple_of3A, %dma_wait3A_54] : memref<10000x128xf32, #tpu.memory_space<hbm>> -> memref<80x128xf32, #tpu.memory_space<hbm>>
            tpu.wait_dma2 semaphore(%run_scoped3A : memref<!tpu.dma_semaphore, #tpu.memory_space<semaphore_mem>>) src(%arg11 : memref<80x128xf32, #tpu.memory_space<vmem>>) dst(%dma_wait3A_55 : memref<80x128xf32, #tpu.memory_space<hbm>>)
            tpu.yield
          }) : () -> ()
        } else {
        }
      }
      %scan3A_34 = arith.constant 125 : i32
    } else {
    }
    %barrier3A_23 = arith.constant 0 : index
    tpu.barrier barrier_id(%barrier3A_23)
    %eq3A_24 = arith.constant 0 : i32
    %eq3A_25 = arith.cmpi eq, %arg0, %eq3A_24 : i32
    %convert_element_type3A_26 = arith.extui %eq3A_25 : i1 to i32
    %cond3A_27 = arith.constant 0 : i32
    %cond3A_28 = arith.cmpi ne, %convert_element_type3A_26, %cond3A_27 : i32
    scf.if %cond3A_28 {
      %scan3A_29 = arith.constant 0 : i32
      %scan3A_30 = arith.constant 0 : i32
      %scan3A_31 = arith.constant 125 : i32
      %scan3A_32 = arith.addi %scan3A_30, %scan3A_31 : i32
      %scan3A_33 = arith.constant 1 : i32
      scf.for %scan3A_49 = %scan3A_30 to %scan3A_32 step %scan3A_33  : i32 {
        %jit3A = arith.constant 16 : i32
        %eq3A_50 = arith.constant 0 : i32
        %eq3A_51 = arith.cmpi eq, %jit3A, %eq3A_50 : i32
        %jit3A_52 = arith.constant 1 : i32
        %select_n3A = arith.select %eq3A_51, %jit3A_52, %jit3A : i32
        %rem3A = arith.remsi %scan3A_49, %select_n3A : i32
        %ne3A = arith.constant 0 : i32
        %ne3A_53 = arith.cmpi ne, %rem3A, %ne3A : i32
        %lt3A = arith.constant 0 : i32
        %lt3A_54 = arith.cmpi slt, %rem3A, %lt3A : i32
        %lt3A_55 = arith.constant 0 : i32
        %lt3A_56 = arith.cmpi slt, %select_n3A, %lt3A_55 : i32
        %ne3A_57 = arith.xori %lt3A_54, %lt3A_56 : i1
        %and3A = arith.andi %ne3A_57, %ne3A_53 : i1
        %add3A = arith.addi %rem3A, %select_n3A : i32
        %select_n3A_58 = arith.select %and3A, %add3A, %rem3A : i32
        %eq3A_59 = arith.cmpi eq, %select_n3A_58, %arg1 : i32
        %convert_element_type3A_60 = arith.extui %eq3A_59 : i1 to i32
        %cond3A_61 = arith.constant 0 : i32
        %cond3A_62 = arith.cmpi ne, %convert_element_type3A_60, %cond3A_61 : i32
        scf.if %cond3A_62 {
          %mul3A = arith.constant 80 : i32
          %mul3A_63 = arith.muli %scan3A_49, %mul3A : i32
          %multiple_of3A = tpu.assume_multiple %mul3A_63, 8 : i32
          "tpu.region"() ({
            %run_scoped3A = tpu.sem_alloc : memref<!tpu.dma_semaphore, #tpu.memory_space<semaphore_mem>>
            %dma_start3A = arith.constant 0 : i32
            %dma_start3A_64 = tpu.memref_slice %arg13[%multiple_of3A, %dma_start3A] : memref<10000x128xf32, #tpu.memory_space<vmem_shared>> -> memref<80x128xf32, #tpu.memory_space<vmem_shared>>
            %dma_start3A_65 = arith.constant 0 : i32
            %dma_start3A_66 = tpu.memref_slice %arg13[%multiple_of3A, %dma_start3A_65] : memref<10000x128xf32, #tpu.memory_space<vmem_shared>> -> memref<80x128xf32, #tpu.memory_space<vmem_shared>>
            tpu.enqueue_dma source(%arg12 : memref<80x128xf32, #tpu.memory_space<vmem>>) target(%dma_start3A_66 : memref<80x128xf32, #tpu.memory_space<vmem_shared>>) target_semaphore(%run_scoped3A : memref<!tpu.dma_semaphore, #tpu.memory_space<semaphore_mem>>)
            %dma_wait3A = arith.constant 0 : i32
            %dma_wait3A_67 = tpu.memref_slice %arg13[%multiple_of3A, %dma_wait3A] : memref<10000x128xf32, #tpu.memory_space<vmem_shared>> -> memref<80x128xf32, #tpu.memory_space<vmem_shared>>
            %dma_wait3A_68 = arith.constant 0 : i32
            %dma_wait3A_69 = tpu.memref_slice %arg13[%multiple_of3A, %dma_wait3A_68] : memref<10000x128xf32, #tpu.memory_space<vmem_shared>> -> memref<80x128xf32, #tpu.memory_space<vmem_shared>>
            tpu.wait_dma2 semaphore(%run_scoped3A : memref<!tpu.dma_semaphore, #tpu.memory_space<semaphore_mem>>) src(%arg12 : memref<80x128xf32, #tpu.memory_space<vmem>>) dst(%dma_wait3A_69 : memref<80x128xf32, #tpu.memory_space<vmem_shared>>)
            tpu.yield
          }) : () -> ()
        } else {
        }
      }
      %scan3A_34 = arith.constant 125 : i32
      %barrier3A_35 = arith.constant 0 : index
      tpu.barrier barrier_id(%barrier3A_35)
      %scan3A_36 = arith.constant 0 : i32
      %scan3A_37 = arith.constant 0 : i32
      %scan3A_38 = arith.constant 250 : i32
      %scan3A_39 = arith.addi %scan3A_37, %scan3A_38 : i32
      %scan3A_40 = arith.constant 1 : i32
      scf.for %scan3A_49 = %scan3A_37 to %scan3A_39 step %scan3A_40  : i32 {
        %mul3A = arith.constant 20000 : i32
        %mul3A_50 = arith.muli %arg1, %mul3A : i32
        %mul3A_51 = arith.constant 80 : i32
        %mul3A_52 = arith.muli %scan3A_49, %mul3A_51 : i32
        %add3A = arith.addi %mul3A_50, %mul3A_52 : i32
        %multiple_of3A = tpu.assume_multiple %add3A, 8 : i32
        %dma_start3A = tpu.memref_slice %arg5[%multiple_of3A] : memref<320000xi32, #tpu.memory_space<hbm>> -> memref<80xi32, #tpu.memory_space<hbm>>
        %dma_start3A_53 = tpu.memref_slice %arg5[%multiple_of3A] : memref<320000xi32, #tpu.memory_space<hbm>> -> memref<80xi32, #tpu.memory_space<hbm>>
        tpu.enqueue_dma source(%dma_start3A_53 : memref<80xi32, #tpu.memory_space<hbm>>) target(%arg10 : memref<80xi32, #tpu.memory_space<vmem>>) target_semaphore(%arg14 : memref<!tpu.dma_semaphore, #tpu.memory_space<semaphore_mem>>)
        %dma_start3A_54 = arith.constant 0 : i32
        %dma_start3A_55 = tpu.memref_slice %arg4[%multiple_of3A, %dma_start3A_54] : memref<320000x128xf32, #tpu.memory_space<hbm>> -> memref<80x128xf32, #tpu.memory_space<hbm>>
        %dma_start3A_56 = arith.constant 0 : i32
        %dma_start3A_57 = tpu.memref_slice %arg4[%multiple_of3A, %dma_start3A_56] : memref<320000x128xf32, #tpu.memory_space<hbm>> -> memref<80x128xf32, #tpu.memory_space<hbm>>
        tpu.enqueue_dma source(%dma_start3A_57 : memref<80x128xf32, #tpu.memory_space<hbm>>) target(%arg11 : memref<80x128xf32, #tpu.memory_space<vmem>>) target_semaphore(%arg15 : memref<!tpu.dma_semaphore, #tpu.memory_space<semaphore_mem>>)
        %dma_wait3A = tpu.memref_slice %arg5[%multiple_of3A] : memref<320000xi32, #tpu.memory_space<hbm>> -> memref<80xi32, #tpu.memory_space<hbm>>
        %dma_wait3A_58 = tpu.memref_slice %arg5[%multiple_of3A] : memref<320000xi32, #tpu.memory_space<hbm>> -> memref<80xi32, #tpu.memory_space<hbm>>
        tpu.wait_dma2 semaphore(%arg14 : memref<!tpu.dma_semaphore, #tpu.memory_space<semaphore_mem>>) src(%dma_wait3A_58 : memref<80xi32, #tpu.memory_space<hbm>>) dst(%arg10 : memref<80xi32, #tpu.memory_space<vmem>>)
        %dma_wait3A_59 = arith.constant 0 : i32
        %dma_wait3A_60 = tpu.memref_slice %arg4[%multiple_of3A, %dma_wait3A_59] : memref<320000x128xf32, #tpu.memory_space<hbm>> -> memref<80x128xf32, #tpu.memory_space<hbm>>
        %dma_wait3A_61 = arith.constant 0 : i32
        %dma_wait3A_62 = tpu.memref_slice %arg4[%multiple_of3A, %dma_wait3A_61] : memref<320000x128xf32, #tpu.memory_space<hbm>> -> memref<80x128xf32, #tpu.memory_space<hbm>>
        tpu.wait_dma2 semaphore(%arg15 : memref<!tpu.dma_semaphore, #tpu.memory_space<semaphore_mem>>) src(%dma_wait3A_62 : memref<80x128xf32, #tpu.memory_space<hbm>>) dst(%arg11 : memref<80x128xf32, #tpu.memory_space<vmem>>)
        "tpu.region"() ({
          %run_scoped3A = tpu.sem_alloc : memref<!tpu.dma_semaphore, #tpu.memory_space<semaphore_mem>>
          %dma_start3A_63 = arith.constant 0 : i32
          %dma_start3A_64 = arith.constant 0 : i32
          %dma_start3A_65 = tpu.memref_slice %arg13[%dma_start3A_63, %dma_start3A_64] : memref<10000x128xf32, #tpu.memory_space<vmem_shared>> -> memref<10000x128xf32, #tpu.memory_space<vmem_shared>>
          tpu.enqueue_indirect_dma source(%arg11 : memref<80x128xf32, #tpu.memory_space<vmem>>) target(%dma_start3A_65 : memref<10000x128xf32, #tpu.memory_space<vmem_shared>>) offsets(%arg10 : memref<80xi32, #tpu.memory_space<vmem>>) semaphore(%run_scoped3A : memref<!tpu.dma_semaphore, #tpu.memory_space<semaphore_mem>>) {add = true}
          %dma_wait3A_66 = arith.constant 0 : i32
          %dma_wait3A_67 = arith.constant 0 : i32
          %dma_wait3A_68 = tpu.memref_slice %arg13[%dma_wait3A_66, %dma_wait3A_67] : memref<10000x128xf32, #tpu.memory_space<vmem_shared>> -> memref<10000x128xf32, #tpu.memory_space<vmem_shared>>
          tpu.wait_indirect_dma semaphore(%run_scoped3A : memref<!tpu.dma_semaphore, #tpu.memory_space<semaphore_mem>>) src(%arg11 : memref<80x128xf32, #tpu.memory_space<vmem>>) dst(%dma_wait3A_68 : memref<10000x128xf32, #tpu.memory_space<vmem_shared>>)
          tpu.yield
        }) : () -> ()
      }
      %scan3A_41 = arith.constant 250 : i32
      %barrier3A_42 = arith.constant 0 : index
      tpu.barrier barrier_id(%barrier3A_42)
      %scan3A_43 = arith.constant 0 : i32
      %scan3A_44 = arith.constant 0 : i32
      %scan3A_45 = arith.constant 125 : i32
      %scan3A_46 = arith.addi %scan3A_44, %scan3A_45 : i32
      %scan3A_47 = arith.constant 1 : i32
      scf.for %scan3A_49 = %scan3A_44 to %scan3A_46 step %scan3A_47  : i32 {
        %jit3A = arith.constant 16 : i32
        %eq3A_50 = arith.constant 0 : i32
        %eq3A_51 = arith.cmpi eq, %jit3A, %eq3A_50 : i32
        %jit3A_52 = arith.constant 1 : i32
        %select_n3A = arith.select %eq3A_51, %jit3A_52, %jit3A : i32
        %rem3A = arith.remsi %scan3A_49, %select_n3A : i32
        %ne3A = arith.constant 0 : i32
        %ne3A_53 = arith.cmpi ne, %rem3A, %ne3A : i32
        %lt3A = arith.constant 0 : i32
        %lt3A_54 = arith.cmpi slt, %rem3A, %lt3A : i32
        %lt3A_55 = arith.constant 0 : i32
        %lt3A_56 = arith.cmpi slt, %select_n3A, %lt3A_55 : i32
        %ne3A_57 = arith.xori %lt3A_54, %lt3A_56 : i1
        %and3A = arith.andi %ne3A_57, %ne3A_53 : i1
        %add3A = arith.addi %rem3A, %select_n3A : i32
        %select_n3A_58 = arith.select %and3A, %add3A, %rem3A : i32
        %eq3A_59 = arith.cmpi eq, %select_n3A_58, %arg1 : i32
        %convert_element_type3A_60 = arith.extui %eq3A_59 : i1 to i32
        %cond3A_61 = arith.constant 0 : i32
        %cond3A_62 = arith.cmpi ne, %convert_element_type3A_60, %cond3A_61 : i32
        scf.if %cond3A_62 {
          %mul3A = arith.constant 80 : i32
          %mul3A_63 = arith.muli %scan3A_49, %mul3A : i32
          %multiple_of3A = tpu.assume_multiple %mul3A_63, 8 : i32
          "tpu.region"() ({
            %run_scoped3A = tpu.sem_alloc : memref<!tpu.dma_semaphore, #tpu.memory_space<semaphore_mem>>
            %dma_start3A = arith.constant 0 : i32
            %dma_start3A_64 = tpu.memref_slice %arg13[%multiple_of3A, %dma_start3A] : memref<10000x128xf32, #tpu.memory_space<vmem_shared>> -> memref<80x128xf32, #tpu.memory_space<vmem_shared>>
            %dma_start3A_65 = arith.constant 0 : i32
            %dma_start3A_66 = tpu.memref_slice %arg13[%multiple_of3A, %dma_start3A_65] : memref<10000x128xf32, #tpu.memory_space<vmem_shared>> -> memref<80x128xf32, #tpu.memory_space<vmem_shared>>
            tpu.enqueue_dma source(%dma_start3A_66 : memref<80x128xf32, #tpu.memory_space<vmem_shared>>) target(%arg11 : memref<80x128xf32, #tpu.memory_space<vmem>>) target_semaphore(%run_scoped3A : memref<!tpu.dma_semaphore, #tpu.memory_space<semaphore_mem>>)
            %dma_wait3A = arith.constant 0 : i32
            %dma_wait3A_67 = tpu.memref_slice %arg13[%multiple_of3A, %dma_wait3A] : memref<10000x128xf32, #tpu.memory_space<vmem_shared>> -> memref<80x128xf32, #tpu.memory_space<vmem_shared>>
            %dma_wait3A_68 = arith.constant 0 : i32
            %dma_wait3A_69 = tpu.memref_slice %arg13[%multiple_of3A, %dma_wait3A_68] : memref<10000x128xf32, #tpu.memory_space<vmem_shared>> -> memref<80x128xf32, #tpu.memory_space<vmem_shared>>
            tpu.wait_dma2 semaphore(%run_scoped3A : memref<!tpu.dma_semaphore, #tpu.memory_space<semaphore_mem>>) src(%dma_wait3A_69 : memref<80x128xf32, #tpu.memory_space<vmem_shared>>) dst(%arg11 : memref<80x128xf32, #tpu.memory_space<vmem>>)
            tpu.yield
          }) : () -> ()
          "tpu.region"() ({
            %run_scoped3A = tpu.sem_alloc : memref<!tpu.dma_semaphore, #tpu.memory_space<semaphore_mem>>
            %dma_start3A = arith.constant 0 : i32
            %dma_start3A_64 = tpu.memref_slice %arg9[%multiple_of3A, %dma_start3A] : memref<10000x128xf32, #tpu.memory_space<hbm>> -> memref<80x128xf32, #tpu.memory_space<hbm>>
            %dma_start3A_65 = arith.constant 0 : i32
            %dma_start3A_66 = tpu.memref_slice %arg9[%multiple_of3A, %dma_start3A_65] : memref<10000x128xf32, #tpu.memory_space<hbm>> -> memref<80x128xf32, #tpu.memory_space<hbm>>
            tpu.enqueue_dma source(%arg11 : memref<80x128xf32, #tpu.memory_space<vmem>>) target(%dma_start3A_66 : memref<80x128xf32, #tpu.memory_space<hbm>>) target_semaphore(%run_scoped3A : memref<!tpu.dma_semaphore, #tpu.memory_space<semaphore_mem>>)
            %dma_wait3A = arith.constant 0 : i32
            %dma_wait3A_67 = tpu.memref_slice %arg9[%multiple_of3A, %dma_wait3A] : memref<10000x128xf32, #tpu.memory_space<hbm>> -> memref<80x128xf32, #tpu.memory_space<hbm>>
            %dma_wait3A_68 = arith.constant 0 : i32
            %dma_wait3A_69 = tpu.memref_slice %arg9[%multiple_of3A, %dma_wait3A_68] : memref<10000x128xf32, #tpu.memory_space<hbm>> -> memref<80x128xf32, #tpu.memory_space<hbm>>
            tpu.wait_dma2 semaphore(%run_scoped3A : memref<!tpu.dma_semaphore, #tpu.memory_space<semaphore_mem>>) src(%arg11 : memref<80x128xf32, #tpu.memory_space<vmem>>) dst(%dma_wait3A_69 : memref<80x128xf32, #tpu.memory_space<hbm>>)
            tpu.yield
          }) : () -> ()
        } else {
        }
      }
      %scan3A_48 = arith.constant 125 : i32
    } else {
    }
    return
  }
}

#map = affine_map<(d0, d1) -> (0, 0)>
#map1 = affine_map<(d0, d1) -> (0)>
module attributes {stable_mosaic.version = 14 : i64} {
  func.func @_gather(%arg0: i32, %arg1: i32, %arg2: memref<10000x256xf32, #tpu.memory_space<hbm>>, %arg3: memref<10000x256xf32, #tpu.memory_space<hbm>>, %arg4: memref<10000x256xf32, #tpu.memory_space<hbm>>, %arg5: memref<320000xi32, #tpu.memory_space<hbm>>, %arg6: memref<320000xi32, #tpu.memory_space<hbm>>, %arg7: memref<320000x256xf32, #tpu.memory_space<hbm>>, %arg8: memref<320000x256xf32, #tpu.memory_space<hbm>>, %arg9: memref<320000x256xf32, #tpu.memory_space<hbm>>, %arg10: memref<80xi32, #tpu.memory_space<vmem>>, %arg11: memref<80xi32, #tpu.memory_space<vmem>>, %arg12: memref<80x256xf32, #tpu.memory_space<vmem>>, %arg13: memref<80x256xf32, #tpu.memory_space<vmem>>, %arg14: memref<80x256xf32, #tpu.memory_space<vmem>>, %arg15: memref<!tpu.dma_semaphore, #tpu.memory_space<semaphore_mem>>, %arg16: memref<!tpu.dma_semaphore, #tpu.memory_space<semaphore_mem>>, %arg17: memref<!tpu.dma_semaphore, #tpu.memory_space<semaphore_mem>>) attributes {dimension_semantics = [#tpu.dimension_semantics<core_parallel>, #tpu.dimension_semantics<subcore_parallel>], iteration_bounds = array<i64: 2, 16>, scalar_prefetch = 0 : i64, scratch_operands = 8 : i64, tpu.core_type = #tpu.core_type<sc_vector_subcore>, window_params = [{transform_indices = #map}, {transform_indices = #map}, {transform_indices = #map}, {transform_indices = #map1}, {transform_indices = #map1}, {transform_indices = #map}, {transform_indices = #map}, {transform_indices = #map}]} {
    %mul3A = arith.constant 2 : i32
    %mul3A_0 = arith.muli %arg1, %mul3A : i32
    %add3A = arith.addi %mul3A_0, %arg0 : i32
    %mul3A_1 = arith.constant 10000 : i32
    %mul3A_2 = arith.muli %add3A, %mul3A_1 : i32
    %scan3A = arith.constant 0 : i32
    %scan3A_3 = arith.constant 0 : i32
    %scan3A_4 = arith.constant 125 : i32
    %scan3A_5 = arith.addi %scan3A_3, %scan3A_4 : i32
    %scan3A_6 = arith.constant 1 : i32
    scf.for %scan3A_8 = %scan3A_3 to %scan3A_5 step %scan3A_6  : i32 {
      %mul3A_9 = arith.constant 80 : i32
      %mul3A_10 = arith.muli %scan3A_8, %mul3A_9 : i32
      %add3A_11 = arith.addi %mul3A_2, %mul3A_10 : i32
      %multiple_of3A = tpu.assume_multiple %add3A_11, 8 : i32
      %dma_start3A = tpu.memref_slice %arg6[%multiple_of3A] : memref<320000xi32, #tpu.memory_space<hbm>> -> memref<80xi32, #tpu.memory_space<hbm>>
      %dma_start3A_12 = tpu.memref_slice %arg6[%multiple_of3A] : memref<320000xi32, #tpu.memory_space<hbm>> -> memref<80xi32, #tpu.memory_space<hbm>>
      tpu.enqueue_dma source(%dma_start3A_12 : memref<80xi32, #tpu.memory_space<hbm>>) target(%arg10 : memref<80xi32, #tpu.memory_space<vmem>>) target_semaphore(%arg15 : memref<!tpu.dma_semaphore, #tpu.memory_space<semaphore_mem>>)
      %dma_start3A_13 = tpu.memref_slice %arg5[%multiple_of3A] : memref<320000xi32, #tpu.memory_space<hbm>> -> memref<80xi32, #tpu.memory_space<hbm>>
      %dma_start3A_14 = tpu.memref_slice %arg5[%multiple_of3A] : memref<320000xi32, #tpu.memory_space<hbm>> -> memref<80xi32, #tpu.memory_space<hbm>>
      tpu.enqueue_dma source(%dma_start3A_14 : memref<80xi32, #tpu.memory_space<hbm>>) target(%arg11 : memref<80xi32, #tpu.memory_space<vmem>>) target_semaphore(%arg16 : memref<!tpu.dma_semaphore, #tpu.memory_space<semaphore_mem>>)
      %dma_wait3A = tpu.memref_slice %arg6[%multiple_of3A] : memref<320000xi32, #tpu.memory_space<hbm>> -> memref<80xi32, #tpu.memory_space<hbm>>
      %dma_wait3A_15 = tpu.memref_slice %arg6[%multiple_of3A] : memref<320000xi32, #tpu.memory_space<hbm>> -> memref<80xi32, #tpu.memory_space<hbm>>
      tpu.wait_dma2 semaphore(%arg15 : memref<!tpu.dma_semaphore, #tpu.memory_space<semaphore_mem>>) src(%dma_wait3A_15 : memref<80xi32, #tpu.memory_space<hbm>>) dst(%arg10 : memref<80xi32, #tpu.memory_space<vmem>>)
      %dma_wait3A_16 = tpu.memref_slice %arg5[%multiple_of3A] : memref<320000xi32, #tpu.memory_space<hbm>> -> memref<80xi32, #tpu.memory_space<hbm>>
      %dma_wait3A_17 = tpu.memref_slice %arg5[%multiple_of3A] : memref<320000xi32, #tpu.memory_space<hbm>> -> memref<80xi32, #tpu.memory_space<hbm>>
      tpu.wait_dma2 semaphore(%arg16 : memref<!tpu.dma_semaphore, #tpu.memory_space<semaphore_mem>>) src(%dma_wait3A_17 : memref<80xi32, #tpu.memory_space<hbm>>) dst(%arg11 : memref<80xi32, #tpu.memory_space<vmem>>)
      %dma_start3A_18 = arith.constant 0 : i32
      %dma_start3A_19 = arith.constant 0 : i32
      %dma_start3A_20 = tpu.memref_slice %arg2[%dma_start3A_18, %dma_start3A_19] : memref<10000x256xf32, #tpu.memory_space<hbm>> -> memref<10000x256xf32, #tpu.memory_space<hbm>>
      tpu.enqueue_indirect_dma source(%dma_start3A_20 : memref<10000x256xf32, #tpu.memory_space<hbm>>) target(%arg12 : memref<80x256xf32, #tpu.memory_space<vmem>>) offsets(%arg10 : memref<80xi32, #tpu.memory_space<vmem>>) semaphore(%arg15 : memref<!tpu.dma_semaphore, #tpu.memory_space<semaphore_mem>>)
      %dma_start3A_21 = arith.constant 0 : i32
      %dma_start3A_22 = arith.constant 0 : i32
      %dma_start3A_23 = tpu.memref_slice %arg3[%dma_start3A_21, %dma_start3A_22] : memref<10000x256xf32, #tpu.memory_space<hbm>> -> memref<10000x256xf32, #tpu.memory_space<hbm>>
      tpu.enqueue_indirect_dma source(%dma_start3A_23 : memref<10000x256xf32, #tpu.memory_space<hbm>>) target(%arg13 : memref<80x256xf32, #tpu.memory_space<vmem>>) offsets(%arg11 : memref<80xi32, #tpu.memory_space<vmem>>) semaphore(%arg16 : memref<!tpu.dma_semaphore, #tpu.memory_space<semaphore_mem>>)
      %dma_start3A_24 = arith.constant 0 : i32
      %dma_start3A_25 = arith.constant 0 : i32
      %dma_start3A_26 = tpu.memref_slice %arg4[%dma_start3A_24, %dma_start3A_25] : memref<10000x256xf32, #tpu.memory_space<hbm>> -> memref<10000x256xf32, #tpu.memory_space<hbm>>
      tpu.enqueue_indirect_dma source(%dma_start3A_26 : memref<10000x256xf32, #tpu.memory_space<hbm>>) target(%arg14 : memref<80x256xf32, #tpu.memory_space<vmem>>) offsets(%arg11 : memref<80xi32, #tpu.memory_space<vmem>>) semaphore(%arg17 : memref<!tpu.dma_semaphore, #tpu.memory_space<semaphore_mem>>)
      %dma_wait3A_27 = arith.constant 0 : i32
      %dma_wait3A_28 = arith.constant 0 : i32
      %dma_wait3A_29 = tpu.memref_slice %arg2[%dma_wait3A_27, %dma_wait3A_28] : memref<10000x256xf32, #tpu.memory_space<hbm>> -> memref<10000x256xf32, #tpu.memory_space<hbm>>
      tpu.wait_indirect_dma semaphore(%arg15 : memref<!tpu.dma_semaphore, #tpu.memory_space<semaphore_mem>>) src(%dma_wait3A_29 : memref<10000x256xf32, #tpu.memory_space<hbm>>) dst(%arg12 : memref<80x256xf32, #tpu.memory_space<vmem>>)
      %dma_wait3A_30 = arith.constant 0 : i32
      %dma_wait3A_31 = arith.constant 0 : i32
      %dma_wait3A_32 = tpu.memref_slice %arg3[%dma_wait3A_30, %dma_wait3A_31] : memref<10000x256xf32, #tpu.memory_space<hbm>> -> memref<10000x256xf32, #tpu.memory_space<hbm>>
      tpu.wait_indirect_dma semaphore(%arg16 : memref<!tpu.dma_semaphore, #tpu.memory_space<semaphore_mem>>) src(%dma_wait3A_32 : memref<10000x256xf32, #tpu.memory_space<hbm>>) dst(%arg13 : memref<80x256xf32, #tpu.memory_space<vmem>>)
      %dma_wait3A_33 = arith.constant 0 : i32
      %dma_wait3A_34 = arith.constant 0 : i32
      %dma_wait3A_35 = tpu.memref_slice %arg4[%dma_wait3A_33, %dma_wait3A_34] : memref<10000x256xf32, #tpu.memory_space<hbm>> -> memref<10000x256xf32, #tpu.memory_space<hbm>>
      tpu.wait_indirect_dma semaphore(%arg17 : memref<!tpu.dma_semaphore, #tpu.memory_space<semaphore_mem>>) src(%dma_wait3A_35 : memref<10000x256xf32, #tpu.memory_space<hbm>>) dst(%arg14 : memref<80x256xf32, #tpu.memory_space<vmem>>)
      %dma_start3A_36 = arith.constant 0 : i32
      %dma_start3A_37 = tpu.memref_slice %arg7[%multiple_of3A, %dma_start3A_36] : memref<320000x256xf32, #tpu.memory_space<hbm>> -> memref<80x256xf32, #tpu.memory_space<hbm>>
      %dma_start3A_38 = arith.constant 0 : i32
      %dma_start3A_39 = tpu.memref_slice %arg7[%multiple_of3A, %dma_start3A_38] : memref<320000x256xf32, #tpu.memory_space<hbm>> -> memref<80x256xf32, #tpu.memory_space<hbm>>
      tpu.enqueue_dma source(%arg12 : memref<80x256xf32, #tpu.memory_space<vmem>>) target(%dma_start3A_39 : memref<80x256xf32, #tpu.memory_space<hbm>>) target_semaphore(%arg15 : memref<!tpu.dma_semaphore, #tpu.memory_space<semaphore_mem>>)
      %dma_start3A_40 = arith.constant 0 : i32
      %dma_start3A_41 = tpu.memref_slice %arg8[%multiple_of3A, %dma_start3A_40] : memref<320000x256xf32, #tpu.memory_space<hbm>> -> memref<80x256xf32, #tpu.memory_space<hbm>>
      %dma_start3A_42 = arith.constant 0 : i32
      %dma_start3A_43 = tpu.memref_slice %arg8[%multiple_of3A, %dma_start3A_42] : memref<320000x256xf32, #tpu.memory_space<hbm>> -> memref<80x256xf32, #tpu.memory_space<hbm>>
      tpu.enqueue_dma source(%arg13 : memref<80x256xf32, #tpu.memory_space<vmem>>) target(%dma_start3A_43 : memref<80x256xf32, #tpu.memory_space<hbm>>) target_semaphore(%arg16 : memref<!tpu.dma_semaphore, #tpu.memory_space<semaphore_mem>>)
      %dma_start3A_44 = arith.constant 0 : i32
      %dma_start3A_45 = tpu.memref_slice %arg9[%multiple_of3A, %dma_start3A_44] : memref<320000x256xf32, #tpu.memory_space<hbm>> -> memref<80x256xf32, #tpu.memory_space<hbm>>
      %dma_start3A_46 = arith.constant 0 : i32
      %dma_start3A_47 = tpu.memref_slice %arg9[%multiple_of3A, %dma_start3A_46] : memref<320000x256xf32, #tpu.memory_space<hbm>> -> memref<80x256xf32, #tpu.memory_space<hbm>>
      tpu.enqueue_dma source(%arg14 : memref<80x256xf32, #tpu.memory_space<vmem>>) target(%dma_start3A_47 : memref<80x256xf32, #tpu.memory_space<hbm>>) target_semaphore(%arg17 : memref<!tpu.dma_semaphore, #tpu.memory_space<semaphore_mem>>)
      %dma_wait3A_48 = arith.constant 0 : i32
      %dma_wait3A_49 = tpu.memref_slice %arg7[%multiple_of3A, %dma_wait3A_48] : memref<320000x256xf32, #tpu.memory_space<hbm>> -> memref<80x256xf32, #tpu.memory_space<hbm>>
      %dma_wait3A_50 = arith.constant 0 : i32
      %dma_wait3A_51 = tpu.memref_slice %arg7[%multiple_of3A, %dma_wait3A_50] : memref<320000x256xf32, #tpu.memory_space<hbm>> -> memref<80x256xf32, #tpu.memory_space<hbm>>
      tpu.wait_dma2 semaphore(%arg15 : memref<!tpu.dma_semaphore, #tpu.memory_space<semaphore_mem>>) src(%arg12 : memref<80x256xf32, #tpu.memory_space<vmem>>) dst(%dma_wait3A_51 : memref<80x256xf32, #tpu.memory_space<hbm>>)
      %dma_wait3A_52 = arith.constant 0 : i32
      %dma_wait3A_53 = tpu.memref_slice %arg8[%multiple_of3A, %dma_wait3A_52] : memref<320000x256xf32, #tpu.memory_space<hbm>> -> memref<80x256xf32, #tpu.memory_space<hbm>>
      %dma_wait3A_54 = arith.constant 0 : i32
      %dma_wait3A_55 = tpu.memref_slice %arg8[%multiple_of3A, %dma_wait3A_54] : memref<320000x256xf32, #tpu.memory_space<hbm>> -> memref<80x256xf32, #tpu.memory_space<hbm>>
      tpu.wait_dma2 semaphore(%arg16 : memref<!tpu.dma_semaphore, #tpu.memory_space<semaphore_mem>>) src(%arg13 : memref<80x256xf32, #tpu.memory_space<vmem>>) dst(%dma_wait3A_55 : memref<80x256xf32, #tpu.memory_space<hbm>>)
      %dma_wait3A_56 = arith.constant 0 : i32
      %dma_wait3A_57 = tpu.memref_slice %arg9[%multiple_of3A, %dma_wait3A_56] : memref<320000x256xf32, #tpu.memory_space<hbm>> -> memref<80x256xf32, #tpu.memory_space<hbm>>
      %dma_wait3A_58 = arith.constant 0 : i32
      %dma_wait3A_59 = tpu.memref_slice %arg9[%multiple_of3A, %dma_wait3A_58] : memref<320000x256xf32, #tpu.memory_space<hbm>> -> memref<80x256xf32, #tpu.memory_space<hbm>>
      tpu.wait_dma2 semaphore(%arg17 : memref<!tpu.dma_semaphore, #tpu.memory_space<semaphore_mem>>) src(%arg14 : memref<80x256xf32, #tpu.memory_space<vmem>>) dst(%dma_wait3A_59 : memref<80x256xf32, #tpu.memory_space<hbm>>)
    }
    %scan3A_7 = arith.constant 125 : i32
    return
  }
}

#map = affine_map<(d0, d1) -> (0, 0)>
#map1 = affine_map<(d0, d1) -> (0)>
module attributes {stable_mosaic.version = 14 : i64} {
  func.func @_gather(%arg0: i32, %arg1: i32, %arg2: memref<10000x256xf32, #tpu.memory_space<hbm>>, %arg3: memref<10000x256xf32, #tpu.memory_space<hbm>>, %arg4: memref<10000x256xf32, #tpu.memory_space<hbm>>, %arg5: memref<320000xi32, #tpu.memory_space<hbm>>, %arg6: memref<320000xi32, #tpu.memory_space<hbm>>, %arg7: memref<320000x256xf32, #tpu.memory_space<hbm>>, %arg8: memref<320000x256xf32, #tpu.memory_space<hbm>>, %arg9: memref<320000x256xf32, #tpu.memory_space<hbm>>, %arg10: memref<80xi32, #tpu.memory_space<vmem>>, %arg11: memref<80xi32, #tpu.memory_space<vmem>>, %arg12: memref<80x256xf32, #tpu.memory_space<vmem>>, %arg13: memref<80x256xf32, #tpu.memory_space<vmem>>, %arg14: memref<80x256xf32, #tpu.memory_space<vmem>>, %arg15: memref<!tpu.dma_semaphore, #tpu.memory_space<semaphore_mem>>, %arg16: memref<!tpu.dma_semaphore, #tpu.memory_space<semaphore_mem>>, %arg17: memref<!tpu.dma_semaphore, #tpu.memory_space<semaphore_mem>>) attributes {dimension_semantics = [#tpu.dimension_semantics<core_parallel>, #tpu.dimension_semantics<subcore_parallel>], iteration_bounds = array<i64: 2, 16>, scalar_prefetch = 0 : i64, scratch_operands = 8 : i64, tpu.core_type = #tpu.core_type<sc_vector_subcore>, window_params = [{transform_indices = #map}, {transform_indices = #map}, {transform_indices = #map}, {transform_indices = #map1}, {transform_indices = #map1}, {transform_indices = #map}, {transform_indices = #map}, {transform_indices = #map}]} {
    %mul3A = arith.constant 2 : i32
    %mul3A_0 = arith.muli %arg1, %mul3A : i32
    %add3A = arith.addi %mul3A_0, %arg0 : i32
    %mul3A_1 = arith.constant 10000 : i32
    %mul3A_2 = arith.muli %add3A, %mul3A_1 : i32
    %scan3A = arith.constant 0 : i32
    %scan3A_3 = arith.constant 0 : i32
    %scan3A_4 = arith.constant 125 : i32
    %scan3A_5 = arith.addi %scan3A_3, %scan3A_4 : i32
    %scan3A_6 = arith.constant 1 : i32
    scf.for %scan3A_8 = %scan3A_3 to %scan3A_5 step %scan3A_6  : i32 {
      %mul3A_9 = arith.constant 80 : i32
      %mul3A_10 = arith.muli %scan3A_8, %mul3A_9 : i32
      %add3A_11 = arith.addi %mul3A_2, %mul3A_10 : i32
      %multiple_of3A = tpu.assume_multiple %add3A_11, 8 : i32
      %dma_start3A = tpu.memref_slice %arg6[%multiple_of3A] : memref<320000xi32, #tpu.memory_space<hbm>> -> memref<80xi32, #tpu.memory_space<hbm>>
      %dma_start3A_12 = tpu.memref_slice %arg6[%multiple_of3A] : memref<320000xi32, #tpu.memory_space<hbm>> -> memref<80xi32, #tpu.memory_space<hbm>>
      tpu.enqueue_dma source(%dma_start3A_12 : memref<80xi32, #tpu.memory_space<hbm>>) target(%arg10 : memref<80xi32, #tpu.memory_space<vmem>>) target_semaphore(%arg15 : memref<!tpu.dma_semaphore, #tpu.memory_space<semaphore_mem>>)
      %dma_start3A_13 = tpu.memref_slice %arg5[%multiple_of3A] : memref<320000xi32, #tpu.memory_space<hbm>> -> memref<80xi32, #tpu.memory_space<hbm>>
      %dma_start3A_14 = tpu.memref_slice %arg5[%multiple_of3A] : memref<320000xi32, #tpu.memory_space<hbm>> -> memref<80xi32, #tpu.memory_space<hbm>>
      tpu.enqueue_dma source(%dma_start3A_14 : memref<80xi32, #tpu.memory_space<hbm>>) target(%arg11 : memref<80xi32, #tpu.memory_space<vmem>>) target_semaphore(%arg16 : memref<!tpu.dma_semaphore, #tpu.memory_space<semaphore_mem>>)
      %dma_wait3A = tpu.memref_slice %arg6[%multiple_of3A] : memref<320000xi32, #tpu.memory_space<hbm>> -> memref<80xi32, #tpu.memory_space<hbm>>
      %dma_wait3A_15 = tpu.memref_slice %arg6[%multiple_of3A] : memref<320000xi32, #tpu.memory_space<hbm>> -> memref<80xi32, #tpu.memory_space<hbm>>
      tpu.wait_dma2 semaphore(%arg15 : memref<!tpu.dma_semaphore, #tpu.memory_space<semaphore_mem>>) src(%dma_wait3A_15 : memref<80xi32, #tpu.memory_space<hbm>>) dst(%arg10 : memref<80xi32, #tpu.memory_space<vmem>>)
      %dma_wait3A_16 = tpu.memref_slice %arg5[%multiple_of3A] : memref<320000xi32, #tpu.memory_space<hbm>> -> memref<80xi32, #tpu.memory_space<hbm>>
      %dma_wait3A_17 = tpu.memref_slice %arg5[%multiple_of3A] : memref<320000xi32, #tpu.memory_space<hbm>> -> memref<80xi32, #tpu.memory_space<hbm>>
      tpu.wait_dma2 semaphore(%arg16 : memref<!tpu.dma_semaphore, #tpu.memory_space<semaphore_mem>>) src(%dma_wait3A_17 : memref<80xi32, #tpu.memory_space<hbm>>) dst(%arg11 : memref<80xi32, #tpu.memory_space<vmem>>)
      %dma_start3A_18 = arith.constant 0 : i32
      %dma_start3A_19 = arith.constant 0 : i32
      %dma_start3A_20 = tpu.memref_slice %arg2[%dma_start3A_18, %dma_start3A_19] : memref<10000x256xf32, #tpu.memory_space<hbm>> -> memref<10000x256xf32, #tpu.memory_space<hbm>>
      tpu.enqueue_indirect_dma source(%dma_start3A_20 : memref<10000x256xf32, #tpu.memory_space<hbm>>) target(%arg12 : memref<80x256xf32, #tpu.memory_space<vmem>>) offsets(%arg10 : memref<80xi32, #tpu.memory_space<vmem>>) semaphore(%arg15 : memref<!tpu.dma_semaphore, #tpu.memory_space<semaphore_mem>>)
      %dma_start3A_21 = arith.constant 0 : i32
      %dma_start3A_22 = arith.constant 0 : i32
      %dma_start3A_23 = tpu.memref_slice %arg3[%dma_start3A_21, %dma_start3A_22] : memref<10000x256xf32, #tpu.memory_space<hbm>> -> memref<10000x256xf32, #tpu.memory_space<hbm>>
      tpu.enqueue_indirect_dma source(%dma_start3A_23 : memref<10000x256xf32, #tpu.memory_space<hbm>>) target(%arg13 : memref<80x256xf32, #tpu.memory_space<vmem>>) offsets(%arg11 : memref<80xi32, #tpu.memory_space<vmem>>) semaphore(%arg16 : memref<!tpu.dma_semaphore, #tpu.memory_space<semaphore_mem>>)
      %dma_start3A_24 = arith.constant 0 : i32
      %dma_start3A_25 = arith.constant 0 : i32
      %dma_start3A_26 = tpu.memref_slice %arg4[%dma_start3A_24, %dma_start3A_25] : memref<10000x256xf32, #tpu.memory_space<hbm>> -> memref<10000x256xf32, #tpu.memory_space<hbm>>
      tpu.enqueue_indirect_dma source(%dma_start3A_26 : memref<10000x256xf32, #tpu.memory_space<hbm>>) target(%arg14 : memref<80x256xf32, #tpu.memory_space<vmem>>) offsets(%arg11 : memref<80xi32, #tpu.memory_space<vmem>>) semaphore(%arg17 : memref<!tpu.dma_semaphore, #tpu.memory_space<semaphore_mem>>)
      %dma_wait3A_27 = arith.constant 0 : i32
      %dma_wait3A_28 = arith.constant 0 : i32
      %dma_wait3A_29 = tpu.memref_slice %arg2[%dma_wait3A_27, %dma_wait3A_28] : memref<10000x256xf32, #tpu.memory_space<hbm>> -> memref<10000x256xf32, #tpu.memory_space<hbm>>
      tpu.wait_indirect_dma semaphore(%arg15 : memref<!tpu.dma_semaphore, #tpu.memory_space<semaphore_mem>>) src(%dma_wait3A_29 : memref<10000x256xf32, #tpu.memory_space<hbm>>) dst(%arg12 : memref<80x256xf32, #tpu.memory_space<vmem>>)
      %dma_wait3A_30 = arith.constant 0 : i32
      %dma_wait3A_31 = arith.constant 0 : i32
      %dma_wait3A_32 = tpu.memref_slice %arg3[%dma_wait3A_30, %dma_wait3A_31] : memref<10000x256xf32, #tpu.memory_space<hbm>> -> memref<10000x256xf32, #tpu.memory_space<hbm>>
      tpu.wait_indirect_dma semaphore(%arg16 : memref<!tpu.dma_semaphore, #tpu.memory_space<semaphore_mem>>) src(%dma_wait3A_32 : memref<10000x256xf32, #tpu.memory_space<hbm>>) dst(%arg13 : memref<80x256xf32, #tpu.memory_space<vmem>>)
      %dma_wait3A_33 = arith.constant 0 : i32
      %dma_wait3A_34 = arith.constant 0 : i32
      %dma_wait3A_35 = tpu.memref_slice %arg4[%dma_wait3A_33, %dma_wait3A_34] : memref<10000x256xf32, #tpu.memory_space<hbm>> -> memref<10000x256xf32, #tpu.memory_space<hbm>>
      tpu.wait_indirect_dma semaphore(%arg17 : memref<!tpu.dma_semaphore, #tpu.memory_space<semaphore_mem>>) src(%dma_wait3A_35 : memref<10000x256xf32, #tpu.memory_space<hbm>>) dst(%arg14 : memref<80x256xf32, #tpu.memory_space<vmem>>)
      %dma_start3A_36 = arith.constant 0 : i32
      %dma_start3A_37 = tpu.memref_slice %arg7[%multiple_of3A, %dma_start3A_36] : memref<320000x256xf32, #tpu.memory_space<hbm>> -> memref<80x256xf32, #tpu.memory_space<hbm>>
      %dma_start3A_38 = arith.constant 0 : i32
      %dma_start3A_39 = tpu.memref_slice %arg7[%multiple_of3A, %dma_start3A_38] : memref<320000x256xf32, #tpu.memory_space<hbm>> -> memref<80x256xf32, #tpu.memory_space<hbm>>
      tpu.enqueue_dma source(%arg12 : memref<80x256xf32, #tpu.memory_space<vmem>>) target(%dma_start3A_39 : memref<80x256xf32, #tpu.memory_space<hbm>>) target_semaphore(%arg15 : memref<!tpu.dma_semaphore, #tpu.memory_space<semaphore_mem>>)
      %dma_start3A_40 = arith.constant 0 : i32
      %dma_start3A_41 = tpu.memref_slice %arg8[%multiple_of3A, %dma_start3A_40] : memref<320000x256xf32, #tpu.memory_space<hbm>> -> memref<80x256xf32, #tpu.memory_space<hbm>>
      %dma_start3A_42 = arith.constant 0 : i32
      %dma_start3A_43 = tpu.memref_slice %arg8[%multiple_of3A, %dma_start3A_42] : memref<320000x256xf32, #tpu.memory_space<hbm>> -> memref<80x256xf32, #tpu.memory_space<hbm>>
      tpu.enqueue_dma source(%arg13 : memref<80x256xf32, #tpu.memory_space<vmem>>) target(%dma_start3A_43 : memref<80x256xf32, #tpu.memory_space<hbm>>) target_semaphore(%arg16 : memref<!tpu.dma_semaphore, #tpu.memory_space<semaphore_mem>>)
      %dma_start3A_44 = arith.constant 0 : i32
      %dma_start3A_45 = tpu.memref_slice %arg9[%multiple_of3A, %dma_start3A_44] : memref<320000x256xf32, #tpu.memory_space<hbm>> -> memref<80x256xf32, #tpu.memory_space<hbm>>
      %dma_start3A_46 = arith.constant 0 : i32
      %dma_start3A_47 = tpu.memref_slice %arg9[%multiple_of3A, %dma_start3A_46] : memref<320000x256xf32, #tpu.memory_space<hbm>> -> memref<80x256xf32, #tpu.memory_space<hbm>>
      tpu.enqueue_dma source(%arg14 : memref<80x256xf32, #tpu.memory_space<vmem>>) target(%dma_start3A_47 : memref<80x256xf32, #tpu.memory_space<hbm>>) target_semaphore(%arg17 : memref<!tpu.dma_semaphore, #tpu.memory_space<semaphore_mem>>)
      %dma_wait3A_48 = arith.constant 0 : i32
      %dma_wait3A_49 = tpu.memref_slice %arg7[%multiple_of3A, %dma_wait3A_48] : memref<320000x256xf32, #tpu.memory_space<hbm>> -> memref<80x256xf32, #tpu.memory_space<hbm>>
      %dma_wait3A_50 = arith.constant 0 : i32
      %dma_wait3A_51 = tpu.memref_slice %arg7[%multiple_of3A, %dma_wait3A_50] : memref<320000x256xf32, #tpu.memory_space<hbm>> -> memref<80x256xf32, #tpu.memory_space<hbm>>
      tpu.wait_dma2 semaphore(%arg15 : memref<!tpu.dma_semaphore, #tpu.memory_space<semaphore_mem>>) src(%arg12 : memref<80x256xf32, #tpu.memory_space<vmem>>) dst(%dma_wait3A_51 : memref<80x256xf32, #tpu.memory_space<hbm>>)
      %dma_wait3A_52 = arith.constant 0 : i32
      %dma_wait3A_53 = tpu.memref_slice %arg8[%multiple_of3A, %dma_wait3A_52] : memref<320000x256xf32, #tpu.memory_space<hbm>> -> memref<80x256xf32, #tpu.memory_space<hbm>>
      %dma_wait3A_54 = arith.constant 0 : i32
      %dma_wait3A_55 = tpu.memref_slice %arg8[%multiple_of3A, %dma_wait3A_54] : memref<320000x256xf32, #tpu.memory_space<hbm>> -> memref<80x256xf32, #tpu.memory_space<hbm>>
      tpu.wait_dma2 semaphore(%arg16 : memref<!tpu.dma_semaphore, #tpu.memory_space<semaphore_mem>>) src(%arg13 : memref<80x256xf32, #tpu.memory_space<vmem>>) dst(%dma_wait3A_55 : memref<80x256xf32, #tpu.memory_space<hbm>>)
      %dma_wait3A_56 = arith.constant 0 : i32
      %dma_wait3A_57 = tpu.memref_slice %arg9[%multiple_of3A, %dma_wait3A_56] : memref<320000x256xf32, #tpu.memory_space<hbm>> -> memref<80x256xf32, #tpu.memory_space<hbm>>
      %dma_wait3A_58 = arith.constant 0 : i32
      %dma_wait3A_59 = tpu.memref_slice %arg9[%multiple_of3A, %dma_wait3A_58] : memref<320000x256xf32, #tpu.memory_space<hbm>> -> memref<80x256xf32, #tpu.memory_space<hbm>>
      tpu.wait_dma2 semaphore(%arg17 : memref<!tpu.dma_semaphore, #tpu.memory_space<semaphore_mem>>) src(%arg14 : memref<80x256xf32, #tpu.memory_space<vmem>>) dst(%dma_wait3A_59 : memref<80x256xf32, #tpu.memory_space<hbm>>)
    }
    %scan3A_7 = arith.constant 125 : i32
    return
  }
}

module attributes {stable_mosaic.version = 14 : i64} {
  func.func @_finish_proj_body(%arg0: i32, %arg1: memref<1000x128xf32, #tpu.memory_space<vmem>>, %arg2: memref<1000x128xf32, #tpu.memory_space<vmem>>, %arg3: memref<1000x128xf32, #tpu.memory_space<vmem>>, %arg4: memref<1000x256xf32, #tpu.memory_space<vmem>>, %arg5: memref<256x256xf32, #tpu.memory_space<vmem>>, %arg6: memref<1x256xf32, #tpu.memory_space<vmem>>, %arg7: memref<256x256xf32, #tpu.memory_space<vmem>>, %arg8: memref<1x256xf32, #tpu.memory_space<vmem>>, %arg9: memref<256x256xf32, #tpu.memory_space<vmem>>, %arg10: memref<1x256xf32, #tpu.memory_space<vmem>>, %arg11: memref<256x256xf32, #tpu.memory_space<vmem>>, %arg12: memref<1x256xf32, #tpu.memory_space<vmem>>, %arg13: memref<1000x256xf32, #tpu.memory_space<vmem>>, %arg14: memref<1000x256xf32, #tpu.memory_space<vmem>>, %arg15: memref<1000x256xf32, #tpu.memory_space<vmem>>, %arg16: memref<1000x256xf32, #tpu.memory_space<vmem>>) attributes {dimension_semantics = [#tpu.dimension_semantics<arbitrary>], iteration_bounds = array<i64: 10>, scalar_prefetch = 0 : i64, scratch_operands = 0 : i64, tpu.core_type = #tpu.core_type<tc>, window_params = [{transform_indices = @transform_0, window_bounds = array<i64: 1000, 128>}, {transform_indices = @transform_1, window_bounds = array<i64: 1000, 128>}, {transform_indices = @transform_2, window_bounds = array<i64: 1000, 128>}, {transform_indices = @transform_3, window_bounds = array<i64: 1000, 256>}, {pipeline_mode = #tpu.pipeline_mode<synchronous>, transform_indices = @transform_4, window_bounds = array<i64: 256, 256>}, {pipeline_mode = #tpu.pipeline_mode<synchronous>, transform_indices = @transform_5, window_bounds = array<i64: 1, 256>}, {pipeline_mode = #tpu.pipeline_mode<synchronous>, transform_indices = @transform_6, window_bounds = array<i64: 256, 256>}, {pipeline_mode = #tpu.pipeline_mode<synchronous>, transform_indices = @transform_7, window_bounds = array<i64: 1, 256>}, {pipeline_mode = #tpu.pipeline_mode<synchronous>, transform_indices = @transform_8, window_bounds = array<i64: 256, 256>}, {pipeline_mode = #tpu.pipeline_mode<synchronous>, transform_indices = @transform_9, window_bounds = array<i64: 1, 256>}, {pipeline_mode = #tpu.pipeline_mode<synchronous>, transform_indices = @transform_10, window_bounds = array<i64: 256, 256>}, {pipeline_mode = #tpu.pipeline_mode<synchronous>, transform_indices = @transform_11, window_bounds = array<i64: 1, 256>}, {transform_indices = @transform_12, window_bounds = array<i64: 1000, 256>}, {transform_indices = @transform_13, window_bounds = array<i64: 1000, 256>}, {transform_indices = @transform_14, window_bounds = array<i64: 1000, 256>}, {transform_indices = @transform_15, window_bounds = array<i64: 1000, 256>}]} {
    %get3A = arith.constant 0 : index
    %get3A_0 = arith.constant 0 : index
    %get3A_1 = vector.load %arg3[%get3A, %get3A_0] : memref<1000x128xf32, #tpu.memory_space<vmem>>, vector<1000x128xf32>
    %iota3A = tpu.iota {dimensions = array<i32: 0>} : vector<128x256xi32>
    %iota3A_2 = tpu.iota {dimensions = array<i32: 1>} : vector<128x256xi32>
    %jit3A = arith.constant 32 : i32
    %div3A = vector.broadcast %jit3A : i32 to vector<128x256xi32>
    %div3A_3 = arith.divsi %iota3A_2, %div3A : vector<128x256xi32>
    %sign3A = arith.constant 0 : i32
    %sign3A_4 = vector.broadcast %sign3A : i32 to vector<128x256xi32>
    %sign3A_5 = arith.cmpi sgt, %iota3A_2, %sign3A_4 : vector<128x256xi32>
    %sign3A_6 = arith.extui %sign3A_5 : vector<128x256xi1> to vector<128x256xi32>
    %sign3A_7 = arith.constant 0 : i32
    %sign3A_8 = vector.broadcast %sign3A_7 : i32 to vector<128x256xi32>
    %sign3A_9 = arith.cmpi slt, %iota3A_2, %sign3A_8 : vector<128x256xi32>
    %sign3A_10 = arith.extui %sign3A_9 : vector<128x256xi1> to vector<128x256xi32>
    %sign3A_11 = arith.subi %sign3A_6, %sign3A_10 : vector<128x256xi32>
    %sign3A_12 = arith.constant 0 : i32
    %sign3A_13 = arith.cmpi sgt, %jit3A, %sign3A_12 : i32
    %sign3A_14 = arith.extui %sign3A_13 : i1 to i32
    %sign3A_15 = arith.constant 0 : i32
    %sign3A_16 = arith.cmpi slt, %jit3A, %sign3A_15 : i32
    %sign3A_17 = arith.extui %sign3A_16 : i1 to i32
    %sign3A_18 = arith.subi %sign3A_14, %sign3A_17 : i32
    %ne3A = vector.broadcast %sign3A_18 : i32 to vector<128x256xi32>
    %ne3A_19 = arith.cmpi ne, %sign3A_11, %ne3A : vector<128x256xi32>
    %rem3A = vector.broadcast %jit3A : i32 to vector<128x256xi32>
    %rem3A_20 = arith.remsi %iota3A_2, %rem3A : vector<128x256xi32>
    %ne3A_21 = arith.constant 0 : i32
    %ne3A_22 = vector.broadcast %ne3A_21 : i32 to vector<128x256xi32>
    %ne3A_23 = arith.cmpi ne, %rem3A_20, %ne3A_22 : vector<128x256xi32>
    %and3A = arith.andi %ne3A_19, %ne3A_23 : vector<128x256xi1>
    %sub3A = arith.constant 1 : i32
    %sub3A_24 = vector.broadcast %sub3A : i32 to vector<128x256xi32>
    %sub3A_25 = arith.subi %div3A_3, %sub3A_24 : vector<128x256xi32>
    %select_n3A = arith.select %and3A, %sub3A_25, %div3A_3 : vector<128x256xi1>, vector<128x256xi32>
    %mul3A = arith.constant 16 : i32
    %mul3A_26 = vector.broadcast %mul3A : i32 to vector<128x256xi32>
    %mul3A_27 = arith.muli %select_n3A, %mul3A_26 : vector<128x256xi32>
    %eq3A = arith.cmpi eq, %iota3A, %mul3A_27 : vector<128x256xi32>
    %convert_element_type3A = arith.extui %eq3A : vector<128x256xi1> to vector<128x256xi32>
    %convert_element_type3A_28 = arith.sitofp %convert_element_type3A : vector<128x256xi32> to vector<128x256xf32>
    %dot_general3A = arith.constant dense<0.000000e+00> : vector<1000x256xf32>
    %dot_general3A_29 = tpu.matmul %get3A_1, %convert_element_type3A_28, %dot_general3A {dimension_numbers = #tpu.dot_dimension_numbers<[1], [0], [0], [1], [0, 0, 1, 1], [], []>, transpose_lhs_hint = false} : vector<1000x128xf32>, vector<128x256xf32>, vector<1000x256xf32> -> vector<1000x256xf32>
    %get3A_30 = arith.constant 0 : index
    %get3A_31 = arith.constant 0 : index
    %get3A_32 = vector.load %arg1[%get3A_30, %get3A_31] : memref<1000x128xf32, #tpu.memory_space<vmem>>, vector<1000x128xf32>
    %get3A_33 = arith.constant 0 : index
    %get3A_34 = arith.constant 0 : index
    %get3A_35 = vector.load %arg2[%get3A_33, %get3A_34] : memref<1000x128xf32, #tpu.memory_space<vmem>>, vector<1000x128xf32>
    %concatenate3A = tpu.concatenate %get3A_32, %get3A_35 in 1 : vector<1000x128xf32>, vector<1000x128xf32> -> vector<1000x256xf32>
    %add3A = arith.constant 1.000000e-16 : f32
    %add3A_36 = vector.broadcast %add3A : f32 to vector<1000x256xf32>
    %add3A_37 = arith.addf %dot_general3A_29, %add3A_36 : vector<1000x256xf32>
    %div3A_38 = arith.divf %concatenate3A, %add3A_37 : vector<1000x256xf32>
    %get3A_39 = arith.constant 0 : index
    %get3A_40 = arith.constant 0 : index
    %get3A_41 = vector.load %arg4[%get3A_39, %get3A_40] : memref<1000x256xf32, #tpu.memory_space<vmem>>, vector<1000x256xf32>
    %add3A_42 = arith.addf %div3A_38, %get3A_41 : vector<1000x256xf32>
    %max3A = arith.constant 0.000000e+00 : f32
    %max3A_43 = vector.broadcast %max3A : f32 to vector<1000x256xf32>
    %max3A_44 = arith.maximumf %add3A_42, %max3A_43 : vector<1000x256xf32>
    %get3A_45 = arith.constant 0 : index
    %get3A_46 = arith.constant 0 : index
    %get3A_47 = vector.load %arg5[%get3A_45, %get3A_46] : memref<256x256xf32, #tpu.memory_space<vmem>>, vector<256x256xf32>
    %dot_general3A_48 = arith.constant dense<0.000000e+00> : vector<1000x256xf32>
    %dot_general3A_49 = tpu.matmul %max3A_44, %get3A_47, %dot_general3A_48 {dimension_numbers = #tpu.dot_dimension_numbers<[1], [0], [0], [1], [0, 0, 1, 1], [], []>, transpose_lhs_hint = false} : vector<1000x256xf32>, vector<256x256xf32>, vector<1000x256xf32> -> vector<1000x256xf32>
    %get3A_50 = arith.constant 0 : index
    %get3A_51 = arith.constant 0 : index
    %get3A_52 = vector.load %arg6[%get3A_50, %get3A_51] : memref<1x256xf32, #tpu.memory_space<vmem>>, vector<1x256xf32>
    %add3A_53 = vector.broadcast %get3A_52 : vector<1x256xf32> to vector<1000x256xf32>
    %add3A_54 = arith.addf %dot_general3A_49, %add3A_53 : vector<1000x256xf32>
    %swap3A = arith.constant 0 : index
    %swap3A_55 = arith.constant 0 : index
    %swap3A_56 = vector.load %arg13[%swap3A, %swap3A_55] : memref<1000x256xf32, #tpu.memory_space<vmem>>, vector<1000x256xf32>
    tpu.vector_store %arg13[%swap3A, %swap3A_55], %add3A_54 {strides = array<i32>} : memref<1000x256xf32, #tpu.memory_space<vmem>>, vector<1000x256xf32>,
    %get3A_57 = arith.constant 0 : index
    %get3A_58 = arith.constant 0 : index
    %get3A_59 = vector.load %arg7[%get3A_57, %get3A_58] : memref<256x256xf32, #tpu.memory_space<vmem>>, vector<256x256xf32>
    %dot_general3A_60 = arith.constant dense<0.000000e+00> : vector<1000x256xf32>
    %dot_general3A_61 = tpu.matmul %max3A_44, %get3A_59, %dot_general3A_60 {dimension_numbers = #tpu.dot_dimension_numbers<[1], [0], [0], [1], [0, 0, 1, 1], [], []>, transpose_lhs_hint = false} : vector<1000x256xf32>, vector<256x256xf32>, vector<1000x256xf32> -> vector<1000x256xf32>
    %get3A_62 = arith.constant 0 : index
    %get3A_63 = arith.constant 0 : index
    %get3A_64 = vector.load %arg8[%get3A_62, %get3A_63] : memref<1x256xf32, #tpu.memory_space<vmem>>, vector<1x256xf32>
    %add3A_65 = vector.broadcast %get3A_64 : vector<1x256xf32> to vector<1000x256xf32>
    %add3A_66 = arith.addf %dot_general3A_61, %add3A_65 : vector<1000x256xf32>
    %swap3A_67 = arith.constant 0 : index
    %swap3A_68 = arith.constant 0 : index
    %swap3A_69 = vector.load %arg14[%swap3A_67, %swap3A_68] : memref<1000x256xf32, #tpu.memory_space<vmem>>, vector<1000x256xf32>
    tpu.vector_store %arg14[%swap3A_67, %swap3A_68], %add3A_66 {strides = array<i32>} : memref<1000x256xf32, #tpu.memory_space<vmem>>, vector<1000x256xf32>,
    %get3A_70 = arith.constant 0 : index
    %get3A_71 = arith.constant 0 : index
    %get3A_72 = vector.load %arg9[%get3A_70, %get3A_71] : memref<256x256xf32, #tpu.memory_space<vmem>>, vector<256x256xf32>
    %dot_general3A_73 = arith.constant dense<0.000000e+00> : vector<1000x256xf32>
    %dot_general3A_74 = tpu.matmul %max3A_44, %get3A_72, %dot_general3A_73 {dimension_numbers = #tpu.dot_dimension_numbers<[1], [0], [0], [1], [0, 0, 1, 1], [], []>, transpose_lhs_hint = false} : vector<1000x256xf32>, vector<256x256xf32>, vector<1000x256xf32> -> vector<1000x256xf32>
    %get3A_75 = arith.constant 0 : index
    %get3A_76 = arith.constant 0 : index
    %get3A_77 = vector.load %arg10[%get3A_75, %get3A_76] : memref<1x256xf32, #tpu.memory_space<vmem>>, vector<1x256xf32>
    %add3A_78 = vector.broadcast %get3A_77 : vector<1x256xf32> to vector<1000x256xf32>
    %add3A_79 = arith.addf %dot_general3A_74, %add3A_78 : vector<1000x256xf32>
    %swap3A_80 = arith.constant 0 : index
    %swap3A_81 = arith.constant 0 : index
    %swap3A_82 = vector.load %arg15[%swap3A_80, %swap3A_81] : memref<1000x256xf32, #tpu.memory_space<vmem>>, vector<1000x256xf32>
    tpu.vector_store %arg15[%swap3A_80, %swap3A_81], %add3A_79 {strides = array<i32>} : memref<1000x256xf32, #tpu.memory_space<vmem>>, vector<1000x256xf32>,
    %get3A_83 = arith.constant 0 : index
    %get3A_84 = arith.constant 0 : index
    %get3A_85 = vector.load %arg11[%get3A_83, %get3A_84] : memref<256x256xf32, #tpu.memory_space<vmem>>, vector<256x256xf32>
    %dot_general3A_86 = arith.constant dense<0.000000e+00> : vector<1000x256xf32>
    %dot_general3A_87 = tpu.matmul %max3A_44, %get3A_85, %dot_general3A_86 {dimension_numbers = #tpu.dot_dimension_numbers<[1], [0], [0], [1], [0, 0, 1, 1], [], []>, transpose_lhs_hint = false} : vector<1000x256xf32>, vector<256x256xf32>, vector<1000x256xf32> -> vector<1000x256xf32>
    %get3A_88 = arith.constant 0 : index
    %get3A_89 = arith.constant 0 : index
    %get3A_90 = vector.load %arg12[%get3A_88, %get3A_89] : memref<1x256xf32, #tpu.memory_space<vmem>>, vector<1x256xf32>
    %add3A_91 = vector.broadcast %get3A_90 : vector<1x256xf32> to vector<1000x256xf32>
    %add3A_92 = arith.addf %dot_general3A_87, %add3A_91 : vector<1000x256xf32>
    %swap3A_93 = arith.constant 0 : index
    %swap3A_94 = arith.constant 0 : index
    %swap3A_95 = vector.load %arg16[%swap3A_93, %swap3A_94] : memref<1000x256xf32, #tpu.memory_space<vmem>>, vector<1000x256xf32>
    tpu.vector_store %arg16[%swap3A_93, %swap3A_94], %add3A_92 {strides = array<i32>} : memref<1000x256xf32, #tpu.memory_space<vmem>>, vector<1000x256xf32>,
    return
  }
  func.func @transform_0(%arg0: i32) -> (i32, i32) {
    %c0_i32 = arith.constant 0 : i32
    %c0_i32_0 = arith.constant 0 : i32
    return %arg0, %c0_i32 : i32, i32
  }
  func.func @transform_1(%arg0: i32) -> (i32, i32) {
    %c0_i32 = arith.constant 0 : i32
    %c0_i32_0 = arith.constant 0 : i32
    return %arg0, %c0_i32 : i32, i32
  }
  func.func @transform_2(%arg0: i32) -> (i32, i32) {
    %c0_i32 = arith.constant 0 : i32
    %c0_i32_0 = arith.constant 0 : i32
    return %arg0, %c0_i32 : i32, i32
  }
  func.func @transform_3(%arg0: i32) -> (i32, i32) {
    %c0_i32 = arith.constant 0 : i32
    %c0_i32_0 = arith.constant 0 : i32
    return %arg0, %c0_i32 : i32, i32
  }
  func.func @transform_4(%arg0: i32) -> (i32, i32) {
    %c0_i32 = arith.constant 0 : i32
    %c0_i32_0 = arith.constant 0 : i32
    %c0_i32_1 = arith.constant 0 : i32
    return %c0_i32, %c0_i32_0 : i32, i32
  }
  func.func @transform_5(%arg0: i32) -> (i32, i32) {
    %c0_i32 = arith.constant 0 : i32
    %c0_i32_0 = arith.constant 0 : i32
    %c0_i32_1 = arith.constant 0 : i32
    return %c0_i32, %c0_i32_0 : i32, i32
  }
  func.func @transform_6(%arg0: i32) -> (i32, i32) {
    %c0_i32 = arith.constant 0 : i32
    %c0_i32_0 = arith.constant 0 : i32
    %c0_i32_1 = arith.constant 0 : i32
    return %c0_i32, %c0_i32_0 : i32, i32
  }
  func.func @transform_7(%arg0: i32) -> (i32, i32) {
    %c0_i32 = arith.constant 0 : i32
    %c0_i32_0 = arith.constant 0 : i32
    %c0_i32_1 = arith.constant 0 : i32
    return %c0_i32, %c0_i32_0 : i32, i32
  }
  func.func @transform_8(%arg0: i32) -> (i32, i32) {
    %c0_i32 = arith.constant 0 : i32
    %c0_i32_0 = arith.constant 0 : i32
    %c0_i32_1 = arith.constant 0 : i32
    return %c0_i32, %c0_i32_0 : i32, i32
  }
  func.func @transform_9(%arg0: i32) -> (i32, i32) {
    %c0_i32 = arith.constant 0 : i32
    %c0_i32_0 = arith.constant 0 : i32
    %c0_i32_1 = arith.constant 0 : i32
    return %c0_i32, %c0_i32_0 : i32, i32
  }
  func.func @transform_10(%arg0: i32) -> (i32, i32) {
    %c0_i32 = arith.constant 0 : i32
    %c0_i32_0 = arith.constant 0 : i32
    %c0_i32_1 = arith.constant 0 : i32
    return %c0_i32, %c0_i32_0 : i32, i32
  }
  func.func @transform_11(%arg0: i32) -> (i32, i32) {
    %c0_i32 = arith.constant 0 : i32
    %c0_i32_0 = arith.constant 0 : i32
    %c0_i32_1 = arith.constant 0 : i32
    return %c0_i32, %c0_i32_0 : i32, i32
  }
  func.func @transform_12(%arg0: i32) -> (i32, i32) {
    %c0_i32 = arith.constant 0 : i32
    %c0_i32_0 = arith.constant 0 : i32
    return %arg0, %c0_i32 : i32, i32
  }
  func.func @transform_13(%arg0: i32) -> (i32, i32) {
    %c0_i32 = arith.constant 0 : i32
    %c0_i32_0 = arith.constant 0 : i32
    return %arg0, %c0_i32 : i32, i32
  }
  func.func @transform_14(%arg0: i32) -> (i32, i32) {
    %c0_i32 = arith.constant 0 : i32
    %c0_i32_0 = arith.constant 0 : i32
    return %arg0, %c0_i32 : i32, i32
  }
  func.func @transform_15(%arg0: i32) -> (i32, i32) {
    %c0_i32 = arith.constant 0 : i32
    %c0_i32_0 = arith.constant 0 : i32
    return %arg0, %c0_i32 : i32, i32
  }
}

module attributes {stable_mosaic.version = 14 : i64} {
  func.func @_proj_body(%arg0: i32, %arg1: memref<1000x128xf32, #tpu.memory_space<vmem>>, %arg2: memref<128x256xf32, #tpu.memory_space<vmem>>, %arg3: memref<1x256xf32, #tpu.memory_space<vmem>>, %arg4: memref<128x256xf32, #tpu.memory_space<vmem>>, %arg5: memref<1x256xf32, #tpu.memory_space<vmem>>, %arg6: memref<128x256xf32, #tpu.memory_space<vmem>>, %arg7: memref<1x256xf32, #tpu.memory_space<vmem>>, %arg8: memref<128x256xf32, #tpu.memory_space<vmem>>, %arg9: memref<1x256xf32, #tpu.memory_space<vmem>>, %arg10: memref<1000x256xf32, #tpu.memory_space<vmem>>, %arg11: memref<1000x256xf32, #tpu.memory_space<vmem>>, %arg12: memref<1000x256xf32, #tpu.memory_space<vmem>>, %arg13: memref<1000x256xf32, #tpu.memory_space<vmem>>) attributes {dimension_semantics = [#tpu.dimension_semantics<arbitrary>], iteration_bounds = array<i64: 10>, scalar_prefetch = 0 : i64, scratch_operands = 0 : i64, tpu.core_type = #tpu.core_type<tc>, window_params = [{transform_indices = @transform_0, window_bounds = array<i64: 1000, 128>}, {pipeline_mode = #tpu.pipeline_mode<synchronous>, transform_indices = @transform_1, window_bounds = array<i64: 128, 256>}, {pipeline_mode = #tpu.pipeline_mode<synchronous>, transform_indices = @transform_2, window_bounds = array<i64: 1, 256>}, {pipeline_mode = #tpu.pipeline_mode<synchronous>, transform_indices = @transform_3, window_bounds = array<i64: 128, 256>}, {pipeline_mode = #tpu.pipeline_mode<synchronous>, transform_indices = @transform_4, window_bounds = array<i64: 1, 256>}, {pipeline_mode = #tpu.pipeline_mode<synchronous>, transform_indices = @transform_5, window_bounds = array<i64: 128, 256>}, {pipeline_mode = #tpu.pipeline_mode<synchronous>, transform_indices = @transform_6, window_bounds = array<i64: 1, 256>}, {pipeline_mode = #tpu.pipeline_mode<synchronous>, transform_indices = @transform_7, window_bounds = array<i64: 128, 256>}, {pipeline_mode = #tpu.pipeline_mode<synchronous>, transform_indices = @transform_8, window_bounds = array<i64: 1, 256>}, {transform_indices = @transform_9, window_bounds = array<i64: 1000, 256>}, {transform_indices = @transform_10, window_bounds = array<i64: 1000, 256>}, {transform_indices = @transform_11, window_bounds = array<i64: 1000, 256>}, {transform_indices = @transform_12, window_bounds = array<i64: 1000, 256>}]} {
    %get3A = arith.constant 0 : index
    %get3A_0 = arith.constant 0 : index
    %get3A_1 = vector.load %arg1[%get3A, %get3A_0] : memref<1000x128xf32, #tpu.memory_space<vmem>>, vector<1000x128xf32>
    %get3A_2 = arith.constant 0 : index
    %get3A_3 = arith.constant 0 : index
    %get3A_4 = vector.load %arg2[%get3A_2, %get3A_3] : memref<128x256xf32, #tpu.memory_space<vmem>>, vector<128x256xf32>
    %dot_general3A = arith.constant dense<0.000000e+00> : vector<1000x256xf32>
    %dot_general3A_5 = tpu.matmul %get3A_1, %get3A_4, %dot_general3A {dimension_numbers = #tpu.dot_dimension_numbers<[1], [0], [0], [1], [0, 0, 1, 1], [], []>, transpose_lhs_hint = false} : vector<1000x128xf32>, vector<128x256xf32>, vector<1000x256xf32> -> vector<1000x256xf32>
    %get3A_6 = arith.constant 0 : index
    %get3A_7 = arith.constant 0 : index
    %get3A_8 = vector.load %arg3[%get3A_6, %get3A_7] : memref<1x256xf32, #tpu.memory_space<vmem>>, vector<1x256xf32>
    %add3A = vector.broadcast %get3A_8 : vector<1x256xf32> to vector<1000x256xf32>
    %add3A_9 = arith.addf %dot_general3A_5, %add3A : vector<1000x256xf32>
    %swap3A = arith.constant 0 : index
    %swap3A_10 = arith.constant 0 : index
    %swap3A_11 = vector.load %arg10[%swap3A, %swap3A_10] : memref<1000x256xf32, #tpu.memory_space<vmem>>, vector<1000x256xf32>
    tpu.vector_store %arg10[%swap3A, %swap3A_10], %add3A_9 {strides = array<i32>} : memref<1000x256xf32, #tpu.memory_space<vmem>>, vector<1000x256xf32>,
    %get3A_12 = arith.constant 0 : index
    %get3A_13 = arith.constant 0 : index
    %get3A_14 = vector.load %arg4[%get3A_12, %get3A_13] : memref<128x256xf32, #tpu.memory_space<vmem>>, vector<128x256xf32>
    %dot_general3A_15 = arith.constant dense<0.000000e+00> : vector<1000x256xf32>
    %dot_general3A_16 = tpu.matmul %get3A_1, %get3A_14, %dot_general3A_15 {dimension_numbers = #tpu.dot_dimension_numbers<[1], [0], [0], [1], [0, 0, 1, 1], [], []>, transpose_lhs_hint = false} : vector<1000x128xf32>, vector<128x256xf32>, vector<1000x256xf32> -> vector<1000x256xf32>
    %get3A_17 = arith.constant 0 : index
    %get3A_18 = arith.constant 0 : index
    %get3A_19 = vector.load %arg5[%get3A_17, %get3A_18] : memref<1x256xf32, #tpu.memory_space<vmem>>, vector<1x256xf32>
    %add3A_20 = vector.broadcast %get3A_19 : vector<1x256xf32> to vector<1000x256xf32>
    %add3A_21 = arith.addf %dot_general3A_16, %add3A_20 : vector<1000x256xf32>
    %swap3A_22 = arith.constant 0 : index
    %swap3A_23 = arith.constant 0 : index
    %swap3A_24 = vector.load %arg11[%swap3A_22, %swap3A_23] : memref<1000x256xf32, #tpu.memory_space<vmem>>, vector<1000x256xf32>
    tpu.vector_store %arg11[%swap3A_22, %swap3A_23], %add3A_21 {strides = array<i32>} : memref<1000x256xf32, #tpu.memory_space<vmem>>, vector<1000x256xf32>,
    %get3A_25 = arith.constant 0 : index
    %get3A_26 = arith.constant 0 : index
    %get3A_27 = vector.load %arg6[%get3A_25, %get3A_26] : memref<128x256xf32, #tpu.memory_space<vmem>>, vector<128x256xf32>
    %dot_general3A_28 = arith.constant dense<0.000000e+00> : vector<1000x256xf32>
    %dot_general3A_29 = tpu.matmul %get3A_1, %get3A_27, %dot_general3A_28 {dimension_numbers = #tpu.dot_dimension_numbers<[1], [0], [0], [1], [0, 0, 1, 1], [], []>, transpose_lhs_hint = false} : vector<1000x128xf32>, vector<128x256xf32>, vector<1000x256xf32> -> vector<1000x256xf32>
    %get3A_30 = arith.constant 0 : index
    %get3A_31 = arith.constant 0 : index
    %get3A_32 = vector.load %arg7[%get3A_30, %get3A_31] : memref<1x256xf32, #tpu.memory_space<vmem>>, vector<1x256xf32>
    %add3A_33 = vector.broadcast %get3A_32 : vector<1x256xf32> to vector<1000x256xf32>
    %add3A_34 = arith.addf %dot_general3A_29, %add3A_33 : vector<1000x256xf32>
    %swap3A_35 = arith.constant 0 : index
    %swap3A_36 = arith.constant 0 : index
    %swap3A_37 = vector.load %arg12[%swap3A_35, %swap3A_36] : memref<1000x256xf32, #tpu.memory_space<vmem>>, vector<1000x256xf32>
    tpu.vector_store %arg12[%swap3A_35, %swap3A_36], %add3A_34 {strides = array<i32>} : memref<1000x256xf32, #tpu.memory_space<vmem>>, vector<1000x256xf32>,
    %get3A_38 = arith.constant 0 : index
    %get3A_39 = arith.constant 0 : index
    %get3A_40 = vector.load %arg8[%get3A_38, %get3A_39] : memref<128x256xf32, #tpu.memory_space<vmem>>, vector<128x256xf32>
    %dot_general3A_41 = arith.constant dense<0.000000e+00> : vector<1000x256xf32>
    %dot_general3A_42 = tpu.matmul %get3A_1, %get3A_40, %dot_general3A_41 {dimension_numbers = #tpu.dot_dimension_numbers<[1], [0], [0], [1], [0, 0, 1, 1], [], []>, transpose_lhs_hint = false} : vector<1000x128xf32>, vector<128x256xf32>, vector<1000x256xf32> -> vector<1000x256xf32>
    %get3A_43 = arith.constant 0 : index
    %get3A_44 = arith.constant 0 : index
    %get3A_45 = vector.load %arg9[%get3A_43, %get3A_44] : memref<1x256xf32, #tpu.memory_space<vmem>>, vector<1x256xf32>
    %add3A_46 = vector.broadcast %get3A_45 : vector<1x256xf32> to vector<1000x256xf32>
    %add3A_47 = arith.addf %dot_general3A_42, %add3A_46 : vector<1000x256xf32>
    %swap3A_48 = arith.constant 0 : index
    %swap3A_49 = arith.constant 0 : index
    %swap3A_50 = vector.load %arg13[%swap3A_48, %swap3A_49] : memref<1000x256xf32, #tpu.memory_space<vmem>>, vector<1000x256xf32>
    tpu.vector_store %arg13[%swap3A_48, %swap3A_49], %add3A_47 {strides = array<i32>} : memref<1000x256xf32, #tpu.memory_space<vmem>>, vector<1000x256xf32>,
    return
  }
  func.func @transform_0(%arg0: i32) -> (i32, i32) {
    %c0_i32 = arith.constant 0 : i32
    %c0_i32_0 = arith.constant 0 : i32
    return %arg0, %c0_i32 : i32, i32
  }
  func.func @transform_1(%arg0: i32) -> (i32, i32) {
    %c0_i32 = arith.constant 0 : i32
    %c0_i32_0 = arith.constant 0 : i32
    %c0_i32_1 = arith.constant 0 : i32
    return %c0_i32, %c0_i32_0 : i32, i32
  }
  func.func @transform_2(%arg0: i32) -> (i32, i32) {
    %c0_i32 = arith.constant 0 : i32
    %c0_i32_0 = arith.constant 0 : i32
    %c0_i32_1 = arith.constant 0 : i32
    return %c0_i32, %c0_i32_0 : i32, i32
  }
  func.func @transform_3(%arg0: i32) -> (i32, i32) {
    %c0_i32 = arith.constant 0 : i32
    %c0_i32_0 = arith.constant 0 : i32
    %c0_i32_1 = arith.constant 0 : i32
    return %c0_i32, %c0_i32_0 : i32, i32
  }
  func.func @transform_4(%arg0: i32) -> (i32, i32) {
    %c0_i32 = arith.constant 0 : i32
    %c0_i32_0 = arith.constant 0 : i32
    %c0_i32_1 = arith.constant 0 : i32
    return %c0_i32, %c0_i32_0 : i32, i32
  }
  func.func @transform_5(%arg0: i32) -> (i32, i32) {
    %c0_i32 = arith.constant 0 : i32
    %c0_i32_0 = arith.constant 0 : i32
    %c0_i32_1 = arith.constant 0 : i32
    return %c0_i32, %c0_i32_0 : i32, i32
  }
  func.func @transform_6(%arg0: i32) -> (i32, i32) {
    %c0_i32 = arith.constant 0 : i32
    %c0_i32_0 = arith.constant 0 : i32
    %c0_i32_1 = arith.constant 0 : i32
    return %c0_i32, %c0_i32_0 : i32, i32
  }
  func.func @transform_7(%arg0: i32) -> (i32, i32) {
    %c0_i32 = arith.constant 0 : i32
    %c0_i32_0 = arith.constant 0 : i32
    %c0_i32_1 = arith.constant 0 : i32
    return %c0_i32, %c0_i32_0 : i32, i32
  }
  func.func @transform_8(%arg0: i32) -> (i32, i32) {
    %c0_i32 = arith.constant 0 : i32
    %c0_i32_0 = arith.constant 0 : i32
    %c0_i32_1 = arith.constant 0 : i32
    return %c0_i32, %c0_i32_0 : i32, i32
  }
  func.func @transform_9(%arg0: i32) -> (i32, i32) {
    %c0_i32 = arith.constant 0 : i32
    %c0_i32_0 = arith.constant 0 : i32
    return %arg0, %c0_i32 : i32, i32
  }
  func.func @transform_10(%arg0: i32) -> (i32, i32) {
    %c0_i32 = arith.constant 0 : i32
    %c0_i32_0 = arith.constant 0 : i32
    return %arg0, %c0_i32 : i32, i32
  }
  func.func @transform_11(%arg0: i32) -> (i32, i32) {
    %c0_i32 = arith.constant 0 : i32
    %c0_i32_0 = arith.constant 0 : i32
    return %arg0, %c0_i32 : i32, i32
  }
  func.func @transform_12(%arg0: i32) -> (i32, i32) {
    %c0_i32 = arith.constant 0 : i32
    %c0_i32_0 = arith.constant 0 : i32
    return %arg0, %c0_i32 : i32, i32
  }
}

module attributes {stable_mosaic.version = 14 : i64} {
  func.func @_edge_body(%arg0: i32, %arg1: memref<2000x256xf32, #tpu.memory_space<vmem>>, %arg2: memref<2000x256xf32, #tpu.memory_space<vmem>>, %arg3: memref<2000x256xf32, #tpu.memory_space<vmem>>, %arg4: memref<2000x128xf32, #tpu.memory_space<vmem>>, %arg5: memref<2000x128xf32, #tpu.memory_space<vmem>>, %arg6: memref<2000x128xf32, #tpu.memory_space<vmem>>) attributes {dimension_semantics = [#tpu.dimension_semantics<arbitrary>], iteration_bounds = array<i64: 160>, scalar_prefetch = 0 : i64, scratch_operands = 0 : i64, tpu.core_type = #tpu.core_type<tc>, window_params = [{transform_indices = @transform_0, window_bounds = array<i64: 2000, 256>}, {transform_indices = @transform_1, window_bounds = array<i64: 2000, 256>}, {transform_indices = @transform_2, window_bounds = array<i64: 2000, 256>}, {transform_indices = @transform_3, window_bounds = array<i64: 2000, 128>}, {transform_indices = @transform_4, window_bounds = array<i64: 2000, 128>}, {transform_indices = @transform_5, window_bounds = array<i64: 2000, 128>}]} {
    %get3A = arith.constant 0 : index
    %get3A_0 = arith.constant 0 : index
    %get3A_1 = vector.load %arg1[%get3A, %get3A_0] : memref<2000x256xf32, #tpu.memory_space<vmem>>, vector<2000x256xf32>
    %get3A_2 = arith.constant 0 : index
    %get3A_3 = arith.constant 0 : index
    %get3A_4 = vector.load %arg2[%get3A_2, %get3A_3] : memref<2000x256xf32, #tpu.memory_space<vmem>>, vector<2000x256xf32>
    %mul3A = arith.mulf %get3A_1, %get3A_4 : vector<2000x256xf32>
    %iota3A = tpu.iota {dimensions = array<i32: 0>} : vector<256x16xi32>
    %iota3A_5 = tpu.iota {dimensions = array<i32: 1>} : vector<256x16xi32>
    %jit3A = arith.constant 32 : i32
    %div3A = vector.broadcast %jit3A : i32 to vector<256x16xi32>
    %div3A_6 = arith.divsi %iota3A, %div3A : vector<256x16xi32>
    %sign3A = arith.constant 0 : i32
    %sign3A_7 = vector.broadcast %sign3A : i32 to vector<256x16xi32>
    %sign3A_8 = arith.cmpi sgt, %iota3A, %sign3A_7 : vector<256x16xi32>
    %sign3A_9 = arith.extui %sign3A_8 : vector<256x16xi1> to vector<256x16xi32>
    %sign3A_10 = arith.constant 0 : i32
    %sign3A_11 = vector.broadcast %sign3A_10 : i32 to vector<256x16xi32>
    %sign3A_12 = arith.cmpi slt, %iota3A, %sign3A_11 : vector<256x16xi32>
    %sign3A_13 = arith.extui %sign3A_12 : vector<256x16xi1> to vector<256x16xi32>
    %sign3A_14 = arith.subi %sign3A_9, %sign3A_13 : vector<256x16xi32>
    %sign3A_15 = arith.constant 0 : i32
    %sign3A_16 = arith.cmpi sgt, %jit3A, %sign3A_15 : i32
    %sign3A_17 = arith.extui %sign3A_16 : i1 to i32
    %sign3A_18 = arith.constant 0 : i32
    %sign3A_19 = arith.cmpi slt, %jit3A, %sign3A_18 : i32
    %sign3A_20 = arith.extui %sign3A_19 : i1 to i32
    %sign3A_21 = arith.subi %sign3A_17, %sign3A_20 : i32
    %ne3A = vector.broadcast %sign3A_21 : i32 to vector<256x16xi32>
    %ne3A_22 = arith.cmpi ne, %sign3A_14, %ne3A : vector<256x16xi32>
    %rem3A = vector.broadcast %jit3A : i32 to vector<256x16xi32>
    %rem3A_23 = arith.remsi %iota3A, %rem3A : vector<256x16xi32>
    %ne3A_24 = arith.constant 0 : i32
    %ne3A_25 = vector.broadcast %ne3A_24 : i32 to vector<256x16xi32>
    %ne3A_26 = arith.cmpi ne, %rem3A_23, %ne3A_25 : vector<256x16xi32>
    %and3A = arith.andi %ne3A_22, %ne3A_26 : vector<256x16xi1>
    %sub3A = arith.constant 1 : i32
    %sub3A_27 = vector.broadcast %sub3A : i32 to vector<256x16xi32>
    %sub3A_28 = arith.subi %div3A_6, %sub3A_27 : vector<256x16xi32>
    %select_n3A = arith.select %and3A, %sub3A_28, %div3A_6 : vector<256x16xi1>, vector<256x16xi32>
    %eq3A = arith.cmpi eq, %select_n3A, %iota3A_5 : vector<256x16xi32>
    %convert_element_type3A = arith.extui %eq3A : vector<256x16xi1> to vector<256x16xi32>
    %convert_element_type3A_29 = arith.sitofp %convert_element_type3A : vector<256x16xi32> to vector<256x16xf32>
    %dot_general3A = arith.constant dense<0.000000e+00> : vector<2000x16xf32>
    %dot_general3A_30 = tpu.matmul %mul3A, %convert_element_type3A_29, %dot_general3A {dimension_numbers = #tpu.dot_dimension_numbers<[1], [0], [0], [1], [0, 0, 1, 1], [], []>, transpose_lhs_hint = false} : vector<2000x256xf32>, vector<256x16xf32>, vector<2000x16xf32> -> vector<2000x16xf32>
    %mul3A_31 = arith.constant 0.176776692 : f32
    %mul3A_32 = vector.broadcast %mul3A_31 : f32 to vector<2000x16xf32>
    %mul3A_33 = arith.mulf %dot_general3A_30, %mul3A_32 : vector<2000x16xf32>
    %exp3A = math.exp %mul3A_33 : vector<2000x16xf32>
    %iota3A_34 = tpu.iota {dimensions = array<i32: 0>} : vector<16x128xi32>
    %iota3A_35 = tpu.iota {dimensions = array<i32: 1>} : vector<16x128xi32>
    %jit3A_36 = arith.constant 16 : i32
    %div3A_37 = vector.broadcast %jit3A_36 : i32 to vector<16x128xi32>
    %div3A_38 = arith.divsi %iota3A_35, %div3A_37 : vector<16x128xi32>
    %sign3A_39 = arith.constant 0 : i32
    %sign3A_40 = vector.broadcast %sign3A_39 : i32 to vector<16x128xi32>
    %sign3A_41 = arith.cmpi sgt, %iota3A_35, %sign3A_40 : vector<16x128xi32>
    %sign3A_42 = arith.extui %sign3A_41 : vector<16x128xi1> to vector<16x128xi32>
    %sign3A_43 = arith.constant 0 : i32
    %sign3A_44 = vector.broadcast %sign3A_43 : i32 to vector<16x128xi32>
    %sign3A_45 = arith.cmpi slt, %iota3A_35, %sign3A_44 : vector<16x128xi32>
    %sign3A_46 = arith.extui %sign3A_45 : vector<16x128xi1> to vector<16x128xi32>
    %sign3A_47 = arith.subi %sign3A_42, %sign3A_46 : vector<16x128xi32>
    %sign3A_48 = arith.constant 0 : i32
    %sign3A_49 = arith.cmpi sgt, %jit3A_36, %sign3A_48 : i32
    %sign3A_50 = arith.extui %sign3A_49 : i1 to i32
    %sign3A_51 = arith.constant 0 : i32
    %sign3A_52 = arith.cmpi slt, %jit3A_36, %sign3A_51 : i32
    %sign3A_53 = arith.extui %sign3A_52 : i1 to i32
    %sign3A_54 = arith.subi %sign3A_50, %sign3A_53 : i32
    %ne3A_55 = vector.broadcast %sign3A_54 : i32 to vector<16x128xi32>
    %ne3A_56 = arith.cmpi ne, %sign3A_47, %ne3A_55 : vector<16x128xi32>
    %rem3A_57 = vector.broadcast %jit3A_36 : i32 to vector<16x128xi32>
    %rem3A_58 = arith.remsi %iota3A_35, %rem3A_57 : vector<16x128xi32>
    %ne3A_59 = arith.constant 0 : i32
    %ne3A_60 = vector.broadcast %ne3A_59 : i32 to vector<16x128xi32>
    %ne3A_61 = arith.cmpi ne, %rem3A_58, %ne3A_60 : vector<16x128xi32>
    %and3A_62 = arith.andi %ne3A_56, %ne3A_61 : vector<16x128xi1>
    %sub3A_63 = arith.constant 1 : i32
    %sub3A_64 = vector.broadcast %sub3A_63 : i32 to vector<16x128xi32>
    %sub3A_65 = arith.subi %div3A_38, %sub3A_64 : vector<16x128xi32>
    %select_n3A_66 = arith.select %and3A_62, %sub3A_65, %div3A_38 : vector<16x128xi1>, vector<16x128xi32>
    %eq3A_67 = arith.cmpi eq, %select_n3A_66, %iota3A_34 : vector<16x128xi32>
    %convert_element_type3A_68 = arith.extui %eq3A_67 : vector<16x128xi1> to vector<16x128xi32>
    %convert_element_type3A_69 = arith.sitofp %convert_element_type3A_68 : vector<16x128xi32> to vector<16x128xf32>
    %dot_general3A_70 = arith.constant dense<0.000000e+00> : vector<2000x128xf32>
    %dot_general3A_71 = tpu.matmul %exp3A, %convert_element_type3A_69, %dot_general3A_70 {dimension_numbers = #tpu.dot_dimension_numbers<[1], [0], [0], [1], [0, 0, 1, 1], [], []>, transpose_lhs_hint = false} : vector<2000x16xf32>, vector<16x128xf32>, vector<2000x128xf32> -> vector<2000x128xf32>
    %swap3A = arith.constant 0 : index
    %swap3A_72 = arith.constant 0 : index
    %swap3A_73 = vector.load %arg6[%swap3A, %swap3A_72] : memref<2000x128xf32, #tpu.memory_space<vmem>>, vector<2000x128xf32>
    tpu.vector_store %arg6[%swap3A, %swap3A_72], %dot_general3A_71 {strides = array<i32>} : memref<2000x128xf32, #tpu.memory_space<vmem>>, vector<2000x128xf32>,
    %iota3A_74 = tpu.iota {dimensions = array<i32: 0>} : vector<16x256xi32>
    %iota3A_75 = tpu.iota {dimensions = array<i32: 1>} : vector<16x256xi32>
    %jit3A_76 = arith.constant 32 : i32
    %div3A_77 = vector.broadcast %jit3A_76 : i32 to vector<16x256xi32>
    %div3A_78 = arith.divsi %iota3A_75, %div3A_77 : vector<16x256xi32>
    %sign3A_79 = arith.constant 0 : i32
    %sign3A_80 = vector.broadcast %sign3A_79 : i32 to vector<16x256xi32>
    %sign3A_81 = arith.cmpi sgt, %iota3A_75, %sign3A_80 : vector<16x256xi32>
    %sign3A_82 = arith.extui %sign3A_81 : vector<16x256xi1> to vector<16x256xi32>
    %sign3A_83 = arith.constant 0 : i32
    %sign3A_84 = vector.broadcast %sign3A_83 : i32 to vector<16x256xi32>
    %sign3A_85 = arith.cmpi slt, %iota3A_75, %sign3A_84 : vector<16x256xi32>
    %sign3A_86 = arith.extui %sign3A_85 : vector<16x256xi1> to vector<16x256xi32>
    %sign3A_87 = arith.subi %sign3A_82, %sign3A_86 : vector<16x256xi32>
    %sign3A_88 = arith.constant 0 : i32
    %sign3A_89 = arith.cmpi sgt, %jit3A_76, %sign3A_88 : i32
    %sign3A_90 = arith.extui %sign3A_89 : i1 to i32
    %sign3A_91 = arith.constant 0 : i32
    %sign3A_92 = arith.cmpi slt, %jit3A_76, %sign3A_91 : i32
    %sign3A_93 = arith.extui %sign3A_92 : i1 to i32
    %sign3A_94 = arith.subi %sign3A_90, %sign3A_93 : i32
    %ne3A_95 = vector.broadcast %sign3A_94 : i32 to vector<16x256xi32>
    %ne3A_96 = arith.cmpi ne, %sign3A_87, %ne3A_95 : vector<16x256xi32>
    %rem3A_97 = vector.broadcast %jit3A_76 : i32 to vector<16x256xi32>
    %rem3A_98 = arith.remsi %iota3A_75, %rem3A_97 : vector<16x256xi32>
    %ne3A_99 = arith.constant 0 : i32
    %ne3A_100 = vector.broadcast %ne3A_99 : i32 to vector<16x256xi32>
    %ne3A_101 = arith.cmpi ne, %rem3A_98, %ne3A_100 : vector<16x256xi32>
    %and3A_102 = arith.andi %ne3A_96, %ne3A_101 : vector<16x256xi1>
    %sub3A_103 = arith.constant 1 : i32
    %sub3A_104 = vector.broadcast %sub3A_103 : i32 to vector<16x256xi32>
    %sub3A_105 = arith.subi %div3A_78, %sub3A_104 : vector<16x256xi32>
    %select_n3A_106 = arith.select %and3A_102, %sub3A_105, %div3A_78 : vector<16x256xi1>, vector<16x256xi32>
    %eq3A_107 = arith.cmpi eq, %select_n3A_106, %iota3A_74 : vector<16x256xi32>
    %convert_element_type3A_108 = arith.extui %eq3A_107 : vector<16x256xi1> to vector<16x256xi32>
    %convert_element_type3A_109 = arith.sitofp %convert_element_type3A_108 : vector<16x256xi32> to vector<16x256xf32>
    %dot_general3A_110 = arith.constant dense<0.000000e+00> : vector<2000x256xf32>
    %dot_general3A_111 = tpu.matmul %exp3A, %convert_element_type3A_109, %dot_general3A_110 {dimension_numbers = #tpu.dot_dimension_numbers<[1], [0], [0], [1], [0, 0, 1, 1], [], []>, transpose_lhs_hint = false} : vector<2000x16xf32>, vector<16x256xf32>, vector<2000x256xf32> -> vector<2000x256xf32>
    %get3A_112 = arith.constant 0 : index
    %get3A_113 = arith.constant 0 : index
    %get3A_114 = vector.load %arg3[%get3A_112, %get3A_113] : memref<2000x256xf32, #tpu.memory_space<vmem>>, vector<2000x256xf32>
    %mul3A_115 = arith.mulf %get3A_114, %dot_general3A_111 : vector<2000x256xf32>
    %slice3A = vector.extract_strided_slice %mul3A_115 {offsets = [0, 0], sizes = [2000, 128], strides = [1, 1]} : vector<2000x256xf32> to vector<2000x128xf32>
    %swap3A_116 = arith.constant 0 : index
    %swap3A_117 = arith.constant 0 : index
    %swap3A_118 = vector.load %arg4[%swap3A_116, %swap3A_117] : memref<2000x128xf32, #tpu.memory_space<vmem>>, vector<2000x128xf32>
    tpu.vector_store %arg4[%swap3A_116, %swap3A_117], %slice3A {strides = array<i32>} : memref<2000x128xf32, #tpu.memory_space<vmem>>, vector<2000x128xf32>,
    %slice3A_119 = vector.extract_strided_slice %mul3A_115 {offsets = [0, 128], sizes = [2000, 128], strides = [1, 1]} : vector<2000x256xf32> to vector<2000x128xf32>
    %swap3A_120 = arith.constant 0 : index
    %swap3A_121 = arith.constant 0 : index
    %swap3A_122 = vector.load %arg5[%swap3A_120, %swap3A_121] : memref<2000x128xf32, #tpu.memory_space<vmem>>, vector<2000x128xf32>
    tpu.vector_store %arg5[%swap3A_120, %swap3A_121], %slice3A_119 {strides = array<i32>} : memref<2000x128xf32, #tpu.memory_space<vmem>>, vector<2000x128xf32>,
    return
  }
  func.func @transform_0(%arg0: i32) -> (i32, i32) {
    %c0_i32 = arith.constant 0 : i32
    %c0_i32_0 = arith.constant 0 : i32
    return %arg0, %c0_i32 : i32, i32
  }
  func.func @transform_1(%arg0: i32) -> (i32, i32) {
    %c0_i32 = arith.constant 0 : i32
    %c0_i32_0 = arith.constant 0 : i32
    return %arg0, %c0_i32 : i32, i32
  }
  func.func @transform_2(%arg0: i32) -> (i32, i32) {
    %c0_i32 = arith.constant 0 : i32
    %c0_i32_0 = arith.constant 0 : i32
    return %arg0, %c0_i32 : i32, i32
  }
  func.func @transform_3(%arg0: i32) -> (i32, i32) {
    %c0_i32 = arith.constant 0 : i32
    %c0_i32_0 = arith.constant 0 : i32
    return %arg0, %c0_i32 : i32, i32
  }
  func.func @transform_4(%arg0: i32) -> (i32, i32) {
    %c0_i32 = arith.constant 0 : i32
    %c0_i32_0 = arith.constant 0 : i32
    return %arg0, %c0_i32 : i32, i32
  }
  func.func @transform_5(%arg0: i32) -> (i32, i32) {
    %c0_i32 = arith.constant 0 : i32
    %c0_i32_0 = arith.constant 0 : i32
    return %arg0, %c0_i32 : i32, i32
  }
}

module attributes {stable_mosaic.version = 14 : i64} {
  func.func @_mlp_body(%arg0: i32, %arg1: memref<1000x128xf32, #tpu.memory_space<vmem>>, %arg2: memref<1000x128xf32, #tpu.memory_space<vmem>>, %arg3: memref<1000x128xf32, #tpu.memory_space<vmem>>, %arg4: memref<1000x256xf32, #tpu.memory_space<vmem>>, %arg5: memref<256x256xf32, #tpu.memory_space<vmem>>, %arg6: memref<1x256xf32, #tpu.memory_space<vmem>>, %arg7: memref<256x256xf32, #tpu.memory_space<vmem>>, %arg8: memref<1x256xf32, #tpu.memory_space<vmem>>, %arg9: memref<1000x256xf32, #tpu.memory_space<vmem>>) attributes {dimension_semantics = [#tpu.dimension_semantics<arbitrary>], iteration_bounds = array<i64: 10>, scalar_prefetch = 0 : i64, scratch_operands = 0 : i64, tpu.core_type = #tpu.core_type<tc>, window_params = [{transform_indices = @transform_0, window_bounds = array<i64: 1000, 128>}, {transform_indices = @transform_1, window_bounds = array<i64: 1000, 128>}, {transform_indices = @transform_2, window_bounds = array<i64: 1000, 128>}, {transform_indices = @transform_3, window_bounds = array<i64: 1000, 256>}, {pipeline_mode = #tpu.pipeline_mode<synchronous>, transform_indices = @transform_4, window_bounds = array<i64: 256, 256>}, {pipeline_mode = #tpu.pipeline_mode<synchronous>, transform_indices = @transform_5, window_bounds = array<i64: 1, 256>}, {pipeline_mode = #tpu.pipeline_mode<synchronous>, transform_indices = @transform_6, window_bounds = array<i64: 256, 256>}, {pipeline_mode = #tpu.pipeline_mode<synchronous>, transform_indices = @transform_7, window_bounds = array<i64: 1, 256>}, {transform_indices = @transform_8, window_bounds = array<i64: 1000, 256>}]} {
    %get3A = arith.constant 0 : index
    %get3A_0 = arith.constant 0 : index
    %get3A_1 = vector.load %arg3[%get3A, %get3A_0] : memref<1000x128xf32, #tpu.memory_space<vmem>>, vector<1000x128xf32>
    %iota3A = tpu.iota {dimensions = array<i32: 0>} : vector<128x256xi32>
    %iota3A_2 = tpu.iota {dimensions = array<i32: 1>} : vector<128x256xi32>
    %jit3A = arith.constant 32 : i32
    %div3A = vector.broadcast %jit3A : i32 to vector<128x256xi32>
    %div3A_3 = arith.divsi %iota3A_2, %div3A : vector<128x256xi32>
    %sign3A = arith.constant 0 : i32
    %sign3A_4 = vector.broadcast %sign3A : i32 to vector<128x256xi32>
    %sign3A_5 = arith.cmpi sgt, %iota3A_2, %sign3A_4 : vector<128x256xi32>
    %sign3A_6 = arith.extui %sign3A_5 : vector<128x256xi1> to vector<128x256xi32>
    %sign3A_7 = arith.constant 0 : i32
    %sign3A_8 = vector.broadcast %sign3A_7 : i32 to vector<128x256xi32>
    %sign3A_9 = arith.cmpi slt, %iota3A_2, %sign3A_8 : vector<128x256xi32>
    %sign3A_10 = arith.extui %sign3A_9 : vector<128x256xi1> to vector<128x256xi32>
    %sign3A_11 = arith.subi %sign3A_6, %sign3A_10 : vector<128x256xi32>
    %sign3A_12 = arith.constant 0 : i32
    %sign3A_13 = arith.cmpi sgt, %jit3A, %sign3A_12 : i32
    %sign3A_14 = arith.extui %sign3A_13 : i1 to i32
    %sign3A_15 = arith.constant 0 : i32
    %sign3A_16 = arith.cmpi slt, %jit3A, %sign3A_15 : i32
    %sign3A_17 = arith.extui %sign3A_16 : i1 to i32
    %sign3A_18 = arith.subi %sign3A_14, %sign3A_17 : i32
    %ne3A = vector.broadcast %sign3A_18 : i32 to vector<128x256xi32>
    %ne3A_19 = arith.cmpi ne, %sign3A_11, %ne3A : vector<128x256xi32>
    %rem3A = vector.broadcast %jit3A : i32 to vector<128x256xi32>
    %rem3A_20 = arith.remsi %iota3A_2, %rem3A : vector<128x256xi32>
    %ne3A_21 = arith.constant 0 : i32
    %ne3A_22 = vector.broadcast %ne3A_21 : i32 to vector<128x256xi32>
    %ne3A_23 = arith.cmpi ne, %rem3A_20, %ne3A_22 : vector<128x256xi32>
    %and3A = arith.andi %ne3A_19, %ne3A_23 : vector<128x256xi1>
    %sub3A = arith.constant 1 : i32
    %sub3A_24 = vector.broadcast %sub3A : i32 to vector<128x256xi32>
    %sub3A_25 = arith.subi %div3A_3, %sub3A_24 : vector<128x256xi32>
    %select_n3A = arith.select %and3A, %sub3A_25, %div3A_3 : vector<128x256xi1>, vector<128x256xi32>
    %mul3A = arith.constant 16 : i32
    %mul3A_26 = vector.broadcast %mul3A : i32 to vector<128x256xi32>
    %mul3A_27 = arith.muli %select_n3A, %mul3A_26 : vector<128x256xi32>
    %eq3A = arith.cmpi eq, %iota3A, %mul3A_27 : vector<128x256xi32>
    %convert_element_type3A = arith.extui %eq3A : vector<128x256xi1> to vector<128x256xi32>
    %convert_element_type3A_28 = arith.sitofp %convert_element_type3A : vector<128x256xi32> to vector<128x256xf32>
    %dot_general3A = arith.constant dense<0.000000e+00> : vector<1000x256xf32>
    %dot_general3A_29 = tpu.matmul %get3A_1, %convert_element_type3A_28, %dot_general3A {dimension_numbers = #tpu.dot_dimension_numbers<[1], [0], [0], [1], [0, 0, 1, 1], [], []>, transpose_lhs_hint = false} : vector<1000x128xf32>, vector<128x256xf32>, vector<1000x256xf32> -> vector<1000x256xf32>
    %get3A_30 = arith.constant 0 : index
    %get3A_31 = arith.constant 0 : index
    %get3A_32 = vector.load %arg1[%get3A_30, %get3A_31] : memref<1000x128xf32, #tpu.memory_space<vmem>>, vector<1000x128xf32>
    %get3A_33 = arith.constant 0 : index
    %get3A_34 = arith.constant 0 : index
    %get3A_35 = vector.load %arg2[%get3A_33, %get3A_34] : memref<1000x128xf32, #tpu.memory_space<vmem>>, vector<1000x128xf32>
    %concatenate3A = tpu.concatenate %get3A_32, %get3A_35 in 1 : vector<1000x128xf32>, vector<1000x128xf32> -> vector<1000x256xf32>
    %add3A = arith.constant 1.000000e-16 : f32
    %add3A_36 = vector.broadcast %add3A : f32 to vector<1000x256xf32>
    %add3A_37 = arith.addf %dot_general3A_29, %add3A_36 : vector<1000x256xf32>
    %div3A_38 = arith.divf %concatenate3A, %add3A_37 : vector<1000x256xf32>
    %get3A_39 = arith.constant 0 : index
    %get3A_40 = arith.constant 0 : index
    %get3A_41 = vector.load %arg4[%get3A_39, %get3A_40] : memref<1000x256xf32, #tpu.memory_space<vmem>>, vector<1000x256xf32>
    %add3A_42 = arith.addf %div3A_38, %get3A_41 : vector<1000x256xf32>
    %max3A = arith.constant 0.000000e+00 : f32
    %max3A_43 = vector.broadcast %max3A : f32 to vector<1000x256xf32>
    %max3A_44 = arith.maximumf %add3A_42, %max3A_43 : vector<1000x256xf32>
    %get3A_45 = arith.constant 0 : index
    %get3A_46 = arith.constant 0 : index
    %get3A_47 = vector.load %arg5[%get3A_45, %get3A_46] : memref<256x256xf32, #tpu.memory_space<vmem>>, vector<256x256xf32>
    %dot_general3A_48 = arith.constant dense<0.000000e+00> : vector<1000x256xf32>
    %dot_general3A_49 = tpu.matmul %max3A_44, %get3A_47, %dot_general3A_48 {dimension_numbers = #tpu.dot_dimension_numbers<[1], [0], [0], [1], [0, 0, 1, 1], [], []>, transpose_lhs_hint = false} : vector<1000x256xf32>, vector<256x256xf32>, vector<1000x256xf32> -> vector<1000x256xf32>
    %get3A_50 = arith.constant 0 : index
    %get3A_51 = arith.constant 0 : index
    %get3A_52 = vector.load %arg6[%get3A_50, %get3A_51] : memref<1x256xf32, #tpu.memory_space<vmem>>, vector<1x256xf32>
    %add3A_53 = vector.broadcast %get3A_52 : vector<1x256xf32> to vector<1000x256xf32>
    %add3A_54 = arith.addf %dot_general3A_49, %add3A_53 : vector<1000x256xf32>
    %max3A_55 = arith.constant 0.000000e+00 : f32
    %max3A_56 = vector.broadcast %max3A_55 : f32 to vector<1000x256xf32>
    %max3A_57 = arith.maximumf %add3A_54, %max3A_56 : vector<1000x256xf32>
    %get3A_58 = arith.constant 0 : index
    %get3A_59 = arith.constant 0 : index
    %get3A_60 = vector.load %arg7[%get3A_58, %get3A_59] : memref<256x256xf32, #tpu.memory_space<vmem>>, vector<256x256xf32>
    %dot_general3A_61 = arith.constant dense<0.000000e+00> : vector<1000x256xf32>
    %dot_general3A_62 = tpu.matmul %max3A_57, %get3A_60, %dot_general3A_61 {dimension_numbers = #tpu.dot_dimension_numbers<[1], [0], [0], [1], [0, 0, 1, 1], [], []>, transpose_lhs_hint = false} : vector<1000x256xf32>, vector<256x256xf32>, vector<1000x256xf32> -> vector<1000x256xf32>
    %get3A_63 = arith.constant 0 : index
    %get3A_64 = arith.constant 0 : index
    %get3A_65 = vector.load %arg8[%get3A_63, %get3A_64] : memref<1x256xf32, #tpu.memory_space<vmem>>, vector<1x256xf32>
    %add3A_66 = vector.broadcast %get3A_65 : vector<1x256xf32> to vector<1000x256xf32>
    %add3A_67 = arith.addf %dot_general3A_62, %add3A_66 : vector<1000x256xf32>
    %max3A_68 = arith.constant 0.000000e+00 : f32
    %max3A_69 = vector.broadcast %max3A_68 : f32 to vector<1000x256xf32>
    %max3A_70 = arith.maximumf %add3A_67, %max3A_69 : vector<1000x256xf32>
    %swap3A = arith.constant 0 : index
    %swap3A_71 = arith.constant 0 : index
    %swap3A_72 = vector.load %arg9[%swap3A, %swap3A_71] : memref<1000x256xf32, #tpu.memory_space<vmem>>, vector<1000x256xf32>
    tpu.vector_store %arg9[%swap3A, %swap3A_71], %max3A_70 {strides = array<i32>} : memref<1000x256xf32, #tpu.memory_space<vmem>>, vector<1000x256xf32>,
    return
  }
  func.func @transform_0(%arg0: i32) -> (i32, i32) {
    %c0_i32 = arith.constant 0 : i32
    %c0_i32_0 = arith.constant 0 : i32
    return %arg0, %c0_i32 : i32, i32
  }
  func.func @transform_1(%arg0: i32) -> (i32, i32) {
    %c0_i32 = arith.constant 0 : i32
    %c0_i32_0 = arith.constant 0 : i32
    return %arg0, %c0_i32 : i32, i32
  }
  func.func @transform_2(%arg0: i32) -> (i32, i32) {
    %c0_i32 = arith.constant 0 : i32
    %c0_i32_0 = arith.constant 0 : i32
    return %arg0, %c0_i32 : i32, i32
  }
  func.func @transform_3(%arg0: i32) -> (i32, i32) {
    %c0_i32 = arith.constant 0 : i32
    %c0_i32_0 = arith.constant 0 : i32
    return %arg0, %c0_i32 : i32, i32
  }
  func.func @transform_4(%arg0: i32) -> (i32, i32) {
    %c0_i32 = arith.constant 0 : i32
    %c0_i32_0 = arith.constant 0 : i32
    %c0_i32_1 = arith.constant 0 : i32
    return %c0_i32, %c0_i32_0 : i32, i32
  }
  func.func @transform_5(%arg0: i32) -> (i32, i32) {
    %c0_i32 = arith.constant 0 : i32
    %c0_i32_0 = arith.constant 0 : i32
    %c0_i32_1 = arith.constant 0 : i32
    return %c0_i32, %c0_i32_0 : i32, i32
  }
  func.func @transform_6(%arg0: i32) -> (i32, i32) {
    %c0_i32 = arith.constant 0 : i32
    %c0_i32_0 = arith.constant 0 : i32
    %c0_i32_1 = arith.constant 0 : i32
    return %c0_i32, %c0_i32_0 : i32, i32
  }
  func.func @transform_7(%arg0: i32) -> (i32, i32) {
    %c0_i32 = arith.constant 0 : i32
    %c0_i32_0 = arith.constant 0 : i32
    %c0_i32_1 = arith.constant 0 : i32
    return %c0_i32, %c0_i32_0 : i32, i32
  }
  func.func @transform_8(%arg0: i32) -> (i32, i32) {
    %c0_i32 = arith.constant 0 : i32
    %c0_i32_0 = arith.constant 0 : i32
    return %arg0, %c0_i32 : i32, i32
  }
}

</mosaic_0001>

<sc_bundles>
// kernel: kernel.11.cloned.1.call-start
scs
__scs_entry_jumppad:
0x0: {  	(pc) =	sbr.rel $0x88, $3  }
0x1: {  	(tag) =	ssettag $0x0;
	lr =	simm.s32 $0x1  }
0x2: {  	[smem:$0x3F8B] =	sst lr;
	_ =	strace $0xD0000000  }
0x3: {  	_ = 	snop  }
0x4: {  	_ = 	snop  }
0x5: {  	_ = 	snop  }
0x6: {  	_ = 	snop  }
0x7: {  	_ = 	snop  }
__scs_overlays_trampoline_lowered:
0x8: {  	[smem:$0x3F9A] =	sst s0  }
0x9: {  	[smem:$0x3F9B] =	sst s1  }
0xa: {  	[smem:$0x3F9C] =	sst s2  }
0xb: {  	[smem:$0x3F9D] =	sst s3  }
0xc: {  	[smem:$0x3F9E] =	sst s4  }
0xd: {  	[smem:$0x3F9F] =	sst s5  }
0xe: {  	[smem:$0x3FA0] =	sst s6  }
0xf: {  	[smem:$0x3FA1] =	sst s7  }
0x10: {  	[smem:$0x3FA2] =	sst s8  }
0x11: {  	[smem:$0x3FA3] =	sst s9;
	s0 =	simm.s32 @!p0 $0x0  }
0x12: {  	s1 =	sld [smem:$0x3F89];
	s0 =	simm.s32 @p0 $0x1  }
0x13: {  	[smem:$0x3FA4] =	sst s0;
	s0 =	simm.s32 @!p1 $0x0  }
0x14: {  	s2 =	sld [smem:$0x3F88];
	s0 =	simm.s32 @p1 $0x1  }
0x15: {  	[smem:$0x3FA5] =	sst s0;
	s0 =	simm.s32 @!p2 $0x0  }
0x16: {  	s3 =	sld [smem:$0x3FDB];
	s0 =	simm.s32 @p2 $0x1  }
0x17: {  	s4 =	simm.s32 $0x1BF5;
	[smem:$0x3FA7] =	sst s0  }
0x18: {  	s0 =	sld [smem:$0x3F8A];
	_ =	swait.ge [sflag:s4], $0x0  }
0x19: {  	s7 =	sld [smem:$0x3F8B]  }
0x1a: {  	s8 =	sadd.s32 $0xFFFFE003, lr  }
0x1b: {  	s9 =	sadd.s32 $0xFFFFFEF7, lr;
	s5 =	simm.s32 $0xFFFFFFFF;
	p2 =	slt.u32 s8, $0xFFFFF086  }
0x1c: {  	p1 =	slt.u32 s9, $0xF7A;
	s5 =	simm.s32 @!p2 $0x0  }
0x1d: {  	s5 =	simm.s32 @p1 $0x1;
	p0 =	seq.s32 s7, s2  }
0x1e: {  	s7 =	smul.u32 @!p0 $0xF7A, s2;
	p2 =	seq.s32 @!p0 s5, $0x0  }
0x1f: {  	s9 =	smul.u32 $0xF7A, s1;
	s8 =	simm.s32 @!p0 $0x1BF5;
	p2 =	por !p2, p0  }
0x20: {  	[sflag:s8] =	ssyncset.s32 @!p0 $0xFFFFF086;
	s6 =	sadd.s32 @!p0 s3, s7;
	s7 =	simm.s32 @!p0 $0x108  }
0x21: {  	s3 =	sadd.s32 s3, s9;
	s6 =	sadd.s32 @!p0 $0x88, s6;
	s7 =	simm.s32 @p2 $0x1082  }
0x22: {  	[simem:s7], [sflag:s8] =	dma.local @!p0 [hbm:s6], $0xF7A  }
0x23: {  	s9 =	sor.u32 $0xD0000000, s2;
	s6 =	simm.s32 $0x108;
	_ =	swait.ge @!p0 [sflag:s8], $0x0  }
0x24: {  	s3 =	sadd.s32 $0x88, s3;
	s6 =	simm.s32 @!p1 $0x1082;
	[sflag:s4] =	ssyncset.s32 $0xFFFFF086  }
0x25: {  	[simem:s6], [sflag:s4] =	dma.local [hbm:s3], $0xF7A  }
0x26: {  	[smem:$0x3F8B] =	sst s1;
	(tag) =	ssettag s2;
	_ =	strace s9  }
0x27: {  	s1 =	sld [smem:$0x3F9B]  }
0x28: {  	s2 =	sld [smem:$0x3F9C]  }
0x29: {  	s4 =	sld [smem:$0x3F9E]  }
0x2a: {  	p0 =	seq.s32 s5, $0x0;
	s5 =	sld [smem:$0x3F9F]  }
0x2b: {  	s6 =	sld [smem:$0x3FA0]  }
0x2c: {  	s7 =	sld [smem:$0x3FA1]  }
0x2d: {  	s3 =	simm.s32 $0x108;
	s8 =	sld [smem:$0x3FA2]  }
0x2e: {  	s3 =	simm.s32 @!p0 $0x1082;
	s9 =	sld [smem:$0x3FA3]  }
0x2f: {  	lr =	sadd.s32 s0, s3;
	s0 =	sld [smem:$0x3F9A]  }
0x30: {  	s3 =	sld [smem:$0x3F9D]  }
0x31: {  	[smem:$0x3FA6] =	sst s10  }
0x32: {  	s10 =	sld [smem:$0x3FA4];
	_ =	sdelay $0x3  }
0x33: {  	p0 =	seq.s32 s10, $0x1;
	s10 =	sld [smem:$0x3FA6];
	_ =	sdelay $0x3  }
0x34: {  	[smem:$0x3FA6] =	sst s10  }
0x35: {  	s10 =	sld [smem:$0x3FA5];
	_ =	sdelay $0x3  }
0x36: {  	p1 =	seq.s32 s10, $0x1;
	s10 =	sld [smem:$0x3FA6];
	_ =	sdelay $0x3  }
0x37: {  	[smem:$0x3FA6] =	sst s10  }
0x38: {  	s10 =	sld [smem:$0x3FA7]  }
0x39: {  	_ = 	snop;
	(pc) =	sbr.ind lr, $3  }
0x3a: {  	_ = 	snop  }
0x3b: {  	_ = 	snop  }
0x3c: {  	p2 =	seq.s32 s10, $0x1;
	s10 =	sld [smem:$0x3FA6]  }
0x3d: {  	_ =	shalt  }
0x3e: {  	_ =	shalt  }
0x3f: {  	_ =	shalt  }
0x40: {  	_ =	shalt  }
0x41: {  	_ =	shalt  }
0x42: {  	_ =	shalt  }
0x43: {  	_ =	shalt  }
0x44: {  	_ =	shalt  }
0x45: {  	_ =	shalt  }
0x46: {  	_ =	shalt  }
0x47: {  	_ =	shalt  }
0x48: {  	_ =	shalt  }
0x49: {  	_ =	shalt  }
0x4a: {  	_ =	shalt  }
0x4b: {  	_ =	shalt  }
0x4c: {  	_ =	shalt  }
0x4d: {  	_ =	shalt  }
0x4e: {  	_ =	shalt  }
0x4f: {  	_ =	shalt  }
0x50: {  	_ =	shalt  }
0x51: {  	_ =	shalt  }
0x52: {  	_ =	shalt  }
0x53: {  	_ =	shalt  }
0x54: {  	_ =	shalt  }
0x55: {  	_ =	shalt  }
0x56: {  	_ =	shalt  }
0x57: {  	_ =	shalt  }
0x58: {  	_ =	shalt  }
0x59: {  	_ =	shalt  }
0x5a: {  	_ =	shalt  }
0x5b: {  	_ =	shalt  }
0x5c: {  	_ =	shalt  }
0x5d: {  	_ =	shalt  }
0x5e: {  	_ =	shalt  }
0x5f: {  	_ =	shalt  }
0x60: {  	_ =	shalt  }
0x61: {  	_ =	shalt  }
0x62: {  	_ =	shalt  }
0x63: {  	_ =	shalt  }
0x64: {  	_ =	shalt  }
0x65: {  	_ =	shalt  }
0x66: {  	_ =	shalt  }
0x67: {  	_ =	shalt  }
0x68: {  	_ =	shalt  }
0x69: {  	_ =	shalt  }
0x6a: {  	_ =	shalt  }
0x6b: {  	_ =	shalt  }
0x6c: {  	_ =	shalt  }
0x6d: {  	_ =	shalt  }
0x6e: {  	_ =	shalt  }
0x6f: {  	_ =	shalt  }
0x70: {  	_ =	shalt  }
0x71: {  	_ =	shalt  }
0x72: {  	_ =	shalt  }
0x73: {  	_ =	shalt  }
0x74: {  	_ =	shalt  }
0x75: {  	_ =	shalt  }
0x76: {  	_ =	shalt  }
0x77: {  	_ =	shalt  }
0x78: {  	_ =	shalt  }
0x79: {  	_ =	shalt  }
0x7a: {  	_ =	shalt  }
0x7b: {  	_ =	shalt  }
0x7c: {  	_ =	shalt  }
0x7d: {  	_ =	shalt  }
0x7e: {  	_ =	shalt  }
0x7f: {  	_ =	shalt  }
0x80: {  	_ =	shalt  }
0x81: {  	_ =	shalt  }
0x82: {  	_ =	shalt  }
0x83: {  	_ =	shalt  }
0x84: {  	_ =	shalt  }
0x85: {  	_ =	shalt  }
0x86: {  	_ =	shalt  }
0x87: {  	_ =	shalt  }
.Lfunc_end0:
.L_simem_size_0:
called_computation_lowered:
.L_overlay_start_0:
0x88: {  	s2 =	sld [smem:$0x3FD9]  }
0x89: {  	s3 =	sld [smem:$0x3FFE];
	_ =	sdelay $0x1  }
0x8a: {  	s1 =	srdreg.scid  }
0x8b: {  	s0 =	sand.u32 $0x1, s1  }
0x8c: {  	s17 =	sshll.u32 s0, $0xA;
	s2 =	sadd.s32 s3, s2  }
0x8d: {  	s2 =	sadd.s32 s2, s17  }
0x8e: {  	[smem:$0x3FB2] =	sst s2  }
0x8f: {  	_ = 	snop  }
0x90: {  	s2 =	sld [smem:$0x3FD0];
	(tm) =	ssettm $0x1  }
0x91: {  	s18 =	sld [smem:$0x3FFB];
	_ =	sdelay $0x3  }
0x92: {  	_ =	strace s18  }
0x93: {  	s3 =	sld [smem:$0x3FFC];
	_ =	sdelay $0x3  }
0x94: {  	_ =	strace s3  }
0x95: {  	s3 =	sld [smem:$0x3FFD];
	_ =	sdelay $0x3  }
0x96: {  	_ =	strace s3  }
0x97: {  	_ =	strace $0x8FFFFFFF  }
0x98: {  	s19 =	sld [smem:$0x3FDB];
	_ =	sdelay $0x1  }
0x99: {  	s4 =	simm.s32 $_scs_section_size  }
0x9a: {  	s5 =	simm.s32 $_size__tile_overlayer_lowered;
	s6 =	simm.s32 $_tile_overlayer_lowered  }
0x9b: {  	s22 =	simm.s32 $0x1BFF;
	s21 =	sshll.u32 s6, $0x1;
	s3 =	sadd.s32 s4, s19  }
0x9c: {  	s7 =	simm.s32 $0x0;
	s20 =	sshll.u32 s5, $0x1;
	s5 =	sadd.s32 s21, s3  }
0x9d: {  	[timem:s7], [sflag:s22] =	dma.local [hbm:s5], s20  }
0x9e: {  	_ =	swait.ge [sflag:s22], s20  }
0x9f: {  	s4 =	ssub.s32 $0x0, s20;
	[sflag:s22] =	ssyncset.done $0x0  }
0xa0: {  	[sflag:s22] =	ssyncadd.s32 s4;
	_ =	sdelay $0x1  }
0xa1: {  	s23 =	simm.s32 $0x1B8B  }
0xa2: {  	_ =	swait.ge [sflag:s23], $0x1  }
0xa3: {  	[sflag:s23] =	ssyncset.done $0x0  }
0xa4: {  	s25 =	simm.s32 $0x1B8E;
	s24 =	sld [smem:$0x3FFE];
	[sflag:s23] =	ssyncadd.s32 $0xFFFFFFFF  }
0xa5: {  	s26 =	simm.s32 $execute0_lowered;
	[smem:$0x3FD2] =	sst s25  }
0xa6: {  	s5 =	sshll.u32 s26, $0x1;
	_ =	strace $0x80000046;
	[dreg:$0x1] =	wrdreg $0xFFFFFFFF  }
0xa7: {  	s28 =	simm.s32 $_size_execute0_lowered;
	s3 =	sadd.s32 s3, s5;
	[dreg:$0x0] =	wrdreg $0x0  }
0xa8: {  	s5 =	sshll.u32 s28, $0x1;
	[dreg:$0x2] =	wrdreg s3  }
0xa9: {  	[dreg:$0x3] =	wrdreg s5  }
0xaa: {  	[dreg:$0x4] =	wrdreg $0xC0  }
0xab: {  	_ =	task [dreg:s7], $0x5FFFF  }
0xac: {  	[dreg:$0x1] =	wrdreg $0xFFFFFFFF  }
0xad: {  	[dreg:$0x0] =	wrdreg $0x60  }
0xae: {  	[dreg:$0x2] =	wrdreg s24  }
0xaf: {  	[dreg:$0x3] =	wrdreg s2  }
0xb0: {  	[dreg:$0x4] =	wrdreg $0x9  }
0xb1: {  	_ =	task.clear_ibuf [dreg:s7], $0x5FFFF;
	_ =	strace $0x90000046  }
0xb2: {  	s29 =	simm.s32 $0x9;
	_ =	strace $0x80000048  }
0xb3: {  	_ =	swait.ge [sflag:s29], $0x1  }
0xb4: {  	[sflag:s29] =	ssyncadd.s32 $0xFFFFFFFF  }
0xb5: {  	_ =	strace $0x90000048  }
0xb6: {  	_ =	sfence  }
0xb7: {  	s30 =	sld [smem:$0x0];
	_ =	sdelay $0x2  }
0xb8: {  	s31 =	sshll.u32 s1, $0xD;
	s1 =	sshrl.u32 s1, $0x2  }
0xb9: {  	s3 =	sand.u32 $0x4000, s31;
	s1 =	sadd.s32 s1, s30  }
0xba: {  	s0 =	sor.u32 s3, s0;
	s1 =	sshll.u32 s1, $0x11  }
0xbb: {  	s0 =	sor.u32 s1, s0  }
0xbc: {  	s0 =	sadd.s32 $0x8F2B, s0  }
0xbd: {  	[sflag:s0] =	ssyncadd.remote.s32 $0x1  }
0xbe: {  	_ =	sfence.sel $0xFFFF  }
0xbf: {  	[dreg:$0x0] =	wrdreg $0xFFFFFFFF;
	(pc) =	sbr.abs _section_cstart, $3  }
0xc0: {  	[dreg:$0x1] =	wrdreg $0xFFFFFFFF  }
0xc1: {  	_ =	task.clear_ibuf [dreg:s7], $0x2FFFF;
	_ =	strace $0x9FFFFFFF  }
0xc2: {  	(tm) =	ssettm $0x7FFFFFFF  }
0xc3: {  	_ =	shalt  }
tec
execute0_lowered:
.L_overlay_start_1:
0x0: {  	(tag) =	ssettag $0x1  }
0x1: {  	s6 =	rddreg [dreg:$0x0]  }
0x2: {  	s2 =	rddreg [dreg:$0x1];
	s3 =	simm.s32 $0x0  }
0x3: {  	s12 =	simm.s32 $0x80;
	[smem:$0x7FF] =	sst s3  }
0x4: {  	s9 =	simm.s32 $0x900;
	_ =	strace $0x80000047;
	[dreg:$0x6] =	wrdreg s12  }
0x5: {  	s13 =	simm.s32 $0x1100;
	[dreg:$0x7] =	wrdreg s9  }
0x6: {  	s1 =	srdreg.scid;
	s14 =	simm.s32 $0x1900;
	[dreg:$0x8] =	wrdreg s13  }
0x7: {  	s0 =	stileid.u32;
	s15 =	simm.s32 $0x2100;
	[dreg:$0x9] =	wrdreg s14  }
0x8: {  	s17 =	simm.s32 $0x2900;
	s18 =	simm.s32 $0x3100;
	[dreg:$0xa] =	wrdreg s15  }
0x9: {  	s20 =	simm.s32 $0x3900;
	s21 =	simm.s32 $0x4100;
	[dreg:$0xb] =	wrdreg s17  }
0xa: {  	s23 =	simm.s32 $0x4900;
	s24 =	simm.s32 $0x5900;
	[dreg:$0xc] =	wrdreg s18  }
0xb: {  	s25 =	simm.s32 $0x6100;
	s26 =	simm.s32 $0x6900;
	[dreg:$0xd] =	wrdreg s20  }
0xc: {  	s10 =	simm.s32 $0x2;
	s30 =	simm.s32 $0x7100;
	[dreg:$0xe] =	wrdreg s21  }
0xd: {  	s31 =	simm.s32 $0x7900;
	s4 =	smul.u32 $0x9C400, s0;
	[dreg:$0xf] =	wrdreg s23  }
0xe: {  	s1 =	sand.u32 $0x1, s1;
	s11 =	smul.u32 $0x4E20, s0;
	[dreg:$0x10] =	wrdreg s24  }
0xf: {  	s28 =	simm.s32 $0x3;
	s5 =	smul.u32 $0x4E200, s1;
	[dreg:$0x11] =	wrdreg s25  }
0x10: {  	s29 =	simm.s32 $0x0;
	s8 =	smul.u32 $0x2710, s1;
	[dreg:$0x12] =	wrdreg s26  }
0x11: {  	s1 =	ssub.s32 $0x2, s1;
	s9 =	simm.s32 $0x1;
	[dreg:$0x13] =	wrdreg s30  }
0x12: {  	s12 =	simm.s32 $0x5100;
	[dreg:$0x14] =	wrdreg s31;
	s13 =	simm.s32 $0x8100  }
0x13: {  	s14 =	simm.s32 $0x8900;
	s15 =	simm.s32 $0x9100;
	s17 =	simm.s32 $0xA100  }
0x14: {  	s18 =	simm.s32 $0xA900;
	s20 =	simm.s32 $0xB900;
	s21 =	simm.s32 $0xC100  }
0x15: {  	s23 =	simm.s32 $0xD100;
	s24 =	simm.s32 $0xD900;
	s4 =	sadd.s32 s4, s6  }
0x16: {  	s25 =	simm.s32 $0xE100;
	s19 =	sshrl.u32 s1, $0x1;
	s5 =	sadd.s32 s5, s4  }
0x17: {  	s26 =	simm.s32 $0xE900;
	s1 =	ssub.s32 s1, s19;
	s4 =	sadd.s32 $0x103A00, s5  }
0x18: {  	s19 =	simm.s32 $0xB100;
	s7 =	sadd.s32 $0xAC7A00, s5;
	[dreg:$0x3] =	wrdreg s4  }
0x19: {  	s5 =	sadd.s32 $0x148BA00, s5;
	s22 =	smax.u32 s1, $0x1;
	[dreg:$0x4] =	wrdreg s7  }
0x1a: {  	s4 =	sadd.s32 $0xB5800, s6;
	[dreg:$0x5] =	wrdreg s5;
	s7 =	sadd.s32 s8, s11  }
0x1b: {  	v2 =	vlaneseq.u32;
	s5 =	sadd.s32 $0x19400, s6;
	[dreg:$0x15] =	wrdreg s22;
	s7 =	sshrl.u32 s7, $0x3  }
0x1c: {  	vm0 =	vmmov $0xffff;
	v1 =	vshrl.u32 v2, $0x3;
	s11 =	simm.s32 $0x100;
	s22 =	simm.s32 $0xC900;
	s16 =	sadd.s32 s7, s6  }
0x1d: {  	v0 =	vand.u32 $0x7, v2;
	v2 =	vor.u32 $0x8, v2;
	v1 =	vmul.u32 $0x8, v1;
	s7 =	sadd.s32 $0x5800, s16;
	s8 =	sadd.s32 $0xF600, s16;
	s16 =	simm.s32 $0x9900  }
.LBB2_1:
0x1e: {  	s30 =	smov.u32 s8;
	s31 =	smov.u32 s7;
	s1 =	simm.s32 $0x0  }
.LBB2_2:
0x1f: {  	[tilespmem:s3], [sflag:$0x1] =	stream.linear.gather [hbm4b:s30+s3], $0x50, $0x38;
	[tilespmem:$0xF100] =	vst v63  }
0x20: {  	s0 =	rddreg [dreg:$0x6]  }
0x21: {  	[tilespmem:s0], [sflag:$0x2] =	stream.linear.gather [hbm4b:s31+s3], $0x50, $0x38;
	[tilespmem:$0xF100] =	vst v63  }
0x22: {  	_ =	swait.ge [sflag:s9], $0x50  }
0x23: {  	[sflag:s9] =	ssyncset.done $0x0  }
0x24: {  	[sflag:s9] =	ssyncadd.s32 $0xFFFFFFB0  }
0x25: {  	_ =	swait.ge [sflag:s10], $0x50  }
0x26: {  	[sflag:s10] =	ssyncset.done $0x0  }
0x27: {  	[sflag:s10] =	ssyncadd.s32 $0xFFFFFFB0  }
0x28: {  	v3 =	vld [tilespmem:$0x0];
	_ =	sdelay $0x4  }
0x29: {  	v4 =	vshll.u32 v3, $0x1  }
0x2a: {  	v3 =	vand.u32 $0x7, v3;
	v4 =	vand.u32 $0xFFFFFFF0, v4  }
0x2b: {  	v3 =	vor.u32 v3, v4  }
0x2c: {  	v4 =	vperm.xlane v3, v0;
	_ =	sdelay $0x1  }
0x2d: {  	v3 =	vperm.xlane v3, v2;
	v4 =	vadd.s32 v1, v4;
	_ =	sdelay $0x1  }
0x2e: {  	v3 =	vadd.s32 v1, v3;
	_ =	sdelay $0x2  }
0x2f: {  	[tilespmem:s11], [sflag:$0x1] =	stream.indirect_vreg.gather [hbm4b:s4+s3], $0x80, v4, vm0, $0xb8;
	[tilespmem:$0xF100] =	vst v63  }
0x30: {  	s6 =	rddreg [dreg:$0x7]  }
0x31: {  	[tilespmem:s6], [sflag:$0x1] =	stream.indirect_vreg.gather [hbm4b:s4+s3], $0x80, v3, vm0, $0xb8;
	[tilespmem:$0xF100] =	vst v63  }
0x32: {  	v3 =	vld [tilespmem:$0x10];
	_ =	sdelay $0x4  }
0x33: {  	v50 =	vshll.u32 v3, $0x1  }
0x34: {  	v3 =	vand.u32 $0x7, v3;
	v4 =	vand.u32 $0xFFFFFFF0, v50  }
0x35: {  	v3 =	vor.u32 v3, v4  }
0x36: {  	v4 =	vperm.xlane v3, v0;
	_ =	sdelay $0x1  }
0x37: {  	v3 =	vperm.xlane v3, v2;
	v4 =	vadd.s32 v1, v4;
	_ =	sdelay $0x1  }
0x38: {  	v3 =	vadd.s32 v1, v3;
	_ =	sdelay $0x1  }
0x39: {  	s0 =	rddreg [dreg:$0x8]  }
0x3a: {  	[tilespmem:s0], [sflag:$0x1] =	stream.indirect_vreg.gather [hbm4b:s4+s3], $0x80, v4, vm0, $0xb8;
	[tilespmem:$0xF100] =	vst v63  }
0x3b: {  	s6 =	rddreg [dreg:$0x9]  }
0x3c: {  	[tilespmem:s6], [sflag:$0x1] =	stream.indirect_vreg.gather [hbm4b:s4+s3], $0x80, v3, vm0, $0xb8;
	[tilespmem:$0xF100] =	vst v63  }
0x3d: {  	v3 =	vld [tilespmem:$0x20];
	_ =	sdelay $0x4  }
0x3e: {  	v51 =	vshll.u32 v3, $0x1  }
0x3f: {  	v3 =	vand.u32 $0x7, v3;
	v4 =	vand.u32 $0xFFFFFFF0, v51  }
0x40: {  	v3 =	vor.u32 v3, v4  }
0x41: {  	v4 =	vperm.xlane v3, v0;
	_ =	sdelay $0x1  }
0x42: {  	v3 =	vperm.xlane v3, v2;
	v4 =	vadd.s32 v1, v4;
	_ =	sdelay $0x1  }
0x43: {  	v3 =	vadd.s32 v1, v3;
	_ =	sdelay $0x1  }
0x44: {  	s0 =	rddreg [dreg:$0xa]  }
0x45: {  	[tilespmem:s0], [sflag:$0x1] =	stream.indirect_vreg.gather [hbm4b:s4+s3], $0x80, v4, vm0, $0xb8;
	[tilespmem:$0xF100] =	vst v63  }
0x46: {  	s6 =	rddreg [dreg:$0xb]  }
0x47: {  	[tilespmem:s6], [sflag:$0x1] =	stream.indirect_vreg.gather [hbm4b:s4+s3], $0x80, v3, vm0, $0xb8;
	[tilespmem:$0xF100] =	vst v63  }
0x48: {  	v3 =	vld [tilespmem:$0x30];
	_ =	sdelay $0x4  }
0x49: {  	v52 =	vshll.u32 v3, $0x1  }
0x4a: {  	v3 =	vand.u32 $0x7, v3;
	v4 =	vand.u32 $0xFFFFFFF0, v52  }
0x4b: {  	v3 =	vor.u32 v3, v4  }
0x4c: {  	v4 =	vperm.xlane v3, v0;
	_ =	sdelay $0x1  }
0x4d: {  	v3 =	vperm.xlane v3, v2;
	v4 =	vadd.s32 v1, v4;
	_ =	sdelay $0x1  }
0x4e: {  	v3 =	vadd.s32 v1, v3;
	_ =	sdelay $0x1  }
0x4f: {  	s0 =	rddreg [dreg:$0xc]  }
0x50: {  	[tilespmem:s0], [sflag:$0x1] =	stream.indirect_vreg.gather [hbm4b:s4+s3], $0x80, v4, vm0, $0xb8;
	[tilespmem:$0xF100] =	vst v63  }
0x51: {  	s6 =	rddreg [dreg:$0xd]  }
0x52: {  	[tilespmem:s6], [sflag:$0x1] =	stream.indirect_vreg.gather [hbm4b:s4+s3], $0x80, v3, vm0, $0xb8;
	[tilespmem:$0xF100] =	vst v63  }
0x53: {  	v3 =	vld [tilespmem:$0x40];
	_ =	sdelay $0x4  }
0x54: {  	v53 =	vshll.u32 v3, $0x1  }
0x55: {  	v3 =	vand.u32 $0x7, v3;
	v4 =	vand.u32 $0xFFFFFFF0, v53  }
0x56: {  	v3 =	vor.u32 v3, v4  }
0x57: {  	v4 =	vperm.xlane v3, v0;
	_ =	sdelay $0x1  }
0x58: {  	v3 =	vperm.xlane v3, v2;
	v4 =	vadd.s32 v1, v4;
	_ =	sdelay $0x1  }
0x59: {  	v3 =	vadd.s32 v1, v3;
	_ =	sdelay $0x1  }
0x5a: {  	s0 =	rddreg [dreg:$0xe]  }
0x5b: {  	[tilespmem:s0], [sflag:$0x1] =	stream.indirect_vreg.gather [hbm4b:s4+s3], $0x80, v4, vm0, $0xb8;
	[tilespmem:$0xF100] =	vst v63  }
0x5c: {  	s6 =	rddreg [dreg:$0xf]  }
0x5d: {  	[tilespmem:s6], [sflag:$0x1] =	stream.indirect_vreg.gather [hbm4b:s4+s3], $0x80, v3, vm0, $0xb8;
	[tilespmem:$0xF100] =	vst v63  }
0x5e: {  	v3 =	vld [tilespmem:$0x80];
	_ =	sdelay $0x4  }
0x5f: {  	v54 =	vshll.u32 v3, $0x1  }
0x60: {  	v3 =	vand.u32 $0x7, v3;
	v4 =	vand.u32 $0xFFFFFFF0, v54  }
0x61: {  	v3 =	vor.u32 v3, v4  }
0x62: {  	v4 =	vperm.xlane v3, v0;
	_ =	sdelay $0x1  }
0x63: {  	v3 =	vperm.xlane v3, v2;
	v4 =	vadd.s32 v1, v4;
	_ =	sdelay $0x1  }
0x64: {  	v3 =	vadd.s32 v1, v3;
	_ =	sdelay $0x2  }
0x65: {  	[tilespmem:s12], [sflag:$0x2] =	stream.indirect_vreg.gather [hbm4b:s2+s3], $0x80, v4, vm0, $0xb8;
	[tilespmem:$0xF100] =	vst v63  }
0x66: {  	s6 =	rddreg [dreg:$0x10]  }
0x67: {  	[tilespmem:s6], [sflag:$0x2] =	stream.indirect_vreg.gather [hbm4b:s2+s3], $0x80, v3, vm0, $0xb8;
	[tilespmem:$0xF100] =	vst v63  }
0x68: {  	v3 =	vld [tilespmem:$0x90];
	_ =	sdelay $0x4  }
0x69: {  	v55 =	vshll.u32 v3, $0x1  }
0x6a: {  	v3 =	vand.u32 $0x7, v3;
	v4 =	vand.u32 $0xFFFFFFF0, v55  }
0x6b: {  	v3 =	vor.u32 v3, v4  }
0x6c: {  	v4 =	vperm.xlane v3, v0;
	_ =	sdelay $0x1  }
0x6d: {  	v3 =	vperm.xlane v3, v2;
	v4 =	vadd.s32 v1, v4;
	_ =	sdelay $0x1  }
0x6e: {  	v3 =	vadd.s32 v1, v3;
	_ =	sdelay $0x1  }
0x6f: {  	s0 =	rddreg [dreg:$0x11]  }
0x70: {  	[tilespmem:s0], [sflag:$0x2] =	stream.indirect_vreg.gather [hbm4b:s2+s3], $0x80, v4, vm0, $0xb8;
	[tilespmem:$0xF100] =	vst v63  }
0x71: {  	s6 =	rddreg [dreg:$0x12]  }
0x72: {  	[tilespmem:s6], [sflag:$0x2] =	stream.indirect_vreg.gather [hbm4b:s2+s3], $0x80, v3, vm0, $0xb8;
	[tilespmem:$0xF100] =	vst v63  }
0x73: {  	v3 =	vld [tilespmem:$0xA0];
	_ =	sdelay $0x4  }
0x74: {  	v56 =	vshll.u32 v3, $0x1  }
0x75: {  	v3 =	vand.u32 $0x7, v3;
	v4 =	vand.u32 $0xFFFFFFF0, v56  }
0x76: {  	v3 =	vor.u32 v3, v4  }
0x77: {  	v4 =	vperm.xlane v3, v0;
	_ =	sdelay $0x1  }
0x78: {  	v3 =	vperm.xlane v3, v2;
	v4 =	vadd.s32 v1, v4;
	_ =	sdelay $0x1  }
0x79: {  	v3 =	vadd.s32 v1, v3;
	_ =	sdelay $0x1  }
0x7a: {  	s0 =	rddreg [dreg:$0x13]  }
0x7b: {  	[tilespmem:s0], [sflag:$0x2] =	stream.indirect_vreg.gather [hbm4b:s2+s3], $0x80, v4, vm0, $0xb8;
	[tilespmem:$0xF100] =	vst v63  }
0x7c: {  	s6 =	rddreg [dreg:$0x14]  }
0x7d: {  	[tilespmem:s6], [sflag:$0x2] =	stream.indirect_vreg.gather [hbm4b:s2+s3], $0x80, v3, vm0, $0xb8;
	[tilespmem:$0xF100] =	vst v63  }
0x7e: {  	v3 =	vld [tilespmem:$0xB0];
	_ =	sdelay $0x4  }
0x7f: {  	v57 =	vshll.u32 v3, $0x1  }
0x80: {  	v3 =	vand.u32 $0x7, v3;
	v4 =	vand.u32 $0xFFFFFFF0, v57  }
0x81: {  	v3 =	vor.u32 v3, v4  }
0x82: {  	v4 =	vperm.xlane v3, v0;
	_ =	sdelay $0x1  }
0x83: {  	v3 =	vperm.xlane v3, v2;
	v4 =	vadd.s32 v1, v4;
	_ =	sdelay $0x1  }
0x84: {  	v3 =	vadd.s32 v1, v3;
	_ =	sdelay $0x2  }
0x85: {  	[tilespmem:s13], [sflag:$0x2] =	stream.indirect_vreg.gather [hbm4b:s2+s3], $0x80, v4, vm0, $0xb8;
	[tilespmem:$0xF100] =	vst v63  }
0x86: {  	_ = 	snop  }
0x87: {  	[tilespmem:s14], [sflag:$0x2] =	stream.indirect_vreg.gather [hbm4b:s2+s3], $0x80, v3, vm0, $0xb8;
	[tilespmem:$0xF100] =	vst v63  }
0x88: {  	v3 =	vld [tilespmem:$0xC0];
	_ =	sdelay $0x4  }
0x89: {  	v58 =	vshll.u32 v3, $0x1  }
0x8a: {  	v3 =	vand.u32 $0x7, v3;
	v4 =	vand.u32 $0xFFFFFFF0, v58  }
0x8b: {  	v3 =	vor.u32 v3, v4  }
0x8c: {  	v4 =	vperm.xlane v3, v0;
	_ =	sdelay $0x1  }
0x8d: {  	v3 =	vperm.xlane v3, v2;
	v4 =	vadd.s32 v1, v4;
	_ =	sdelay $0x1  }
0x8e: {  	v3 =	vadd.s32 v1, v3;
	_ =	sdelay $0x2  }
0x8f: {  	[tilespmem:s15], [sflag:$0x2] =	stream.indirect_vreg.gather [hbm4b:s2+s3], $0x80, v4, vm0, $0xb8;
	[tilespmem:$0xF100] =	vst v63  }
0x90: {  	_ = 	snop  }
0x91: {  	[tilespmem:s16], [sflag:$0x2] =	stream.indirect_vreg.gather [hbm4b:s2+s3], $0x80, v3, vm0, $0xb8;
	[tilespmem:$0xF100] =	vst v63  }
0x92: {  	v3 =	vld [tilespmem:$0x80];
	_ =	sdelay $0x4  }
0x93: {  	v59 =	vshll.u32 v3, $0x1  }
0x94: {  	v3 =	vand.u32 $0x7, v3;
	v4 =	vand.u32 $0xFFFFFFF0, v59  }
0x95: {  	v3 =	vor.u32 v3, v4  }
0x96: {  	v4 =	vperm.xlane v3, v0;
	_ =	sdelay $0x1  }
0x97: {  	v3 =	vperm.xlane v3, v2;
	v4 =	vadd.s32 v1, v4;
	_ =	sdelay $0x1  }
0x98: {  	v3 =	vadd.s32 v1, v3;
	_ =	sdelay $0x2  }
0x99: {  	[tilespmem:s17], [sflag:$0x3] =	stream.indirect_vreg.gather [hbm4b:s5+s3], $0x80, v4, vm0, $0xb8;
	[tilespmem:$0xF100] =	vst v63  }
0x9a: {  	_ = 	snop  }
0x9b: {  	[tilespmem:s18], [sflag:$0x3] =	stream.indirect_vreg.gather [hbm4b:s5+s3], $0x80, v3, vm0, $0xb8;
	[tilespmem:$0xF100] =	vst v63  }
0x9c: {  	v3 =	vld [tilespmem:$0x90];
	_ =	sdelay $0x4  }
0x9d: {  	v60 =	vshll.u32 v3, $0x1  }
0x9e: {  	v3 =	vand.u32 $0x7, v3;
	v4 =	vand.u32 $0xFFFFFFF0, v60  }
0x9f: {  	v3 =	vor.u32 v3, v4  }
0xa0: {  	v4 =	vperm.xlane v3, v0;
	_ =	sdelay $0x1  }
0xa1: {  	v3 =	vperm.xlane v3, v2;
	v4 =	vadd.s32 v1, v4;
	_ =	sdelay $0x1  }
0xa2: {  	v3 =	vadd.s32 v1, v3;
	_ =	sdelay $0x2  }
0xa3: {  	[tilespmem:s19], [sflag:$0x3] =	stream.indirect_vreg.gather [hbm4b:s5+s3], $0x80, v4, vm0, $0xb8;
	[tilespmem:$0xF100] =	vst v63  }
0xa4: {  	_ = 	snop  }
0xa5: {  	[tilespmem:s20], [sflag:$0x3] =	stream.indirect_vreg.gather [hbm4b:s5+s3], $0x80, v3, vm0, $0xb8;
	[tilespmem:$0xF100] =	vst v63  }
0xa6: {  	v3 =	vld [tilespmem:$0xA0];
	_ =	sdelay $0x4  }
0xa7: {  	v61 =	vshll.u32 v3, $0x1  }
0xa8: {  	v3 =	vand.u32 $0x7, v3;
	v4 =	vand.u32 $0xFFFFFFF0, v61  }
0xa9: {  	v3 =	vor.u32 v3, v4  }
0xaa: {  	v4 =	vperm.xlane v3, v0;
	_ =	sdelay $0x1  }
0xab: {  	v3 =	vperm.xlane v3, v2;
	v4 =	vadd.s32 v1, v4;
	_ =	sdelay $0x1  }
0xac: {  	v3 =	vadd.s32 v1, v3;
	_ =	sdelay $0x2  }
0xad: {  	[tilespmem:s21], [sflag:$0x3] =	stream.indirect_vreg.gather [hbm4b:s5+s3], $0x80, v4, vm0, $0xb8;
	[tilespmem:$0xF100] =	vst v63  }
0xae: {  	_ = 	snop  }
0xaf: {  	[tilespmem:s22], [sflag:$0x3] =	stream.indirect_vreg.gather [hbm4b:s5+s3], $0x80, v3, vm0, $0xb8;
	[tilespmem:$0xF100] =	vst v63  }
0xb0: {  	v3 =	vld [tilespmem:$0xB0];
	_ =	sdelay $0x4  }
0xb1: {  	v62 =	vshll.u32 v3, $0x1  }
0xb2: {  	v3 =	vand.u32 $0x7, v3;
	v4 =	vand.u32 $0xFFFFFFF0, v62  }
0xb3: {  	v3 =	vor.u32 v3, v4  }
0xb4: {  	v4 =	vperm.xlane v3, v0;
	_ =	sdelay $0x1  }
0xb5: {  	v3 =	vperm.xlane v3, v2;
	v4 =	vadd.s32 v1, v4;
	_ =	sdelay $0x1  }
0xb6: {  	v3 =	vadd.s32 v1, v3;
	_ =	sdelay $0x2  }
0xb7: {  	[tilespmem:s23], [sflag:$0x3] =	stream.indirect_vreg.gather [hbm4b:s5+s3], $0x80, v4, vm0, $0xb8;
	[tilespmem:$0xF100] =	vst v63  }
0xb8: {  	_ = 	snop  }
0xb9: {  	[tilespmem:s24], [sflag:$0x3] =	stream.indirect_vreg.gather [hbm4b:s5+s3], $0x80, v3, vm0, $0xb8;
	[tilespmem:$0xF100] =	vst v63  }
0xba: {  	v3 =	vld [tilespmem:$0xC0];
	_ =	sdelay $0x4  }
0xbb: {  	v63 =	vshll.u32 v3, $0x1  }
0xbc: {  	v3 =	vand.u32 $0x7, v3;
	v4 =	vand.u32 $0xFFFFFFF0, v63  }
0xbd: {  	v3 =	vor.u32 v3, v4  }
0xbe: {  	v4 =	vperm.xlane v3, v0;
	_ =	sdelay $0x1  }
0xbf: {  	v3 =	vperm.xlane v3, v2;
	v4 =	vadd.s32 v1, v4;
	_ =	sdelay $0x1  }
0xc0: {  	v3 =	vadd.s32 v1, v3;
	_ =	sdelay $0x2  }
0xc1: {  	[tilespmem:s25], [sflag:$0x3] =	stream.indirect_vreg.gather [hbm4b:s5+s3], $0x80, v4, vm0, $0xb8;
	[tilespmem:$0xF100] =	vst v63  }
0xc2: {  	_ = 	snop  }
0xc3: {  	[tilespmem:s26], [sflag:$0x3] =	stream.indirect_vreg.gather [hbm4b:s5+s3], $0x80, v3, vm0, $0xb8;
	[tilespmem:$0xF100] =	vst v63  }
0xc4: {  	_ =	swait.ge [sflag:s9], $0x5000  }
0xc5: {  	[sflag:s9] =	ssyncset.done $0x0  }
0xc6: {  	[sflag:s9] =	ssyncadd.s32 $0xFFFFB000  }
0xc7: {  	_ =	swait.ge [sflag:s10], $0x5000  }
0xc8: {  	[sflag:s10] =	ssyncset.done $0x0  }
0xc9: {  	[sflag:s10] =	ssyncadd.s32 $0xFFFFB000  }
0xca: {  	_ =	swait.ge [sflag:s28], $0x5000  }
0xcb: {  	s6 =	rddreg [dreg:$0x3];
	[sflag:s28] =	ssyncset.done $0x0  }
0xcc: {  	[sflag:s28] =	ssyncadd.s32 $0xFFFFB000;
	s0 =	sadd.s32 s1, s6;
	s6 =	rddreg [dreg:$0x4]  }
0xcd: {  	[hbm4b:s0+s3] =	stream.linear.scatter [tilespmem:s11], [sflag:$0x1], $0x5000, $0x38;
	[tilespmem:$0xF100] =	vst v63  }
0xce: {  	s0 =	rddreg [dreg:$0x5];
	s6 =	sadd.s32 s1, s6  }
0xcf: {  	[hbm4b:s6+s3] =	stream.linear.scatter [tilespmem:s12], [sflag:$0x2], $0x5000, $0x38;
	[tilespmem:$0xF100] =	vst v63  }
0xd0: {  	s0 =	sadd.s32 s1, s0  }
0xd1: {  	[hbm4b:s0+s3] =	stream.linear.scatter [tilespmem:s17], [sflag:$0x3], $0x5000, $0x38;
	[tilespmem:$0xF100] =	vst v63  }
0xd2: {  	_ =	swait.ge [sflag:s9], $0x5000  }
0xd3: {  	[sflag:s9] =	ssyncset.done $0x0  }
0xd4: {  	[sflag:s9] =	ssyncadd.s32 $0xFFFFB000  }
0xd5: {  	p0 =	sne.s32 s1, $0x4D800;
	_ =	swait.ge [sflag:s10], $0x5000  }
.Ltmp0:
0xd6: {  	[sflag:s10] =	ssyncset.done $0x0;
	(pc) =	sbr.rel @p0 .LBB2_2-.Ltmp0, $4  }
0xd7: {  	[sflag:s10] =	ssyncadd.s32 $0xFFFFB000  }
0xd8: {  	_ =	swait.ge [sflag:s28], $0x5000  }
0xd9: {  	s30 =	sadd.s32 $0xA, s30;
	[sflag:s28] =	ssyncset.done $0x0  }
0xda: {  	s31 =	sadd.s32 $0xA, s31;
	s1 =	sadd.s32 $0xA00, s1;
	[sflag:s28] =	ssyncadd.s32 $0xFFFFB000  }
0xdb: {  	s29 =	sadd.s32 $0x1, s29;
	s0 =	rddreg [dreg:$0x15]  }
0xdc: {  	p0 =	sne.s32 s29, s0  }
.Ltmp1:
0xdd: {  	_ = 	snop;
	(pc) =	sbr.rel @p0 .LBB2_1-.Ltmp1, $1  }
0xde: {  	_ =	sdelay $0x3  }
0xdf: {  	_ =	sfence.sel $0x180000  }
0xe0: {  	[bflag:$0x0] =	sbarrier.arrive $0xFFFF  }
0xe1: {  	_ =	strace $0x90000047  }
0xe2: {  	s0 =	stileid.u32;
	[bflag:$0x2] =	sbarrier.arrive $0xFFFF  }
0xe3: {  	p0 =	sne.s32 s0, $0x0;
	s0 =	rddreg [dreg:$0x2]  }
0xe4: {  	s0 =	sadd.s32 @!p0 $0x100000, s0  }
0xe5: {  	[sflag:s0] =	ssyncadd.tile.s32 @!p0 $0x1;
	_ =	shalt  }
.Lfunc_end2:
_tile_overlayer_lowered:
.L_overlay_start_2:
0xe6: {  	(tag) =	ssettag $0x2  }
0xe7: {  	s0 =	rddreg [dreg:$0x0];
	s2 =	stileid.u32  }
0xe8: {  	s1 =	rddreg [dreg:$0x1];
	p0 =	sne.s32 s2, $0x0  }
0xe9: {  	s3 =	rddreg [dreg:$0x2];
	[bflag:$0x3] =	sbarrier.arrive $0xFFFF;
	s2 =	simm.s32 @!p0 $0x1C04  }
0xea: {  	[timem:s3], [sflag:s2] =	dma.local @!p0 [hbm:s0], s1  }
0xeb: {  	s0 =	simm.s32 @!p0 $0x4  }
0xec: {  	_ =	swait.ge @!p0 [sflag:s0], s1  }
0xed: {  	s1 =	ssub.s32 @!p0 $0x0, s1;
	[sflag:s0] =	ssyncset.done @!p0 $0x0  }
0xee: {  	[sflag:s0] =	ssyncadd.s32 @!p0 s1  }
0xef: {  	[bflag:$0x3] =	sbarrier.arrive $0xFFFF  }
0xf0: {  	_ =	shalt  }

// kernel: kernel.14.cloned.1.call-start
scs
__scs_entry_jumppad:
0x0: {  	(pc) =	sbr.rel $0x88, $3  }
0x1: {  	(tag) =	ssettag $0x0;
	lr =	simm.s32 $0x1  }
0x2: {  	[smem:$0x3F8B] =	sst lr;
	_ =	strace $0xD0000000  }
0x3: {  	_ = 	snop  }
0x4: {  	_ = 	snop  }
0x5: {  	_ = 	snop  }
0x6: {  	_ = 	snop  }
0x7: {  	_ = 	snop  }
__scs_overlays_trampoline_lowered:
0x8: {  	[smem:$0x3F9A] =	sst s0  }
0x9: {  	[smem:$0x3F9B] =	sst s1  }
0xa: {  	[smem:$0x3F9C] =	sst s2  }
0xb: {  	[smem:$0x3F9D] =	sst s3  }
0xc: {  	[smem:$0x3F9E] =	sst s4  }
0xd: {  	[smem:$0x3F9F] =	sst s5  }
0xe: {  	[smem:$0x3FA0] =	sst s6  }
0xf: {  	[smem:$0x3FA1] =	sst s7  }
0x10: {  	[smem:$0x3FA2] =	sst s8  }
0x11: {  	[smem:$0x3FA3] =	sst s9;
	s0 =	simm.s32 @!p0 $0x0  }
0x12: {  	s1 =	sld [smem:$0x3F89];
	s0 =	simm.s32 @p0 $0x1  }
0x13: {  	[smem:$0x3FA4] =	sst s0;
	s0 =	simm.s32 @!p1 $0x0  }
0x14: {  	s2 =	sld [smem:$0x3F88];
	s0 =	simm.s32 @p1 $0x1  }
0x15: {  	[smem:$0x3FA5] =	sst s0;
	s0 =	simm.s32 @!p2 $0x0  }
0x16: {  	s3 =	sld [smem:$0x3FDB];
	s0 =	simm.s32 @p2 $0x1  }
0x17: {  	s4 =	simm.s32 $0x1BF5;
	[smem:$0x3FA7] =	sst s0  }
0x18: {  	s0 =	sld [smem:$0x3F8A];
	_ =	swait.ge [sflag:s4], $0x0  }
0x19: {  	s7 =	sld [smem:$0x3F8B]  }
0x1a: {  	s8 =	sadd.s32 $0xFFFFE003, lr  }
0x1b: {  	s9 =	sadd.s32 $0xFFFFFEF7, lr;
	s5 =	simm.s32 $0xFFFFFFFF;
	p2 =	slt.u32 s8, $0xFFFFF086  }
0x1c: {  	p1 =	slt.u32 s9, $0xF7A;
	s5 =	simm.s32 @!p2 $0x0  }
0x1d: {  	s5 =	simm.s32 @p1 $0x1;
	p0 =	seq.s32 s7, s2  }
0x1e: {  	s7 =	smul.u32 @!p0 $0xF7A, s2;
	p2 =	seq.s32 @!p0 s5, $0x0  }
0x1f: {  	s9 =	smul.u32 $0xF7A, s1;
	s8 =	simm.s32 @!p0 $0x1BF5;
	p2 =	por !p2, p0  }
0x20: {  	[sflag:s8] =	ssyncset.s32 @!p0 $0xFFFFF086;
	s6 =	sadd.s32 @!p0 s3, s7;
	s7 =	simm.s32 @!p0 $0x108  }
0x21: {  	s3 =	sadd.s32 s3, s9;
	s6 =	sadd.s32 @!p0 $0x88, s6;
	s7 =	simm.s32 @p2 $0x1082  }
0x22: {  	[simem:s7], [sflag:s8] =	dma.local @!p0 [hbm:s6], $0xF7A  }
0x23: {  	s9 =	sor.u32 $0xD0000000, s2;
	s6 =	simm.s32 $0x108;
	_ =	swait.ge @!p0 [sflag:s8], $0x0  }
0x24: {  	s3 =	sadd.s32 $0x88, s3;
	s6 =	simm.s32 @!p1 $0x1082;
	[sflag:s4] =	ssyncset.s32 $0xFFFFF086  }
0x25: {  	[simem:s6], [sflag:s4] =	dma.local [hbm:s3], $0xF7A  }
0x26: {  	[smem:$0x3F8B] =	sst s1;
	(tag) =	ssettag s2;
	_ =	strace s9  }
0x27: {  	s1 =	sld [smem:$0x3F9B]  }
0x28: {  	s2 =	sld [smem:$0x3F9C]  }
0x29: {  	s4 =	sld [smem:$0x3F9E]  }
0x2a: {  	p0 =	seq.s32 s5, $0x0;
	s5 =	sld [smem:$0x3F9F]  }
0x2b: {  	s6 =	sld [smem:$0x3FA0]  }
0x2c: {  	s7 =	sld [smem:$0x3FA1]  }
0x2d: {  	s3 =	simm.s32 $0x108;
	s8 =	sld [smem:$0x3FA2]  }
0x2e: {  	s3 =	simm.s32 @!p0 $0x1082;
	s9 =	sld [smem:$0x3FA3]  }
0x2f: {  	lr =	sadd.s32 s0, s3;
	s0 =	sld [smem:$0x3F9A]  }
0x30: {  	s3 =	sld [smem:$0x3F9D]  }
0x31: {  	[smem:$0x3FA6] =	sst s10  }
0x32: {  	s10 =	sld [smem:$0x3FA4];
	_ =	sdelay $0x3  }
0x33: {  	p0 =	seq.s32 s10, $0x1;
	s10 =	sld [smem:$0x3FA6];
	_ =	sdelay $0x3  }
0x34: {  	[smem:$0x3FA6] =	sst s10  }
0x35: {  	s10 =	sld [smem:$0x3FA5];
	_ =	sdelay $0x3  }
0x36: {  	p1 =	seq.s32 s10, $0x1;
	s10 =	sld [smem:$0x3FA6];
	_ =	sdelay $0x3  }
0x37: {  	[smem:$0x3FA6] =	sst s10  }
0x38: {  	s10 =	sld [smem:$0x3FA7]  }
0x39: {  	_ = 	snop;
	(pc) =	sbr.ind lr, $3  }
0x3a: {  	_ = 	snop  }
0x3b: {  	_ = 	snop  }
0x3c: {  	p2 =	seq.s32 s10, $0x1;
	s10 =	sld [smem:$0x3FA6]  }
0x3d: {  	_ =	shalt  }
0x3e: {  	_ =	shalt  }
0x3f: {  	_ =	shalt  }
0x40: {  	_ =	shalt  }
0x41: {  	_ =	shalt  }
0x42: {  	_ =	shalt  }
0x43: {  	_ =	shalt  }
0x44: {  	_ =	shalt  }
0x45: {  	_ =	shalt  }
0x46: {  	_ =	shalt  }
0x47: {  	_ =	shalt  }
0x48: {  	_ =	shalt  }
0x49: {  	_ =	shalt  }
0x4a: {  	_ =	shalt  }
0x4b: {  	_ =	shalt  }
0x4c: {  	_ =	shalt  }
0x4d: {  	_ =	shalt  }
0x4e: {  	_ =	shalt  }
0x4f: {  	_ =	shalt  }
0x50: {  	_ =	shalt  }
0x51: {  	_ =	shalt  }
0x52: {  	_ =	shalt  }
0x53: {  	_ =	shalt  }
0x54: {  	_ =	shalt  }
0x55: {  	_ =	shalt  }
0x56: {  	_ =	shalt  }
0x57: {  	_ =	shalt  }
0x58: {  	_ =	shalt  }
0x59: {  	_ =	shalt  }
0x5a: {  	_ =	shalt  }
0x5b: {  	_ =	shalt  }
0x5c: {  	_ =	shalt  }
0x5d: {  	_ =	shalt  }
0x5e: {  	_ =	shalt  }
0x5f: {  	_ =	shalt  }
0x60: {  	_ =	shalt  }
0x61: {  	_ =	shalt  }
0x62: {  	_ =	shalt  }
0x63: {  	_ =	shalt  }
0x64: {  	_ =	shalt  }
0x65: {  	_ =	shalt  }
0x66: {  	_ =	shalt  }
0x67: {  	_ =	shalt  }
0x68: {  	_ =	shalt  }
0x69: {  	_ =	shalt  }
0x6a: {  	_ =	shalt  }
0x6b: {  	_ =	shalt  }
0x6c: {  	_ =	shalt  }
0x6d: {  	_ =	shalt  }
0x6e: {  	_ =	shalt  }
0x6f: {  	_ =	shalt  }
0x70: {  	_ =	shalt  }
0x71: {  	_ =	shalt  }
0x72: {  	_ =	shalt  }
0x73: {  	_ =	shalt  }
0x74: {  	_ =	shalt  }
0x75: {  	_ =	shalt  }
0x76: {  	_ =	shalt  }
0x77: {  	_ =	shalt  }
0x78: {  	_ =	shalt  }
0x79: {  	_ =	shalt  }
0x7a: {  	_ =	shalt  }
0x7b: {  	_ =	shalt  }
0x7c: {  	_ =	shalt  }
0x7d: {  	_ =	shalt  }
0x7e: {  	_ =	shalt  }
0x7f: {  	_ =	shalt  }
0x80: {  	_ =	shalt  }
0x81: {  	_ =	shalt  }
0x82: {  	_ =	shalt  }
0x83: {  	_ =	shalt  }
0x84: {  	_ =	shalt  }
0x85: {  	_ =	shalt  }
0x86: {  	_ =	shalt  }
0x87: {  	_ =	shalt  }
.Lfunc_end0:
.L_simem_size_0:
called_computation.1_lowered:
.L_overlay_start_0:
0x88: {  	s2 =	sld [smem:$0x3FD9]  }
0x89: {  	s3 =	sld [smem:$0x3FFE];
	_ =	sdelay $0x1  }
0x8a: {  	s1 =	srdreg.scid  }
0x8b: {  	s0 =	sand.u32 $0x1, s1  }
0x8c: {  	s17 =	sshll.u32 s0, $0xA;
	s2 =	sadd.s32 s3, s2  }
0x8d: {  	s2 =	sadd.s32 s2, s17  }
0x8e: {  	[smem:$0x3FB2] =	sst s2  }
0x8f: {  	_ = 	snop  }
0x90: {  	s2 =	sld [smem:$0x3FD0];
	(tm) =	ssettm $0x1  }
0x91: {  	s18 =	sld [smem:$0x3FFB];
	_ =	sdelay $0x3  }
0x92: {  	_ =	strace s18  }
0x93: {  	s3 =	sld [smem:$0x3FFC];
	_ =	sdelay $0x3  }
0x94: {  	_ =	strace s3  }
0x95: {  	s3 =	sld [smem:$0x3FFD];
	_ =	sdelay $0x3  }
0x96: {  	_ =	strace s3  }
0x97: {  	_ =	strace $0x8FFFFFFF  }
0x98: {  	s19 =	sld [smem:$0x3FDB];
	_ =	sdelay $0x1  }
0x99: {  	s4 =	simm.s32 $_scs_section_size  }
0x9a: {  	s5 =	simm.s32 $_size__tile_overlayer_lowered;
	s6 =	simm.s32 $_tile_overlayer_lowered  }
0x9b: {  	s22 =	simm.s32 $0x1BFF;
	s21 =	sshll.u32 s6, $0x1;
	s3 =	sadd.s32 s4, s19  }
0x9c: {  	s7 =	simm.s32 $0x0;
	s20 =	sshll.u32 s5, $0x1;
	s5 =	sadd.s32 s21, s3  }
0x9d: {  	[timem:s7], [sflag:s22] =	dma.local [hbm:s5], s20  }
0x9e: {  	_ =	swait.ge [sflag:s22], s20  }
0x9f: {  	s4 =	ssub.s32 $0x0, s20;
	[sflag:s22] =	ssyncset.done $0x0  }
0xa0: {  	[sflag:s22] =	ssyncadd.s32 s4;
	_ =	sdelay $0x1  }
0xa1: {  	s23 =	simm.s32 $0x1B8B  }
0xa2: {  	_ =	swait.ge [sflag:s23], $0x1  }
0xa3: {  	[sflag:s23] =	ssyncset.done $0x0  }
0xa4: {  	s25 =	simm.s32 $0x1B8E;
	s24 =	sld [smem:$0x3FFE];
	[sflag:s23] =	ssyncadd.s32 $0xFFFFFFFF  }
0xa5: {  	s26 =	simm.s32 $execute0_lowered;
	[smem:$0x3FD2] =	sst s25  }
0xa6: {  	s5 =	sshll.u32 s26, $0x1;
	_ =	strace $0x80000049;
	[dreg:$0x1] =	wrdreg $0xFFFFFFFF  }
0xa7: {  	s28 =	simm.s32 $_size_execute0_lowered;
	s3 =	sadd.s32 s3, s5;
	[dreg:$0x0] =	wrdreg $0x0  }
0xa8: {  	s5 =	sshll.u32 s28, $0x1;
	[dreg:$0x2] =	wrdreg s3  }
0xa9: {  	[dreg:$0x3] =	wrdreg s5  }
0xaa: {  	[dreg:$0x4] =	wrdreg $0xC0  }
0xab: {  	_ =	task [dreg:s7], $0x5FFFF  }
0xac: {  	[dreg:$0x1] =	wrdreg $0xFFFFFFFF  }
0xad: {  	[dreg:$0x0] =	wrdreg $0x60  }
0xae: {  	[dreg:$0x2] =	wrdreg s24  }
0xaf: {  	[dreg:$0x3] =	wrdreg s2  }
0xb0: {  	[dreg:$0x4] =	wrdreg $0x50800  }
0xb1: {  	[dreg:$0x5] =	wrdreg $0x9  }
0xb2: {  	_ =	task.clear_ibuf [dreg:s7], $0x6FFFF;
	_ =	strace $0x90000049  }
0xb3: {  	s29 =	simm.s32 $0x9;
	_ =	strace $0x8000004B  }
0xb4: {  	_ =	swait.ge [sflag:s29], $0x1  }
0xb5: {  	[sflag:s29] =	ssyncadd.s32 $0xFFFFFFFF  }
0xb6: {  	_ =	strace $0x9000004B  }
0xb7: {  	_ =	sfence  }
0xb8: {  	s30 =	sld [smem:$0x0];
	_ =	sdelay $0x2  }
0xb9: {  	s31 =	sshll.u32 s1, $0xD;
	s1 =	sshrl.u32 s1, $0x2  }
0xba: {  	s3 =	sand.u32 $0x4000, s31;
	s1 =	sadd.s32 s1, s30  }
0xbb: {  	s0 =	sor.u32 s3, s0;
	s1 =	sshll.u32 s1, $0x11  }
0xbc: {  	s0 =	sor.u32 s1, s0  }
0xbd: {  	s0 =	sadd.s32 $0x8F2B, s0  }
0xbe: {  	[sflag:s0] =	ssyncadd.remote.s32 $0x1  }
0xbf: {  	_ =	sfence.sel $0xFFFF  }
0xc0: {  	[dreg:$0x0] =	wrdreg $0xFFFFFFFF;
	(pc) =	sbr.abs _section_cstart, $3  }
0xc1: {  	[dreg:$0x1] =	wrdreg $0xFFFFFFFF  }
0xc2: {  	_ =	task.clear_ibuf [dreg:s7], $0x2FFFF;
	_ =	strace $0x9FFFFFFF  }
0xc3: {  	(tm) =	ssettm $0x7FFFFFFF  }
tec
execute0_lowered:
.L_overlay_start_1:
0x0: {  	(tag) =	ssettag $0x1  }
0x1: {  	s7 =	rddreg [dreg:$0x0]  }
0x2: {  	s2 =	rddreg [dreg:$0x1]  }
0x3: {  	s3 =	rddreg [dreg:$0x2]  }
0x4: {  	s0 =	rddreg [dreg:$0x3]  }
0x5: {  	s4 =	simm.s32 $0x0;
	s1 =	stileid.u32;
	s8 =	srdreg.scid  }
0x6: {  	s13 =	simm.s32 $0x2880;
	s14 =	simm.s32 $0x3;
	s16 =	simm.s32 $0x1  }
0x7: {  	s17 =	simm.s32 $0x2;
	s18 =	simm.s32 $0x50;
	s19 =	simm.s32 $0x0  }
0x8: {  	[smem:$0x7FF] =	sst s4;
	s5 =	smul.u32 $0x4E200, s1;
	s15 =	sand.u32 $0x1, s8  }
0x9: {  	s6 =	smul.u32 $0x9C4, s1;
	_ =	strace $0x8000004A;
	s8 =	ssub.s32 $0x2, s15  }
.Ltmp0:
0xa: {  	p0 =	sne.s32 s15, $0x0;
	s15 =	simm.s32 $0x80;
	(pc) =	sbr.rel .LBB2_1-.Ltmp0, $4  }
0xb: {  	s12 =	sadd.s32 s5, s7;
	s10 =	sadd.s32 s6, s7;
	s5 =	sadd.s32 $0x19400, s7  }
0xc: {  	s6 =	sadd.s32 $0x19A00, s7;
	s9 =	sshrl.u32 s8, $0x1;
	s7 =	sadd.s32 $0xB5800, s7  }
0xd: {  	s9 =	ssub.s32 s8, s9;
	s8 =	sadd.s32 $0x2331A00, s12;
	s10 =	sadd.s32 $0xF600, s10  }
0xe: {  	s11 =	sadd.s32 $0x1E4FA00, s12;
	s12 =	sadd.s32 $0x2813A00, s12;
	s9 =	smax.u32 s9, $0x1  }
.LBB2_19:
0xf: {  	s21 =	simm.s32 @!p2 $0x80  }
0x10: {  	s24 =	simm.s32 @!p2 $0x4;
	[sflag:s23] =	ssyncadd.s32 @!p1 $0xFFFFD800;
	p1 =	por p2, p2  }
0x11: {  	[tilespmem:s21], [sflag:$0x4] =	stream.linear.gather @!p1 [spmem:s22], $0x2800, $0x38;
	[tilespmem:$0x18900] =	vst v63  }
0x12: {  	_ =	swait.ge @!p1 [sflag:s24], $0x2800  }
0x13: {  	[sflag:s24] =	ssyncset.done @!p1 $0x0  }
0x14: {  	s22 =	simm.s32 @!p1 $0x0;
	s23 =	simm.s32 @!p1 $0x3;
	[sflag:s24] =	ssyncadd.s32 @!p1 $0xFFFFD800  }
0x15: {  	[hbm4b:s20+s22] =	stream.linear.scatter @!p1 [tilespmem:s21], [sflag:$0x3], $0x2800, $0x38;
	[tilespmem:$0x18900] =	vst v63  }
0x16: {  	_ =	swait.ge @!p1 [sflag:s23], $0x2800  }
0x17: {  	[sflag:s23] =	ssyncset.done @!p1 $0x0  }
0x18: {  	[sflag:s23] =	ssyncadd.s32 @!p1 $0xFFFFD800  }
0x19: {  	[bflag:$0x0] =	sbarrier.arrive $0xFFFF  }
.LBB2_20:
0x1a: {  	s19 =	sadd.s32 $0x1, s19  }
0x1b: {  	p1 =	sne.s32 s19, s9  }
.Ltmp1:
0x1c: {  	_ = 	snop;
	(pc) =	sbr.rel @!p1 .LBB2_21-.Ltmp1, $1  }
0x1d: {  	_ =	sdelay $0x3  }
.LBB2_1:
0x1e: {  	[tilespmem:s13], [sflag:$0x3] =	stream.linear.gather [hbm4b:s5+s4], $0x2800, $0x38;
	[tilespmem:$0x18900] =	vst v63  }
0x1f: {  	s20 =	sand.u32 $0xF, s4;
	_ =	swait.ge [sflag:s14], $0x2800  }
0x20: {  	p1 =	sne.s32 s20, s1;
	[sflag:s14] =	ssyncset.done $0x0  }
0x21: {  	s20 =	simm.s32 @!p1 $0x2880;
	s23 =	simm.s32 @!p1 $0x3;
	[sflag:s14] =	ssyncadd.s32 $0xFFFFD800  }
0x22: {  	[spmem:s3] =	stream.linear.scatter @!p1 [tilespmem:s20], [sflag:$0x3], $0x2800, $0x38;
	[tilespmem:$0x18900] =	vst v63  }
0x23: {  	s21 =	simm.s32 $0x1;
	_ =	swait.ge @!p1 [sflag:s23], $0x2800  }
0x24: {  	s22 =	simm.s32 $0x2;
	s20 =	sadd.s32 $0x2800, s3;
	[sflag:s23] =	ssyncset.done @!p1 $0x0  }
.LBB2_2:
0x25: {  	s24 =	sand.u32 $0xF, s21;
	s21 =	smov.u32 s22;
	s22 =	sadd.s32 $0x1, s22  }
0x26: {  	[sflag:s23] =	ssyncadd.s32 @!p1 $0xFFFFD800;
	p2 =	sne.s32 s22, $0x7D  }
.Ltmp2:
0x27: {  	p1 =	sne.s32 s24, s1;
	(pc) =	sbr.rel @p2 .LBB2_2-.Ltmp2, $4  }
0x28: {  	s24 =	simm.s32 @!p1 $0x2880;
	s23 =	simm.s32 @!p1 $0x3  }
0x29: {  	[spmem:s20] =	stream.linear.scatter @!p1 [tilespmem:s24], [sflag:$0x3], $0x2800, $0x38;
	[tilespmem:$0x18900] =	vst v63  }
0x2a: {  	_ =	swait.ge @!p1 [sflag:s23], $0x2800  }
0x2b: {  	s20 =	sadd.s32 $0x2800, s20;
	[sflag:s23] =	ssyncset.done @!p1 $0x0  }
0x2c: {  	s21 =	sand.u32 $0xF, s21  }
0x2d: {  	p2 =	sne.s32 s21, s1  }
0x2e: {  	[sflag:s23] =	ssyncadd.s32 @!p1 $0xFFFFD800;
	s21 =	simm.s32 @!p2 $0x2880;
	s22 =	simm.s32 @!p2 $0x3  }
0x2f: {  	[spmem:s20] =	stream.linear.scatter @!p2 [tilespmem:s21], [sflag:$0x3], $0x2800, $0x38;
	[tilespmem:$0x18900] =	vst v63  }
.Ltmp3:
0x30: {  	_ =	swait.ge @!p2 [sflag:s22], $0x2800;
	(pc) =	sbr.rel @p0 .LBB2_15-.Ltmp3, $4  }
0x31: {  	[sflag:s22] =	ssyncset.done @!p2 $0x0  }
0x32: {  	[sflag:s22] =	ssyncadd.s32 @!p2 $0xFFFFD800  }
0x33: {  	[bflag:$0x0] =	sbarrier.arrive $0xFFFF  }
0x34: {  	s20 =	sadd.s32 $0x0, s10  }
0x35: {  	[tilespmem:s4], [sflag:$0x1] =	stream.linear.gather [hbm4b:s20+s4], $0x50, $0x38;
	[tilespmem:$0x18900] =	vst v63  }
0x36: {  	_ = 	snop  }
0x37: {  	[tilespmem:s15], [sflag:$0x2] =	stream.linear.gather [hbm4b:s11+s4], $0x2800, $0x38;
	[tilespmem:$0x18900] =	vst v63  }
0x38: {  	_ =	swait.ge [sflag:s16], $0x50  }
0x39: {  	[sflag:s16] =	ssyncset.done $0x0  }
0x3a: {  	[sflag:s16] =	ssyncadd.s32 $0xFFFFFFB0  }
0x3b: {  	_ =	swait.ge [sflag:s17], $0x2800  }
0x3c: {  	[sflag:s17] =	ssyncset.done $0x0  }
0x3d: {  	[sflag:s17] =	ssyncadd.s32 $0xFFFFD800  }
0x3e: {  	[spmem:s3] =	stream.indirect.scatter.add.f32 [tilespmem:s15], [sflag:$0x3], $0x80, s4, s18, $0xb8;
	[tilespmem:$0x18900] =	vst v63  }
0x3f: {  	s21 =	simm.s32 $0xA;
	_ =	swait.ge [sflag:s14], $0x2800  }
0x40: {  	s22 =	simm.s32 $0x14;
	s20 =	sadd.s32 $0x500, s11;
	[sflag:s14] =	ssyncset.done $0x0  }
.LBB2_5:
0x41: {  	s23 =	sadd.s32 s21, s10  }
0x42: {  	[sflag:s14] =	ssyncadd.s32 $0xFFFFD800;
	s21 =	smov.u32 s22;
	s24 =	sadd.s32 $0xA, s22  }
0x43: {  	[tilespmem:s4], [sflag:$0x1] =	stream.linear.gather [hbm4b:s23+s4], $0x50, $0x38;
	[tilespmem:$0x18900] =	vst v63  }
0x44: {  	p1 =	seq.s32 s22, $0x9BA  }
0x45: {  	[tilespmem:s15], [sflag:$0x2] =	stream.linear.gather [hbm4b:s20+s4], $0x2800, $0x38;
	[tilespmem:$0x18900] =	vst v63  }
0x46: {  	_ =	swait.ge [sflag:s16], $0x50  }
0x47: {  	[sflag:s16] =	ssyncset.done $0x0  }
0x48: {  	[sflag:s16] =	ssyncadd.s32 $0xFFFFFFB0  }
0x49: {  	_ =	swait.ge [sflag:s17], $0x2800  }
.Ltmp4:
0x4a: {  	[sflag:s17] =	ssyncset.done $0x0;
	(pc) =	sbr.rel @!p1 .LBB2_5-.Ltmp4, $4  }
0x4b: {  	[sflag:s17] =	ssyncadd.s32 $0xFFFFD800  }
0x4c: {  	[spmem:s3] =	stream.indirect.scatter.add.f32 [tilespmem:s15], [sflag:$0x3], $0x80, s4, s18, $0xb8;
	[tilespmem:$0x18900] =	vst v63  }
0x4d: {  	_ =	swait.ge [sflag:s14], $0x2800  }
0x4e: {  	s22 =	smov.u32 s24;
	s20 =	sadd.s32 $0x500, s20;
	[sflag:s14] =	ssyncset.done $0x0  }
0x4f: {  	s21 =	sadd.s32 s21, s10;
	[sflag:s14] =	ssyncadd.s32 $0xFFFFD800  }
0x50: {  	[tilespmem:s4], [sflag:$0x1] =	stream.linear.gather [hbm4b:s21+s4], $0x50, $0x38;
	[tilespmem:$0x18900] =	vst v63  }
0x51: {  	_ = 	snop  }
0x52: {  	[tilespmem:s15], [sflag:$0x2] =	stream.linear.gather [hbm4b:s20+s4], $0x2800, $0x38;
	[tilespmem:$0x18900] =	vst v63  }
0x53: {  	_ =	swait.ge [sflag:s16], $0x50  }
0x54: {  	[sflag:s16] =	ssyncset.done $0x0  }
0x55: {  	[sflag:s16] =	ssyncadd.s32 $0xFFFFFFB0  }
0x56: {  	_ =	swait.ge [sflag:s17], $0x2800  }
0x57: {  	[sflag:s17] =	ssyncset.done $0x0  }
0x58: {  	s30 =	simm.s32 $0x0;
	[sflag:s17] =	ssyncadd.s32 $0xFFFFD800  }
0x59: {  	[spmem:s3] =	stream.indirect.scatter.add.f32 [tilespmem:s15], [sflag:$0x3], $0x80, s4, s18, $0xb8;
	[tilespmem:$0x18900] =	vst v63  }
0x5a: {  	s20 =	sand.u32 $0xF, s30;
	_ =	swait.ge [sflag:s14], $0x2800  }
0x5b: {  	p1 =	sne.s32 s20, s1;
	[sflag:s14] =	ssyncset.done $0x0  }
0x5c: {  	s20 =	simm.s32 @!p1 $0x80;
	[sflag:s14] =	ssyncadd.s32 $0xFFFFD800  }
0x5d: {  	s22 =	simm.s32 @!p1 $0x4;
	p1 =	por p1, p1;
	[bflag:$0x0] =	sbarrier.arrive $0xFFFF  }
0x5e: {  	[tilespmem:s20], [sflag:$0x4] =	stream.linear.gather @!p1 [spmem:s3], $0x2800, $0x38;
	[tilespmem:$0x18900] =	vst v63  }
0x5f: {  	s24 =	simm.s32 $0x1;
	_ =	swait.ge @!p1 [sflag:s22], $0x2800  }
0x60: {  	s31 =	sand.u32 $0xF, s24;
	[sflag:s22] =	ssyncset.done @!p1 $0x0  }
0x61: {  	s23 =	simm.s32 @!p1 $0x3;
	[sflag:s22] =	ssyncadd.s32 @!p1 $0xFFFFD800;
	s22 =	simm.s32 @!p1 $0x0  }
0x62: {  	[hbm4b:s2+s22] =	stream.linear.scatter @!p1 [tilespmem:s20], [sflag:$0x3], $0x2800, $0x38;
	[tilespmem:$0x18900] =	vst v63  }
0x63: {  	s21 =	simm.s32 $0x2;
	p2 =	sne.s32 s31, s1;
	_ =	swait.ge @!p1 [sflag:s23], $0x2800  }
0x64: {  	s20 =	sadd.s32 $0x500, s2;
	s22 =	sadd.s32 $0x2800, s3;
	[sflag:s23] =	ssyncset.done @!p1 $0x0  }
.LBB2_7:
0x65: {  	s24 =	simm.s32 @!p2 $0x80;
	s25 =	simm.s32 @!p2 $0x4;
	[sflag:s23] =	ssyncadd.s32 @!p1 $0xFFFFD800  }
0x66: {  	s26 =	smov.u32 s21;
	p1 =	por p2, p2;
	s21 =	sadd.s32 $0x1, s21  }
0x67: {  	[tilespmem:s24], [sflag:$0x4] =	stream.linear.gather @!p1 [spmem:s22], $0x2800, $0x38;
	[tilespmem:$0x18900] =	vst v63  }
0x68: {  	p3 =	seq.s32 s21, $0x7D;
	_ =	swait.ge @!p1 [sflag:s25], $0x2800  }
.Ltmp5:
0x69: {  	[sflag:s25] =	ssyncset.done @!p1 $0x0;
	(pc) =	sbr.rel @!p3 .LBB2_7-.Ltmp5, $4  }
0x6a: {  	s23 =	simm.s32 @!p1 $0x3;
	[sflag:s25] =	ssyncadd.s32 @!p1 $0xFFFFD800;
	s25 =	simm.s32 @!p1 $0x0  }
0x6b: {  	[hbm4b:s20+s25] =	stream.linear.scatter @!p1 [tilespmem:s24], [sflag:$0x3], $0x2800, $0x38;
	[tilespmem:$0x18900] =	vst v63  }
0x6c: {  	s24 =	sand.u32 $0xF, s26;
	s20 =	sadd.s32 $0x500, s20;
	_ =	swait.ge @!p1 [sflag:s23], $0x2800  }
0x6d: {  	s22 =	sadd.s32 $0x2800, s22;
	p2 =	sne.s32 s24, s1;
	[sflag:s23] =	ssyncset.done @!p1 $0x0  }
0x6e: {  	s21 =	simm.s32 @!p2 $0x80  }
0x6f: {  	s24 =	simm.s32 @!p2 $0x4;
	[sflag:s23] =	ssyncadd.s32 @!p1 $0xFFFFD800;
	p1 =	por p2, p2  }
0x70: {  	[tilespmem:s21], [sflag:$0x4] =	stream.linear.gather @!p1 [spmem:s22], $0x2800, $0x38;
	[tilespmem:$0x18900] =	vst v63  }
0x71: {  	_ =	swait.ge @!p1 [sflag:s24], $0x2800  }
0x72: {  	[sflag:s24] =	ssyncset.done @!p1 $0x0  }
0x73: {  	s22 =	simm.s32 @!p1 $0x0;
	s23 =	simm.s32 @!p1 $0x3;
	[sflag:s24] =	ssyncadd.s32 @!p1 $0xFFFFD800  }
0x74: {  	[hbm4b:s20+s22] =	stream.linear.scatter @!p1 [tilespmem:s21], [sflag:$0x3], $0x2800, $0x38;
	[tilespmem:$0x18900] =	vst v63  }
0x75: {  	s31 =	simm.s32 $0x0;
	_ =	swait.ge @!p1 [sflag:s23], $0x2800  }
0x76: {  	s20 =	sand.u32 $0xF, s31;
	[sflag:s23] =	ssyncset.done @!p1 $0x0  }
0x77: {  	[sflag:s23] =	ssyncadd.s32 @!p1 $0xFFFFD800;
	p1 =	sne.s32 s20, s1  }
0x78: {  	[bflag:$0x0] =	sbarrier.arrive $0xFFFF;
	s20 =	simm.s32 @!p1 $0x2880;
	s23 =	simm.s32 @!p1 $0x3  }
0x79: {  	[spmem:s3] =	stream.linear.scatter @!p1 [tilespmem:s20], [sflag:$0x3], $0x2800, $0x38;
	[tilespmem:$0x18900] =	vst v63  }
0x7a: {  	s21 =	simm.s32 $0x1;
	_ =	swait.ge @!p1 [sflag:s23], $0x2800  }
0x7b: {  	s22 =	simm.s32 $0x2;
	s20 =	sadd.s32 $0x2800, s3;
	[sflag:s23] =	ssyncset.done @!p1 $0x0  }
.LBB2_9:
0x7c: {  	s24 =	sand.u32 $0xF, s21;
	s21 =	smov.u32 s22;
	s22 =	sadd.s32 $0x1, s22  }
0x7d: {  	[sflag:s23] =	ssyncadd.s32 @!p1 $0xFFFFD800;
	p2 =	sne.s32 s22, $0x7D  }
.Ltmp6:
0x7e: {  	p1 =	sne.s32 s24, s1;
	(pc) =	sbr.rel @p2 .LBB2_9-.Ltmp6, $4  }
0x7f: {  	s24 =	simm.s32 @!p1 $0x2880;
	s23 =	simm.s32 @!p1 $0x3  }
0x80: {  	[spmem:s20] =	stream.linear.scatter @!p1 [tilespmem:s24], [sflag:$0x3], $0x2800, $0x38;
	[tilespmem:$0x18900] =	vst v63  }
0x81: {  	_ =	swait.ge @!p1 [sflag:s23], $0x2800  }
0x82: {  	s20 =	sadd.s32 $0x2800, s20;
	[sflag:s23] =	ssyncset.done @!p1 $0x0  }
0x83: {  	s21 =	sand.u32 $0xF, s21  }
0x84: {  	p2 =	sne.s32 s21, s1  }
0x85: {  	[sflag:s23] =	ssyncadd.s32 @!p1 $0xFFFFD800;
	s21 =	simm.s32 @!p2 $0x2880;
	s22 =	simm.s32 @!p2 $0x3  }
0x86: {  	[spmem:s20] =	stream.linear.scatter @!p2 [tilespmem:s21], [sflag:$0x3], $0x2800, $0x38;
	[tilespmem:$0x18900] =	vst v63  }
0x87: {  	_ =	swait.ge @!p2 [sflag:s22], $0x2800  }
0x88: {  	[sflag:s22] =	ssyncset.done @!p2 $0x0  }
0x89: {  	[sflag:s22] =	ssyncadd.s32 @!p2 $0xFFFFD800  }
0x8a: {  	s31 =	sadd.s32 $0x0, s10;
	[bflag:$0x0] =	sbarrier.arrive $0xFFFF  }
0x8b: {  	[tilespmem:s4], [sflag:$0x1] =	stream.linear.gather [hbm4b:s31+s4], $0x50, $0x38;
	[tilespmem:$0x18900] =	vst v63  }
0x8c: {  	_ = 	snop  }
0x8d: {  	[tilespmem:s15], [sflag:$0x2] =	stream.linear.gather [hbm4b:s12+s4], $0x2800, $0x38;
	[tilespmem:$0x18900] =	vst v63  }
0x8e: {  	_ =	swait.ge [sflag:s16], $0x50  }
0x8f: {  	[sflag:s16] =	ssyncset.done $0x0  }
0x90: {  	[sflag:s16] =	ssyncadd.s32 $0xFFFFFFB0  }
0x91: {  	_ =	swait.ge [sflag:s17], $0x2800  }
0x92: {  	[sflag:s17] =	ssyncset.done $0x0  }
0x93: {  	[sflag:s17] =	ssyncadd.s32 $0xFFFFD800  }
0x94: {  	[spmem:s3] =	stream.indirect.scatter.add.f32 [tilespmem:s15], [sflag:$0x3], $0x80, s4, s18, $0xb8;
	[tilespmem:$0x18900] =	vst v63  }
0x95: {  	s21 =	simm.s32 $0xA;
	_ =	swait.ge [sflag:s14], $0x2800  }
0x96: {  	s20 =	sadd.s32 $0x500, s12;
	s22 =	simm.s32 $0x14;
	[sflag:s14] =	ssyncset.done $0x0  }
.LBB2_11:
0x97: {  	s23 =	sadd.s32 s21, s10  }
0x98: {  	[sflag:s14] =	ssyncadd.s32 $0xFFFFD800;
	s21 =	smov.u32 s22;
	s24 =	sadd.s32 $0xA, s22  }
0x99: {  	[tilespmem:s4], [sflag:$0x1] =	stream.linear.gather [hbm4b:s23+s4], $0x50, $0x38;
	[tilespmem:$0x18900] =	vst v63  }
0x9a: {  	p1 =	sne.s32 s22, $0x9BA  }
0x9b: {  	[tilespmem:s15], [sflag:$0x2] =	stream.linear.gather [hbm4b:s20+s4], $0x2800, $0x38;
	[tilespmem:$0x18900] =	vst v63  }
0x9c: {  	_ =	swait.ge [sflag:s16], $0x50  }
0x9d: {  	[sflag:s16] =	ssyncset.done $0x0  }
0x9e: {  	[sflag:s16] =	ssyncadd.s32 $0xFFFFFFB0  }
0x9f: {  	_ =	swait.ge [sflag:s17], $0x2800  }
.Ltmp7:
0xa0: {  	[sflag:s17] =	ssyncset.done $0x0;
	(pc) =	sbr.rel @p1 .LBB2_11-.Ltmp7, $4  }
0xa1: {  	[sflag:s17] =	ssyncadd.s32 $0xFFFFD800  }
0xa2: {  	[spmem:s3] =	stream.indirect.scatter.add.f32 [tilespmem:s15], [sflag:$0x3], $0x80, s4, s18, $0xb8;
	[tilespmem:$0x18900] =	vst v63  }
0xa3: {  	_ =	swait.ge [sflag:s14], $0x2800  }
0xa4: {  	s22 =	smov.u32 s24;
	s20 =	sadd.s32 $0x500, s20;
	[sflag:s14] =	ssyncset.done $0x0  }
0xa5: {  	s21 =	sadd.s32 s21, s10;
	[sflag:s14] =	ssyncadd.s32 $0xFFFFD800  }
0xa6: {  	[tilespmem:s4], [sflag:$0x1] =	stream.linear.gather [hbm4b:s21+s4], $0x50, $0x38;
	[tilespmem:$0x18900] =	vst v63  }
0xa7: {  	_ = 	snop  }
0xa8: {  	[tilespmem:s15], [sflag:$0x2] =	stream.linear.gather [hbm4b:s20+s4], $0x2800, $0x38;
	[tilespmem:$0x18900] =	vst v63  }
0xa9: {  	_ =	swait.ge [sflag:s16], $0x50  }
0xaa: {  	[sflag:s16] =	ssyncset.done $0x0  }
0xab: {  	[sflag:s16] =	ssyncadd.s32 $0xFFFFFFB0  }
0xac: {  	_ =	swait.ge [sflag:s17], $0x2800  }
0xad: {  	[sflag:s17] =	ssyncset.done $0x0  }
0xae: {  	s30 =	simm.s32 $0x0;
	[sflag:s17] =	ssyncadd.s32 $0xFFFFD800  }
0xaf: {  	[spmem:s3] =	stream.indirect.scatter.add.f32 [tilespmem:s15], [sflag:$0x3], $0x80, s4, s18, $0xb8;
	[tilespmem:$0x18900] =	vst v63  }
0xb0: {  	s20 =	sand.u32 $0xF, s30;
	_ =	swait.ge [sflag:s14], $0x2800  }
0xb1: {  	p1 =	sne.s32 s20, s1;
	[sflag:s14] =	ssyncset.done $0x0  }
0xb2: {  	s20 =	simm.s32 @!p1 $0x80;
	[sflag:s14] =	ssyncadd.s32 $0xFFFFD800  }
0xb3: {  	s22 =	simm.s32 @!p1 $0x4;
	p1 =	por p1, p1;
	[bflag:$0x0] =	sbarrier.arrive $0xFFFF  }
0xb4: {  	[tilespmem:s20], [sflag:$0x4] =	stream.linear.gather @!p1 [spmem:s3], $0x2800, $0x38;
	[tilespmem:$0x18900] =	vst v63  }
0xb5: {  	s24 =	simm.s32 $0x1;
	_ =	swait.ge @!p1 [sflag:s22], $0x2800  }
0xb6: {  	s31 =	sand.u32 $0xF, s24;
	[sflag:s22] =	ssyncset.done @!p1 $0x0  }
0xb7: {  	s23 =	simm.s32 @!p1 $0x3;
	[sflag:s22] =	ssyncadd.s32 @!p1 $0xFFFFD800;
	s22 =	simm.s32 @!p1 $0x0  }
0xb8: {  	[hbm4b:s7+s22] =	stream.linear.scatter @!p1 [tilespmem:s20], [sflag:$0x3], $0x2800, $0x38;
	[tilespmem:$0x18900] =	vst v63  }
0xb9: {  	s21 =	simm.s32 $0x2;
	p2 =	sne.s32 s31, s1;
	_ =	swait.ge @!p1 [sflag:s23], $0x2800  }
0xba: {  	s20 =	sadd.s32 $0x500, s7;
	s22 =	sadd.s32 $0x2800, s3;
	[sflag:s23] =	ssyncset.done @!p1 $0x0  }
.LBB2_13:
0xbb: {  	s24 =	simm.s32 @!p2 $0x80;
	s25 =	simm.s32 @!p2 $0x4;
	[sflag:s23] =	ssyncadd.s32 @!p1 $0xFFFFD800  }
0xbc: {  	s26 =	smov.u32 s21;
	p1 =	por p2, p2;
	s21 =	sadd.s32 $0x1, s21  }
0xbd: {  	[tilespmem:s24], [sflag:$0x4] =	stream.linear.gather @!p1 [spmem:s22], $0x2800, $0x38;
	[tilespmem:$0x18900] =	vst v63  }
0xbe: {  	p3 =	sne.s32 s21, $0x7D;
	_ =	swait.ge @!p1 [sflag:s25], $0x2800  }
.Ltmp8:
0xbf: {  	[sflag:s25] =	ssyncset.done @!p1 $0x0;
	(pc) =	sbr.rel @p3 .LBB2_13-.Ltmp8, $4  }
0xc0: {  	s23 =	simm.s32 @!p1 $0x3;
	[sflag:s25] =	ssyncadd.s32 @!p1 $0xFFFFD800;
	s25 =	simm.s32 @!p1 $0x0  }
0xc1: {  	[hbm4b:s20+s25] =	stream.linear.scatter @!p1 [tilespmem:s24], [sflag:$0x3], $0x2800, $0x38;
	[tilespmem:$0x18900] =	vst v63  }
0xc2: {  	s24 =	sand.u32 $0xF, s26;
	s20 =	sadd.s32 $0x500, s20;
	_ =	swait.ge @!p1 [sflag:s23], $0x2800  }
0xc3: {  	s22 =	sadd.s32 $0x2800, s22;
	p2 =	sne.s32 s24, s1;
	[sflag:s23] =	ssyncset.done @!p1 $0x0  }
0xc4: {  	s21 =	simm.s32 @!p2 $0x80  }
0xc5: {  	s24 =	simm.s32 @!p2 $0x4;
	[sflag:s23] =	ssyncadd.s32 @!p1 $0xFFFFD800;
	p1 =	por p2, p2  }
0xc6: {  	[tilespmem:s21], [sflag:$0x4] =	stream.linear.gather @!p1 [spmem:s22], $0x2800, $0x38;
	[tilespmem:$0x18900] =	vst v63  }
0xc7: {  	_ =	swait.ge @!p1 [sflag:s24], $0x2800  }
0xc8: {  	s22 =	simm.s32 @!p1 $0x0;
	[sflag:s24] =	ssyncset.done @!p1 $0x0  }
.Ltmp9:
0xc9: {  	s23 =	simm.s32 @!p1 $0x3;
	[sflag:s24] =	ssyncadd.s32 @!p1 $0xFFFFD800;
	(pc) =	sbr.rel .LBB2_20-.Ltmp9, $4  }
0xca: {  	[hbm4b:s20+s22] =	stream.linear.scatter @!p1 [tilespmem:s21], [sflag:$0x3], $0x2800, $0x38;
	[tilespmem:$0x18900] =	vst v63  }
0xcb: {  	_ =	swait.ge @!p1 [sflag:s23], $0x2800  }
0xcc: {  	[sflag:s23] =	ssyncset.done @!p1 $0x0  }
0xcd: {  	[sflag:s23] =	ssyncadd.s32 @!p1 $0xFFFFD800  }
.LBB2_15:
0xce: {  	[tilespmem:s4], [sflag:$0x1] =	stream.linear.gather [hbm4b:s20+s4], $0x50, $0x38;
	[tilespmem:$0x18900] =	vst v63  }
0xcf: {  	_ = 	snop  }
0xd0: {  	[tilespmem:s15], [sflag:$0x2] =	stream.linear.gather [hbm4b:s8+s4], $0x2800, $0x38;
	[tilespmem:$0x18900] =	vst v63  }
0xd1: {  	_ =	swait.ge [sflag:s16], $0x50  }
0xd2: {  	[sflag:s16] =	ssyncset.done $0x0  }
0xd3: {  	[sflag:s16] =	ssyncadd.s32 $0xFFFFFFB0  }
0xd4: {  	_ =	swait.ge [sflag:s17], $0x2800  }
0xd5: {  	[sflag:s17] =	ssyncset.done $0x0  }
0xd6: {  	[sflag:s17] =	ssyncadd.s32 $0xFFFFD800  }
0xd7: {  	[spmem:s3] =	stream.indirect.scatter.add.f32 [tilespmem:s15], [sflag:$0x3], $0x80, s4, s18, $0xb8;
	[tilespmem:$0x18900] =	vst v63  }
0xd8: {  	s21 =	simm.s32 $0xA;
	_ =	swait.ge [sflag:s14], $0x2800  }
0xd9: {  	s22 =	simm.s32 $0x14;
	s20 =	sadd.s32 $0x500, s8;
	[sflag:s14] =	ssyncset.done $0x0  }
.LBB2_16:
0xda: {  	s23 =	sadd.s32 s21, s10  }
0xdb: {  	[sflag:s14] =	ssyncadd.s32 $0xFFFFD800;
	s21 =	smov.u32 s22;
	s24 =	sadd.s32 $0xA, s22  }
0xdc: {  	[tilespmem:s4], [sflag:$0x1] =	stream.linear.gather [hbm4b:s23+s4], $0x50, $0x38;
	[tilespmem:$0x18900] =	vst v63  }
0xdd: {  	p1 =	seq.s32 s22, $0x9BA  }
0xde: {  	[tilespmem:s15], [sflag:$0x2] =	stream.linear.gather [hbm4b:s20+s4], $0x2800, $0x38;
	[tilespmem:$0x18900] =	vst v63  }
0xdf: {  	_ =	swait.ge [sflag:s16], $0x50  }
0xe0: {  	[sflag:s16] =	ssyncset.done $0x0  }
0xe1: {  	[sflag:s16] =	ssyncadd.s32 $0xFFFFFFB0  }
0xe2: {  	_ =	swait.ge [sflag:s17], $0x2800  }
.Ltmp10:
0xe3: {  	[sflag:s17] =	ssyncset.done $0x0;
	(pc) =	sbr.rel @!p1 .LBB2_16-.Ltmp10, $4  }
0xe4: {  	[sflag:s17] =	ssyncadd.s32 $0xFFFFD800  }
0xe5: {  	[spmem:s3] =	stream.indirect.scatter.add.f32 [tilespmem:s15], [sflag:$0x3], $0x80, s4, s18, $0xb8;
	[tilespmem:$0x18900] =	vst v63  }
0xe6: {  	_ =	swait.ge [sflag:s14], $0x2800  }
0xe7: {  	s22 =	smov.u32 s24;
	s20 =	sadd.s32 $0x500, s20;
	[sflag:s14] =	ssyncset.done $0x0  }
0xe8: {  	s21 =	sadd.s32 s21, s10;
	[sflag:s14] =	ssyncadd.s32 $0xFFFFD800  }
0xe9: {  	[tilespmem:s4], [sflag:$0x1] =	stream.linear.gather [hbm4b:s21+s4], $0x50, $0x38;
	[tilespmem:$0x18900] =	vst v63  }
0xea: {  	_ = 	snop  }
0xeb: {  	[tilespmem:s15], [sflag:$0x2] =	stream.linear.gather [hbm4b:s20+s4], $0x2800, $0x38;
	[tilespmem:$0x18900] =	vst v63  }
0xec: {  	_ =	swait.ge [sflag:s16], $0x50  }
0xed: {  	[sflag:s16] =	ssyncset.done $0x0  }
0xee: {  	[sflag:s16] =	ssyncadd.s32 $0xFFFFFFB0  }
0xef: {  	_ =	swait.ge [sflag:s17], $0x2800  }
0xf0: {  	[sflag:s17] =	ssyncset.done $0x0  }
0xf1: {  	s30 =	simm.s32 $0x0;
	[sflag:s17] =	ssyncadd.s32 $0xFFFFD800  }
0xf2: {  	[spmem:s3] =	stream.indirect.scatter.add.f32 [tilespmem:s15], [sflag:$0x3], $0x80, s4, s18, $0xb8;
	[tilespmem:$0x18900] =	vst v63  }
0xf3: {  	s20 =	sand.u32 $0xF, s30;
	_ =	swait.ge [sflag:s14], $0x2800  }
0xf4: {  	p1 =	sne.s32 s20, s1;
	[sflag:s14] =	ssyncset.done $0x0  }
0xf5: {  	s20 =	simm.s32 @!p1 $0x80;
	[sflag:s14] =	ssyncadd.s32 $0xFFFFD800  }
0xf6: {  	s22 =	simm.s32 @!p1 $0x4;
	p1 =	por p1, p1;
	[bflag:$0x0] =	sbarrier.arrive $0xFFFF  }
0xf7: {  	[tilespmem:s20], [sflag:$0x4] =	stream.linear.gather @!p1 [spmem:s3], $0x2800, $0x38;
	[tilespmem:$0x18900] =	vst v63  }
0xf8: {  	s24 =	simm.s32 $0x1;
	_ =	swait.ge @!p1 [sflag:s22], $0x2800  }
0xf9: {  	s31 =	sand.u32 $0xF, s24;
	[sflag:s22] =	ssyncset.done @!p1 $0x0  }
0xfa: {  	s23 =	simm.s32 @!p1 $0x3;
	[sflag:s22] =	ssyncadd.s32 @!p1 $0xFFFFD800;
	s22 =	simm.s32 @!p1 $0x0  }
0xfb: {  	[hbm4b:s6+s22] =	stream.linear.scatter @!p1 [tilespmem:s20], [sflag:$0x3], $0x2800, $0x38;
	[tilespmem:$0x18900] =	vst v63  }
0xfc: {  	s21 =	simm.s32 $0x2;
	p2 =	sne.s32 s31, s1;
	_ =	swait.ge @!p1 [sflag:s23], $0x2800  }
0xfd: {  	s20 =	sadd.s32 $0x500, s6;
	s22 =	sadd.s32 $0x2800, s3;
	[sflag:s23] =	ssyncset.done @!p1 $0x0  }
.LBB2_18:
0xfe: {  	s24 =	simm.s32 @!p2 $0x80;
	s25 =	simm.s32 @!p2 $0x4;
	[sflag:s23] =	ssyncadd.s32 @!p1 $0xFFFFD800  }
0xff: {  	s26 =	smov.u32 s21;
	p1 =	por p2, p2;
	s21 =	sadd.s32 $0x1, s21  }
0x100: {  	[tilespmem:s24], [sflag:$0x4] =	stream.linear.gather @!p1 [spmem:s22], $0x2800, $0x38;
	[tilespmem:$0x18900] =	vst v63  }
0x101: {  	p3 =	sne.s32 s21, $0x7D;
	_ =	swait.ge @!p1 [sflag:s25], $0x2800  }
.Ltmp11:
0x102: {  	[sflag:s25] =	ssyncset.done @!p1 $0x0;
	(pc) =	sbr.rel @p3 .LBB2_18-.Ltmp11, $4  }
0x103: {  	s23 =	simm.s32 @!p1 $0x3;
	[sflag:s25] =	ssyncadd.s32 @!p1 $0xFFFFD800;
	s25 =	simm.s32 @!p1 $0x0  }
0x104: {  	[hbm4b:s20+s25] =	stream.linear.scatter @!p1 [tilespmem:s24], [sflag:$0x3], $0x2800, $0x38;
	[tilespmem:$0x18900] =	vst v63  }
0x105: {  	s24 =	sand.u32 $0xF, s26;
	s20 =	sadd.s32 $0x500, s20;
	_ =	swait.ge @!p1 [sflag:s23], $0x2800  }
0x106: {  	s22 =	sadd.s32 $0x2800, s22;
	p2 =	sne.s32 s24, s1;
	[sflag:s23] =	ssyncset.done @!p1 $0x0  }
.Ltmp12:
0x107: {  	_ = 	snop;
	(pc) =	sbr.rel .LBB2_19-.Ltmp12, $1  }
0x108: {  	_ =	sdelay $0x3  }
.LBB2_21:
0x109: {  	_ =	sfence.sel $0x180000  }
0x10a: {  	[bflag:$0x0] =	sbarrier.arrive $0xFFFF  }
0x10b: {  	p0 =	sne.s32 s1, $0x0;
	_ =	strace $0x9000004A  }
0x10c: {  	s0 =	sadd.s32 @!p0 $0x100000, s0;
	[bflag:$0x2] =	sbarrier.arrive $0xFFFF  }
0x10d: {  	[sflag:s0] =	ssyncadd.tile.s32 @!p0 $0x1;
	_ =	shalt  }
.Lfunc_end2:
_tile_overlayer_lowered:
.L_overlay_start_2:
0x10e: {  	(tag) =	ssettag $0x2  }
0x10f: {  	s0 =	rddreg [dreg:$0x0];
	s2 =	stileid.u32  }
0x110: {  	s1 =	rddreg [dreg:$0x1];
	p0 =	sne.s32 s2, $0x0  }
0x111: {  	s3 =	rddreg [dreg:$0x2];
	[bflag:$0x3] =	sbarrier.arrive $0xFFFF;
	s2 =	simm.s32 @!p0 $0x1C03  }
0x112: {  	[timem:s3], [sflag:s2] =	dma.local @!p0 [hbm:s0], s1  }
0x113: {  	s0 =	simm.s32 @!p0 $0x3  }
0x114: {  	_ =	swait.ge @!p0 [sflag:s0], s1  }
0x115: {  	s1 =	ssub.s32 @!p0 $0x0, s1;
	[sflag:s0] =	ssyncset.done @!p0 $0x0  }
0x116: {  	[sflag:s0] =	ssyncadd.s32 @!p0 s1  }
0x117: {  	[bflag:$0x3] =	sbarrier.arrive $0xFFFF  }
0x118: {  	_ =	shalt  }

// kernel: kernel.17.cloned.1.call-start
scs
__scs_entry_jumppad:
0x0: {  	(pc) =	sbr.rel $0x88, $3  }
0x1: {  	(tag) =	ssettag $0x0;
	lr =	simm.s32 $0x1  }
0x2: {  	[smem:$0x3F8B] =	sst lr;
	_ =	strace $0xD0000000  }
0x3: {  	_ = 	snop  }
0x4: {  	_ = 	snop  }
0x5: {  	_ = 	snop  }
0x6: {  	_ = 	snop  }
0x7: {  	_ = 	snop  }
__scs_overlays_trampoline_lowered:
0x8: {  	[smem:$0x3F9A] =	sst s0  }
0x9: {  	[smem:$0x3F9B] =	sst s1  }
0xa: {  	[smem:$0x3F9C] =	sst s2  }
0xb: {  	[smem:$0x3F9D] =	sst s3  }
0xc: {  	[smem:$0x3F9E] =	sst s4  }
0xd: {  	[smem:$0x3F9F] =	sst s5  }
0xe: {  	[smem:$0x3FA0] =	sst s6  }
0xf: {  	[smem:$0x3FA1] =	sst s7  }
0x10: {  	[smem:$0x3FA2] =	sst s8  }
0x11: {  	[smem:$0x3FA3] =	sst s9;
	s0 =	simm.s32 @!p0 $0x0  }
0x12: {  	s1 =	sld [smem:$0x3F89];
	s0 =	simm.s32 @p0 $0x1  }
0x13: {  	[smem:$0x3FA4] =	sst s0;
	s0 =	simm.s32 @!p1 $0x0  }
0x14: {  	s2 =	sld [smem:$0x3F88];
	s0 =	simm.s32 @p1 $0x1  }
0x15: {  	[smem:$0x3FA5] =	sst s0;
	s0 =	simm.s32 @!p2 $0x0  }
0x16: {  	s3 =	sld [smem:$0x3FDB];
	s0 =	simm.s32 @p2 $0x1  }
0x17: {  	s4 =	simm.s32 $0x1BF5;
	[smem:$0x3FA7] =	sst s0  }
0x18: {  	s0 =	sld [smem:$0x3F8A];
	_ =	swait.ge [sflag:s4], $0x0  }
0x19: {  	s7 =	sld [smem:$0x3F8B]  }
0x1a: {  	s8 =	sadd.s32 $0xFFFFE003, lr  }
0x1b: {  	s9 =	sadd.s32 $0xFFFFFEF7, lr;
	s5 =	simm.s32 $0xFFFFFFFF;
	p2 =	slt.u32 s8, $0xFFFFF086  }
0x1c: {  	p1 =	slt.u32 s9, $0xF7A;
	s5 =	simm.s32 @!p2 $0x0  }
0x1d: {  	s5 =	simm.s32 @p1 $0x1;
	p0 =	seq.s32 s7, s2  }
0x1e: {  	s7 =	smul.u32 @!p0 $0xF7A, s2;
	p2 =	seq.s32 @!p0 s5, $0x0  }
0x1f: {  	s9 =	smul.u32 $0xF7A, s1;
	s8 =	simm.s32 @!p0 $0x1BF5;
	p2 =	por !p2, p0  }
0x20: {  	[sflag:s8] =	ssyncset.s32 @!p0 $0xFFFFF086;
	s6 =	sadd.s32 @!p0 s3, s7;
	s7 =	simm.s32 @!p0 $0x108  }
0x21: {  	s3 =	sadd.s32 s3, s9;
	s6 =	sadd.s32 @!p0 $0x88, s6;
	s7 =	simm.s32 @p2 $0x1082  }
0x22: {  	[simem:s7], [sflag:s8] =	dma.local @!p0 [hbm:s6], $0xF7A  }
0x23: {  	s9 =	sor.u32 $0xD0000000, s2;
	s6 =	simm.s32 $0x108;
	_ =	swait.ge @!p0 [sflag:s8], $0x0  }
0x24: {  	s3 =	sadd.s32 $0x88, s3;
	s6 =	simm.s32 @!p1 $0x1082;
	[sflag:s4] =	ssyncset.s32 $0xFFFFF086  }
0x25: {  	[simem:s6], [sflag:s4] =	dma.local [hbm:s3], $0xF7A  }
0x26: {  	[smem:$0x3F8B] =	sst s1;
	(tag) =	ssettag s2;
	_ =	strace s9  }
0x27: {  	s1 =	sld [smem:$0x3F9B]  }
0x28: {  	s2 =	sld [smem:$0x3F9C]  }
0x29: {  	s4 =	sld [smem:$0x3F9E]  }
0x2a: {  	p0 =	seq.s32 s5, $0x0;
	s5 =	sld [smem:$0x3F9F]  }
0x2b: {  	s6 =	sld [smem:$0x3FA0]  }
0x2c: {  	s7 =	sld [smem:$0x3FA1]  }
0x2d: {  	s3 =	simm.s32 $0x108;
	s8 =	sld [smem:$0x3FA2]  }
0x2e: {  	s3 =	simm.s32 @!p0 $0x1082;
	s9 =	sld [smem:$0x3FA3]  }
0x2f: {  	lr =	sadd.s32 s0, s3;
	s0 =	sld [smem:$0x3F9A]  }
0x30: {  	s3 =	sld [smem:$0x3F9D]  }
0x31: {  	[smem:$0x3FA6] =	sst s10  }
0x32: {  	s10 =	sld [smem:$0x3FA4];
	_ =	sdelay $0x3  }
0x33: {  	p0 =	seq.s32 s10, $0x1;
	s10 =	sld [smem:$0x3FA6];
	_ =	sdelay $0x3  }
0x34: {  	[smem:$0x3FA6] =	sst s10  }
0x35: {  	s10 =	sld [smem:$0x3FA5];
	_ =	sdelay $0x3  }
0x36: {  	p1 =	seq.s32 s10, $0x1;
	s10 =	sld [smem:$0x3FA6];
	_ =	sdelay $0x3  }
0x37: {  	[smem:$0x3FA6] =	sst s10  }
0x38: {  	s10 =	sld [smem:$0x3FA7]  }
0x39: {  	_ = 	snop;
	(pc) =	sbr.ind lr, $3  }
0x3a: {  	_ = 	snop  }
0x3b: {  	_ = 	snop  }
0x3c: {  	p2 =	seq.s32 s10, $0x1;
	s10 =	sld [smem:$0x3FA6]  }
0x3d: {  	_ =	shalt  }
0x3e: {  	_ =	shalt  }
0x3f: {  	_ =	shalt  }
0x40: {  	_ =	shalt  }
0x41: {  	_ =	shalt  }
0x42: {  	_ =	shalt  }
0x43: {  	_ =	shalt  }
0x44: {  	_ =	shalt  }
0x45: {  	_ =	shalt  }
0x46: {  	_ =	shalt  }
0x47: {  	_ =	shalt  }
0x48: {  	_ =	shalt  }
0x49: {  	_ =	shalt  }
0x4a: {  	_ =	shalt  }
0x4b: {  	_ =	shalt  }
0x4c: {  	_ =	shalt  }
0x4d: {  	_ =	shalt  }
0x4e: {  	_ =	shalt  }
0x4f: {  	_ =	shalt  }
0x50: {  	_ =	shalt  }
0x51: {  	_ =	shalt  }
0x52: {  	_ =	shalt  }
0x53: {  	_ =	shalt  }
0x54: {  	_ =	shalt  }
0x55: {  	_ =	shalt  }
0x56: {  	_ =	shalt  }
0x57: {  	_ =	shalt  }
0x58: {  	_ =	shalt  }
0x59: {  	_ =	shalt  }
0x5a: {  	_ =	shalt  }
0x5b: {  	_ =	shalt  }
0x5c: {  	_ =	shalt  }
0x5d: {  	_ =	shalt  }
0x5e: {  	_ =	shalt  }
0x5f: {  	_ =	shalt  }
0x60: {  	_ =	shalt  }
0x61: {  	_ =	shalt  }
0x62: {  	_ =	shalt  }
0x63: {  	_ =	shalt  }
0x64: {  	_ =	shalt  }
0x65: {  	_ =	shalt  }
0x66: {  	_ =	shalt  }
0x67: {  	_ =	shalt  }
0x68: {  	_ =	shalt  }
0x69: {  	_ =	shalt  }
0x6a: {  	_ =	shalt  }
0x6b: {  	_ =	shalt  }
0x6c: {  	_ =	shalt  }
0x6d: {  	_ =	shalt  }
0x6e: {  	_ =	shalt  }
0x6f: {  	_ =	shalt  }
0x70: {  	_ =	shalt  }
0x71: {  	_ =	shalt  }
0x72: {  	_ =	shalt  }
0x73: {  	_ =	shalt  }
0x74: {  	_ =	shalt  }
0x75: {  	_ =	shalt  }
0x76: {  	_ =	shalt  }
0x77: {  	_ =	shalt  }
0x78: {  	_ =	shalt  }
0x79: {  	_ =	shalt  }
0x7a: {  	_ =	shalt  }
0x7b: {  	_ =	shalt  }
0x7c: {  	_ =	shalt  }
0x7d: {  	_ =	shalt  }
0x7e: {  	_ =	shalt  }
0x7f: {  	_ =	shalt  }
0x80: {  	_ =	shalt  }
0x81: {  	_ =	shalt  }
0x82: {  	_ =	shalt  }
0x83: {  	_ =	shalt  }
0x84: {  	_ =	shalt  }
0x85: {  	_ =	shalt  }
0x86: {  	_ =	shalt  }
0x87: {  	_ =	shalt  }
.Lfunc_end0:
.L_simem_size_0:
called_computation.2_lowered:
.L_overlay_start_0:
0x88: {  	s2 =	sld [smem:$0x3FD9]  }
0x89: {  	s3 =	sld [smem:$0x3FFE];
	_ =	sdelay $0x1  }
0x8a: {  	s1 =	srdreg.scid  }
0x8b: {  	s0 =	sand.u32 $0x1, s1  }
0x8c: {  	s17 =	sshll.u32 s0, $0xA;
	s2 =	sadd.s32 s3, s2  }
0x8d: {  	s2 =	sadd.s32 s2, s17  }
0x8e: {  	[smem:$0x3FB2] =	sst s2  }
0x8f: {  	_ = 	snop  }
0x90: {  	s2 =	sld [smem:$0x3FD0];
	(tm) =	ssettm $0x1  }
0x91: {  	s18 =	sld [smem:$0x3FFB];
	_ =	sdelay $0x3  }
0x92: {  	_ =	strace s18  }
0x93: {  	s3 =	sld [smem:$0x3FFC];
	_ =	sdelay $0x3  }
0x94: {  	_ =	strace s3  }
0x95: {  	s3 =	sld [smem:$0x3FFD];
	_ =	sdelay $0x3  }
0x96: {  	_ =	strace s3  }
0x97: {  	_ =	strace $0x8FFFFFFF  }
0x98: {  	s19 =	sld [smem:$0x3FDB];
	_ =	sdelay $0x1  }
0x99: {  	s4 =	simm.s32 $_scs_section_size  }
0x9a: {  	s5 =	simm.s32 $_size__tile_overlayer_lowered;
	s6 =	simm.s32 $_tile_overlayer_lowered  }
0x9b: {  	s22 =	simm.s32 $0x1BFF;
	s21 =	sshll.u32 s6, $0x1;
	s3 =	sadd.s32 s4, s19  }
0x9c: {  	s7 =	simm.s32 $0x0;
	s20 =	sshll.u32 s5, $0x1;
	s5 =	sadd.s32 s21, s3  }
0x9d: {  	[timem:s7], [sflag:s22] =	dma.local [hbm:s5], s20  }
0x9e: {  	_ =	swait.ge [sflag:s22], s20  }
0x9f: {  	s4 =	ssub.s32 $0x0, s20;
	[sflag:s22] =	ssyncset.done $0x0  }
0xa0: {  	[sflag:s22] =	ssyncadd.s32 s4;
	_ =	sdelay $0x1  }
0xa1: {  	s23 =	simm.s32 $0x1B8B  }
0xa2: {  	_ =	swait.ge [sflag:s23], $0x1  }
0xa3: {  	[sflag:s23] =	ssyncset.done $0x0  }
0xa4: {  	s25 =	simm.s32 $0x1B8E;
	s24 =	sld [smem:$0x3FFE];
	[sflag:s23] =	ssyncadd.s32 $0xFFFFFFFF  }
0xa5: {  	s26 =	simm.s32 $execute0_lowered;
	[smem:$0x3FD2] =	sst s25  }
0xa6: {  	s5 =	sshll.u32 s26, $0x1;
	_ =	strace $0x8000004C;
	[dreg:$0x1] =	wrdreg $0xFFFFFFFF  }
0xa7: {  	s28 =	simm.s32 $_size_execute0_lowered;
	s3 =	sadd.s32 s3, s5;
	[dreg:$0x0] =	wrdreg $0x0  }
0xa8: {  	s5 =	sshll.u32 s28, $0x1;
	[dreg:$0x2] =	wrdreg s3  }
0xa9: {  	[dreg:$0x3] =	wrdreg s5  }
0xaa: {  	[dreg:$0x4] =	wrdreg $0xC0  }
0xab: {  	_ =	task [dreg:s7], $0x5FFFF  }
0xac: {  	[dreg:$0x1] =	wrdreg $0xFFFFFFFF  }
0xad: {  	[dreg:$0x0] =	wrdreg $0x60  }
0xae: {  	[dreg:$0x2] =	wrdreg s2  }
0xaf: {  	[dreg:$0x3] =	wrdreg s24  }
0xb0: {  	[dreg:$0x4] =	wrdreg $0x9  }
0xb1: {  	_ =	task.clear_ibuf [dreg:s7], $0x5FFFF;
	_ =	strace $0x9000004C  }
0xb2: {  	s29 =	simm.s32 $0x9;
	_ =	strace $0x8000004E  }
0xb3: {  	_ =	swait.ge [sflag:s29], $0x1  }
0xb4: {  	[sflag:s29] =	ssyncadd.s32 $0xFFFFFFFF  }
0xb5: {  	_ =	strace $0x9000004E  }
0xb6: {  	_ =	sfence  }
0xb7: {  	s30 =	sld [smem:$0x0];
	_ =	sdelay $0x2  }
0xb8: {  	s31 =	sshll.u32 s1, $0xD;
	s1 =	sshrl.u32 s1, $0x2  }
0xb9: {  	s3 =	sand.u32 $0x4000, s31;
	s1 =	sadd.s32 s1, s30  }
0xba: {  	s0 =	sor.u32 s3, s0;
	s1 =	sshll.u32 s1, $0x11  }
0xbb: {  	s0 =	sor.u32 s1, s0  }
0xbc: {  	s0 =	sadd.s32 $0x8F2B, s0  }
0xbd: {  	[sflag:s0] =	ssyncadd.remote.s32 $0x1  }
0xbe: {  	_ =	sfence.sel $0xFFFF  }
0xbf: {  	[dreg:$0x0] =	wrdreg $0xFFFFFFFF;
	(pc) =	sbr.abs _section_cstart, $3  }
0xc0: {  	[dreg:$0x1] =	wrdreg $0xFFFFFFFF  }
0xc1: {  	_ =	task.clear_ibuf [dreg:s7], $0x2FFFF;
	_ =	strace $0x9FFFFFFF  }
0xc2: {  	(tm) =	ssettm $0x7FFFFFFF  }
0xc3: {  	_ =	shalt  }
tec
execute0_lowered:
.L_overlay_start_1:
0x0: {  	(tag) =	ssettag $0x1  }
0x1: {  	s2 =	rddreg [dreg:$0x0]  }
0x2: {  	s6 =	rddreg [dreg:$0x1];
	s3 =	simm.s32 $0x0  }
0x3: {  	s12 =	simm.s32 $0x80;
	[smem:$0x7FF] =	sst s3  }
0x4: {  	s9 =	simm.s32 $0x900;
	_ =	strace $0x8000004D;
	[dreg:$0x6] =	wrdreg s12  }
0x5: {  	s13 =	simm.s32 $0x1100;
	[dreg:$0x7] =	wrdreg s9  }
0x6: {  	s1 =	srdreg.scid;
	s14 =	simm.s32 $0x1900;
	[dreg:$0x8] =	wrdreg s13  }
0x7: {  	s0 =	stileid.u32;
	s15 =	simm.s32 $0x2100;
	[dreg:$0x9] =	wrdreg s14  }
0x8: {  	s17 =	simm.s32 $0x2900;
	s18 =	simm.s32 $0x3100;
	[dreg:$0xa] =	wrdreg s15  }
0x9: {  	s20 =	simm.s32 $0x3900;
	s21 =	simm.s32 $0x4100;
	[dreg:$0xb] =	wrdreg s17  }
0xa: {  	s23 =	simm.s32 $0x4900;
	s24 =	simm.s32 $0x5900;
	[dreg:$0xc] =	wrdreg s18  }
0xb: {  	s25 =	simm.s32 $0x6100;
	s26 =	simm.s32 $0x6900;
	[dreg:$0xd] =	wrdreg s20  }
0xc: {  	s10 =	simm.s32 $0x2;
	s30 =	simm.s32 $0x7100;
	[dreg:$0xe] =	wrdreg s21  }
0xd: {  	s31 =	simm.s32 $0x7900;
	s4 =	smul.u32 $0x9C400, s0;
	[dreg:$0xf] =	wrdreg s23  }
0xe: {  	s1 =	sand.u32 $0x1, s1;
	s11 =	smul.u32 $0x4E20, s0;
	[dreg:$0x10] =	wrdreg s24  }
0xf: {  	s28 =	simm.s32 $0x3;
	s5 =	smul.u32 $0x4E200, s1;
	[dreg:$0x11] =	wrdreg s25  }
0x10: {  	s29 =	simm.s32 $0x0;
	s8 =	smul.u32 $0x2710, s1;
	[dreg:$0x12] =	wrdreg s26  }
0x11: {  	s1 =	ssub.s32 $0x2, s1;
	s9 =	simm.s32 $0x1;
	[dreg:$0x13] =	wrdreg s30  }
0x12: {  	s12 =	simm.s32 $0x5100;
	[dreg:$0x14] =	wrdreg s31;
	s13 =	simm.s32 $0x8100  }
0x13: {  	s14 =	simm.s32 $0x8900;
	s15 =	simm.s32 $0x9100;
	s17 =	simm.s32 $0xA100  }
0x14: {  	s18 =	simm.s32 $0xA900;
	s20 =	simm.s32 $0xB900;
	s21 =	simm.s32 $0xC100  }
0x15: {  	s23 =	simm.s32 $0xD100;
	s24 =	simm.s32 $0xD900;
	s4 =	sadd.s32 s4, s6  }
0x16: {  	s25 =	simm.s32 $0xE100;
	s19 =	sshrl.u32 s1, $0x1;
	s5 =	sadd.s32 s5, s4  }
0x17: {  	s26 =	simm.s32 $0xE900;
	s1 =	ssub.s32 s1, s19;
	s4 =	sadd.s32 $0x19FE00, s5  }
0x18: {  	s19 =	simm.s32 $0xB100;
	s7 =	sadd.s32 $0xB63E00, s5;
	[dreg:$0x3] =	wrdreg s4  }
0x19: {  	s5 =	sadd.s32 $0x1527E00, s5;
	s22 =	smax.u32 s1, $0x1;
	[dreg:$0x4] =	wrdreg s7  }
0x1a: {  	s4 =	sadd.s32 $0xB5800, s6;
	[dreg:$0x5] =	wrdreg s5;
	s7 =	sadd.s32 s8, s11  }
0x1b: {  	v2 =	vlaneseq.u32;
	s5 =	sadd.s32 $0x103A00, s6;
	[dreg:$0x15] =	wrdreg s22;
	s7 =	sshrl.u32 s7, $0x3  }
0x1c: {  	vm0 =	vmmov $0xffff;
	v1 =	vshrl.u32 v2, $0x3;
	s11 =	simm.s32 $0x100;
	s22 =	simm.s32 $0xC900;
	s16 =	sadd.s32 s7, s6  }
0x1d: {  	v0 =	vand.u32 $0x7, v2;
	v2 =	vor.u32 $0x8, v2;
	v1 =	vmul.u32 $0x8, v1;
	s7 =	sadd.s32 $0x5800, s16;
	s8 =	sadd.s32 $0xF600, s16;
	s16 =	simm.s32 $0x9900  }
.LBB2_1:
0x1e: {  	s30 =	smov.u32 s8;
	s31 =	smov.u32 s7;
	s1 =	simm.s32 $0x0  }
.LBB2_2:
0x1f: {  	[tilespmem:s3], [sflag:$0x1] =	stream.linear.gather [hbm4b:s30+s3], $0x50, $0x38;
	[tilespmem:$0xF100] =	vst v63  }
0x20: {  	s0 =	rddreg [dreg:$0x6]  }
0x21: {  	[tilespmem:s0], [sflag:$0x2] =	stream.linear.gather [hbm4b:s31+s3], $0x50, $0x38;
	[tilespmem:$0xF100] =	vst v63  }
0x22: {  	_ =	swait.ge [sflag:s9], $0x50  }
0x23: {  	[sflag:s9] =	ssyncset.done $0x0  }
0x24: {  	[sflag:s9] =	ssyncadd.s32 $0xFFFFFFB0  }
0x25: {  	_ =	swait.ge [sflag:s10], $0x50  }
0x26: {  	[sflag:s10] =	ssyncset.done $0x0  }
0x27: {  	[sflag:s10] =	ssyncadd.s32 $0xFFFFFFB0  }
0x28: {  	v3 =	vld [tilespmem:$0x0];
	_ =	sdelay $0x4  }
0x29: {  	v4 =	vshll.u32 v3, $0x1  }
0x2a: {  	v3 =	vand.u32 $0x7, v3;
	v4 =	vand.u32 $0xFFFFFFF0, v4  }
0x2b: {  	v3 =	vor.u32 v3, v4  }
0x2c: {  	v4 =	vperm.xlane v3, v0;
	_ =	sdelay $0x1  }
0x2d: {  	v3 =	vperm.xlane v3, v2;
	v4 =	vadd.s32 v1, v4;
	_ =	sdelay $0x1  }
0x2e: {  	v3 =	vadd.s32 v1, v3;
	_ =	sdelay $0x2  }
0x2f: {  	[tilespmem:s11], [sflag:$0x1] =	stream.indirect_vreg.gather [hbm4b:s2+s3], $0x80, v4, vm0, $0xb8;
	[tilespmem:$0xF100] =	vst v63  }
0x30: {  	s6 =	rddreg [dreg:$0x7]  }
0x31: {  	[tilespmem:s6], [sflag:$0x1] =	stream.indirect_vreg.gather [hbm4b:s2+s3], $0x80, v3, vm0, $0xb8;
	[tilespmem:$0xF100] =	vst v63  }
0x32: {  	v3 =	vld [tilespmem:$0x10];
	_ =	sdelay $0x4  }
0x33: {  	v50 =	vshll.u32 v3, $0x1  }
0x34: {  	v3 =	vand.u32 $0x7, v3;
	v4 =	vand.u32 $0xFFFFFFF0, v50  }
0x35: {  	v3 =	vor.u32 v3, v4  }
0x36: {  	v4 =	vperm.xlane v3, v0;
	_ =	sdelay $0x1  }
0x37: {  	v3 =	vperm.xlane v3, v2;
	v4 =	vadd.s32 v1, v4;
	_ =	sdelay $0x1  }
0x38: {  	v3 =	vadd.s32 v1, v3;
	_ =	sdelay $0x1  }
0x39: {  	s0 =	rddreg [dreg:$0x8]  }
0x3a: {  	[tilespmem:s0], [sflag:$0x1] =	stream.indirect_vreg.gather [hbm4b:s2+s3], $0x80, v4, vm0, $0xb8;
	[tilespmem:$0xF100] =	vst v63  }
0x3b: {  	s6 =	rddreg [dreg:$0x9]  }
0x3c: {  	[tilespmem:s6], [sflag:$0x1] =	stream.indirect_vreg.gather [hbm4b:s2+s3], $0x80, v3, vm0, $0xb8;
	[tilespmem:$0xF100] =	vst v63  }
0x3d: {  	v3 =	vld [tilespmem:$0x20];
	_ =	sdelay $0x4  }
0x3e: {  	v51 =	vshll.u32 v3, $0x1  }
0x3f: {  	v3 =	vand.u32 $0x7, v3;
	v4 =	vand.u32 $0xFFFFFFF0, v51  }
0x40: {  	v3 =	vor.u32 v3, v4  }
0x41: {  	v4 =	vperm.xlane v3, v0;
	_ =	sdelay $0x1  }
0x42: {  	v3 =	vperm.xlane v3, v2;
	v4 =	vadd.s32 v1, v4;
	_ =	sdelay $0x1  }
0x43: {  	v3 =	vadd.s32 v1, v3;
	_ =	sdelay $0x1  }
0x44: {  	s0 =	rddreg [dreg:$0xa]  }
0x45: {  	[tilespmem:s0], [sflag:$0x1] =	stream.indirect_vreg.gather [hbm4b:s2+s3], $0x80, v4, vm0, $0xb8;
	[tilespmem:$0xF100] =	vst v63  }
0x46: {  	s6 =	rddreg [dreg:$0xb]  }
0x47: {  	[tilespmem:s6], [sflag:$0x1] =	stream.indirect_vreg.gather [hbm4b:s2+s3], $0x80, v3, vm0, $0xb8;
	[tilespmem:$0xF100] =	vst v63  }
0x48: {  	v3 =	vld [tilespmem:$0x30];
	_ =	sdelay $0x4  }
0x49: {  	v52 =	vshll.u32 v3, $0x1  }
0x4a: {  	v3 =	vand.u32 $0x7, v3;
	v4 =	vand.u32 $0xFFFFFFF0, v52  }
0x4b: {  	v3 =	vor.u32 v3, v4  }
0x4c: {  	v4 =	vperm.xlane v3, v0;
	_ =	sdelay $0x1  }
0x4d: {  	v3 =	vperm.xlane v3, v2;
	v4 =	vadd.s32 v1, v4;
	_ =	sdelay $0x1  }
0x4e: {  	v3 =	vadd.s32 v1, v3;
	_ =	sdelay $0x1  }
0x4f: {  	s0 =	rddreg [dreg:$0xc]  }
0x50: {  	[tilespmem:s0], [sflag:$0x1] =	stream.indirect_vreg.gather [hbm4b:s2+s3], $0x80, v4, vm0, $0xb8;
	[tilespmem:$0xF100] =	vst v63  }
0x51: {  	s6 =	rddreg [dreg:$0xd]  }
0x52: {  	[tilespmem:s6], [sflag:$0x1] =	stream.indirect_vreg.gather [hbm4b:s2+s3], $0x80, v3, vm0, $0xb8;
	[tilespmem:$0xF100] =	vst v63  }
0x53: {  	v3 =	vld [tilespmem:$0x40];
	_ =	sdelay $0x4  }
0x54: {  	v53 =	vshll.u32 v3, $0x1  }
0x55: {  	v3 =	vand.u32 $0x7, v3;
	v4 =	vand.u32 $0xFFFFFFF0, v53  }
0x56: {  	v3 =	vor.u32 v3, v4  }
0x57: {  	v4 =	vperm.xlane v3, v0;
	_ =	sdelay $0x1  }
0x58: {  	v3 =	vperm.xlane v3, v2;
	v4 =	vadd.s32 v1, v4;
	_ =	sdelay $0x1  }
0x59: {  	v3 =	vadd.s32 v1, v3;
	_ =	sdelay $0x1  }
0x5a: {  	s0 =	rddreg [dreg:$0xe]  }
0x5b: {  	[tilespmem:s0], [sflag:$0x1] =	stream.indirect_vreg.gather [hbm4b:s2+s3], $0x80, v4, vm0, $0xb8;
	[tilespmem:$0xF100] =	vst v63  }
0x5c: {  	s6 =	rddreg [dreg:$0xf]  }
0x5d: {  	[tilespmem:s6], [sflag:$0x1] =	stream.indirect_vreg.gather [hbm4b:s2+s3], $0x80, v3, vm0, $0xb8;
	[tilespmem:$0xF100] =	vst v63  }
0x5e: {  	v3 =	vld [tilespmem:$0x80];
	_ =	sdelay $0x4  }
0x5f: {  	v54 =	vshll.u32 v3, $0x1  }
0x60: {  	v3 =	vand.u32 $0x7, v3;
	v4 =	vand.u32 $0xFFFFFFF0, v54  }
0x61: {  	v3 =	vor.u32 v3, v4  }
0x62: {  	v4 =	vperm.xlane v3, v0;
	_ =	sdelay $0x1  }
0x63: {  	v3 =	vperm.xlane v3, v2;
	v4 =	vadd.s32 v1, v4;
	_ =	sdelay $0x1  }
0x64: {  	v3 =	vadd.s32 v1, v3;
	_ =	sdelay $0x2  }
0x65: {  	[tilespmem:s12], [sflag:$0x2] =	stream.indirect_vreg.gather [hbm4b:s4+s3], $0x80, v4, vm0, $0xb8;
	[tilespmem:$0xF100] =	vst v63  }
0x66: {  	s6 =	rddreg [dreg:$0x10]  }
0x67: {  	[tilespmem:s6], [sflag:$0x2] =	stream.indirect_vreg.gather [hbm4b:s4+s3], $0x80, v3, vm0, $0xb8;
	[tilespmem:$0xF100] =	vst v63  }
0x68: {  	v3 =	vld [tilespmem:$0x90];
	_ =	sdelay $0x4  }
0x69: {  	v55 =	vshll.u32 v3, $0x1  }
0x6a: {  	v3 =	vand.u32 $0x7, v3;
	v4 =	vand.u32 $0xFFFFFFF0, v55  }
0x6b: {  	v3 =	vor.u32 v3, v4  }
0x6c: {  	v4 =	vperm.xlane v3, v0;
	_ =	sdelay $0x1  }
0x6d: {  	v3 =	vperm.xlane v3, v2;
	v4 =	vadd.s32 v1, v4;
	_ =	sdelay $0x1  }
0x6e: {  	v3 =	vadd.s32 v1, v3;
	_ =	sdelay $0x1  }
0x6f: {  	s0 =	rddreg [dreg:$0x11]  }
0x70: {  	[tilespmem:s0], [sflag:$0x2] =	stream.indirect_vreg.gather [hbm4b:s4+s3], $0x80, v4, vm0, $0xb8;
	[tilespmem:$0xF100] =	vst v63  }
0x71: {  	s6 =	rddreg [dreg:$0x12]  }
0x72: {  	[tilespmem:s6], [sflag:$0x2] =	stream.indirect_vreg.gather [hbm4b:s4+s3], $0x80, v3, vm0, $0xb8;
	[tilespmem:$0xF100] =	vst v63  }
0x73: {  	v3 =	vld [tilespmem:$0xA0];
	_ =	sdelay $0x4  }
0x74: {  	v56 =	vshll.u32 v3, $0x1  }
0x75: {  	v3 =	vand.u32 $0x7, v3;
	v4 =	vand.u32 $0xFFFFFFF0, v56  }
0x76: {  	v3 =	vor.u32 v3, v4  }
0x77: {  	v4 =	vperm.xlane v3, v0;
	_ =	sdelay $0x1  }
0x78: {  	v3 =	vperm.xlane v3, v2;
	v4 =	vadd.s32 v1, v4;
	_ =	sdelay $0x1  }
0x79: {  	v3 =	vadd.s32 v1, v3;
	_ =	sdelay $0x1  }
0x7a: {  	s0 =	rddreg [dreg:$0x13]  }
0x7b: {  	[tilespmem:s0], [sflag:$0x2] =	stream.indirect_vreg.gather [hbm4b:s4+s3], $0x80, v4, vm0, $0xb8;
	[tilespmem:$0xF100] =	vst v63  }
0x7c: {  	s6 =	rddreg [dreg:$0x14]  }
0x7d: {  	[tilespmem:s6], [sflag:$0x2] =	stream.indirect_vreg.gather [hbm4b:s4+s3], $0x80, v3, vm0, $0xb8;
	[tilespmem:$0xF100] =	vst v63  }
0x7e: {  	v3 =	vld [tilespmem:$0xB0];
	_ =	sdelay $0x4  }
0x7f: {  	v57 =	vshll.u32 v3, $0x1  }
0x80: {  	v3 =	vand.u32 $0x7, v3;
	v4 =	vand.u32 $0xFFFFFFF0, v57  }
0x81: {  	v3 =	vor.u32 v3, v4  }
0x82: {  	v4 =	vperm.xlane v3, v0;
	_ =	sdelay $0x1  }
0x83: {  	v3 =	vperm.xlane v3, v2;
	v4 =	vadd.s32 v1, v4;
	_ =	sdelay $0x1  }
0x84: {  	v3 =	vadd.s32 v1, v3;
	_ =	sdelay $0x2  }
0x85: {  	[tilespmem:s13], [sflag:$0x2] =	stream.indirect_vreg.gather [hbm4b:s4+s3], $0x80, v4, vm0, $0xb8;
	[tilespmem:$0xF100] =	vst v63  }
0x86: {  	_ = 	snop  }
0x87: {  	[tilespmem:s14], [sflag:$0x2] =	stream.indirect_vreg.gather [hbm4b:s4+s3], $0x80, v3, vm0, $0xb8;
	[tilespmem:$0xF100] =	vst v63  }
0x88: {  	v3 =	vld [tilespmem:$0xC0];
	_ =	sdelay $0x4  }
0x89: {  	v58 =	vshll.u32 v3, $0x1  }
0x8a: {  	v3 =	vand.u32 $0x7, v3;
	v4 =	vand.u32 $0xFFFFFFF0, v58  }
0x8b: {  	v3 =	vor.u32 v3, v4  }
0x8c: {  	v4 =	vperm.xlane v3, v0;
	_ =	sdelay $0x1  }
0x8d: {  	v3 =	vperm.xlane v3, v2;
	v4 =	vadd.s32 v1, v4;
	_ =	sdelay $0x1  }
0x8e: {  	v3 =	vadd.s32 v1, v3;
	_ =	sdelay $0x2  }
0x8f: {  	[tilespmem:s15], [sflag:$0x2] =	stream.indirect_vreg.gather [hbm4b:s4+s3], $0x80, v4, vm0, $0xb8;
	[tilespmem:$0xF100] =	vst v63  }
0x90: {  	_ = 	snop  }
0x91: {  	[tilespmem:s16], [sflag:$0x2] =	stream.indirect_vreg.gather [hbm4b:s4+s3], $0x80, v3, vm0, $0xb8;
	[tilespmem:$0xF100] =	vst v63  }
0x92: {  	v3 =	vld [tilespmem:$0x80];
	_ =	sdelay $0x4  }
0x93: {  	v59 =	vshll.u32 v3, $0x1  }
0x94: {  	v3 =	vand.u32 $0x7, v3;
	v4 =	vand.u32 $0xFFFFFFF0, v59  }
0x95: {  	v3 =	vor.u32 v3, v4  }
0x96: {  	v4 =	vperm.xlane v3, v0;
	_ =	sdelay $0x1  }
0x97: {  	v3 =	vperm.xlane v3, v2;
	v4 =	vadd.s32 v1, v4;
	_ =	sdelay $0x1  }
0x98: {  	v3 =	vadd.s32 v1, v3;
	_ =	sdelay $0x2  }
0x99: {  	[tilespmem:s17], [sflag:$0x3] =	stream.indirect_vreg.gather [hbm4b:s5+s3], $0x80, v4, vm0, $0xb8;
	[tilespmem:$0xF100] =	vst v63  }
0x9a: {  	_ = 	snop  }
0x9b: {  	[tilespmem:s18], [sflag:$0x3] =	stream.indirect_vreg.gather [hbm4b:s5+s3], $0x80, v3, vm0, $0xb8;
	[tilespmem:$0xF100] =	vst v63  }
0x9c: {  	v3 =	vld [tilespmem:$0x90];
	_ =	sdelay $0x4  }
0x9d: {  	v60 =	vshll.u32 v3, $0x1  }
0x9e: {  	v3 =	vand.u32 $0x7, v3;
	v4 =	vand.u32 $0xFFFFFFF0, v60  }
0x9f: {  	v3 =	vor.u32 v3, v4  }
0xa0: {  	v4 =	vperm.xlane v3, v0;
	_ =	sdelay $0x1  }
0xa1: {  	v3 =	vperm.xlane v3, v2;
	v4 =	vadd.s32 v1, v4;
	_ =	sdelay $0x1  }
0xa2: {  	v3 =	vadd.s32 v1, v3;
	_ =	sdelay $0x2  }
0xa3: {  	[tilespmem:s19], [sflag:$0x3] =	stream.indirect_vreg.gather [hbm4b:s5+s3], $0x80, v4, vm0, $0xb8;
	[tilespmem:$0xF100] =	vst v63  }
0xa4: {  	_ = 	snop  }
0xa5: {  	[tilespmem:s20], [sflag:$0x3] =	stream.indirect_vreg.gather [hbm4b:s5+s3], $0x80, v3, vm0, $0xb8;
	[tilespmem:$0xF100] =	vst v63  }
0xa6: {  	v3 =	vld [tilespmem:$0xA0];
	_ =	sdelay $0x4  }
0xa7: {  	v61 =	vshll.u32 v3, $0x1  }
0xa8: {  	v3 =	vand.u32 $0x7, v3;
	v4 =	vand.u32 $0xFFFFFFF0, v61  }
0xa9: {  	v3 =	vor.u32 v3, v4  }
0xaa: {  	v4 =	vperm.xlane v3, v0;
	_ =	sdelay $0x1  }
0xab: {  	v3 =	vperm.xlane v3, v2;
	v4 =	vadd.s32 v1, v4;
	_ =	sdelay $0x1  }
0xac: {  	v3 =	vadd.s32 v1, v3;
	_ =	sdelay $0x2  }
0xad: {  	[tilespmem:s21], [sflag:$0x3] =	stream.indirect_vreg.gather [hbm4b:s5+s3], $0x80, v4, vm0, $0xb8;
	[tilespmem:$0xF100] =	vst v63  }
0xae: {  	_ = 	snop  }
0xaf: {  	[tilespmem:s22], [sflag:$0x3] =	stream.indirect_vreg.gather [hbm4b:s5+s3], $0x80, v3, vm0, $0xb8;
	[tilespmem:$0xF100] =	vst v63  }
0xb0: {  	v3 =	vld [tilespmem:$0xB0];
	_ =	sdelay $0x4  }
0xb1: {  	v62 =	vshll.u32 v3, $0x1  }
0xb2: {  	v3 =	vand.u32 $0x7, v3;
	v4 =	vand.u32 $0xFFFFFFF0, v62  }
0xb3: {  	v3 =	vor.u32 v3, v4  }
0xb4: {  	v4 =	vperm.xlane v3, v0;
	_ =	sdelay $0x1  }
0xb5: {  	v3 =	vperm.xlane v3, v2;
	v4 =	vadd.s32 v1, v4;
	_ =	sdelay $0x1  }
0xb6: {  	v3 =	vadd.s32 v1, v3;
	_ =	sdelay $0x2  }
0xb7: {  	[tilespmem:s23], [sflag:$0x3] =	stream.indirect_vreg.gather [hbm4b:s5+s3], $0x80, v4, vm0, $0xb8;
	[tilespmem:$0xF100] =	vst v63  }
0xb8: {  	_ = 	snop  }
0xb9: {  	[tilespmem:s24], [sflag:$0x3] =	stream.indirect_vreg.gather [hbm4b:s5+s3], $0x80, v3, vm0, $0xb8;
	[tilespmem:$0xF100] =	vst v63  }
0xba: {  	v3 =	vld [tilespmem:$0xC0];
	_ =	sdelay $0x4  }
0xbb: {  	v63 =	vshll.u32 v3, $0x1  }
0xbc: {  	v3 =	vand.u32 $0x7, v3;
	v4 =	vand.u32 $0xFFFFFFF0, v63  }
0xbd: {  	v3 =	vor.u32 v3, v4  }
0xbe: {  	v4 =	vperm.xlane v3, v0;
	_ =	sdelay $0x1  }
0xbf: {  	v3 =	vperm.xlane v3, v2;
	v4 =	vadd.s32 v1, v4;
	_ =	sdelay $0x1  }
0xc0: {  	v3 =	vadd.s32 v1, v3;
	_ =	sdelay $0x2  }
0xc1: {  	[tilespmem:s25], [sflag:$0x3] =	stream.indirect_vreg.gather [hbm4b:s5+s3], $0x80, v4, vm0, $0xb8;
	[tilespmem:$0xF100] =	vst v63  }
0xc2: {  	_ = 	snop  }
0xc3: {  	[tilespmem:s26], [sflag:$0x3] =	stream.indirect_vreg.gather [hbm4b:s5+s3], $0x80, v3, vm0, $0xb8;
	[tilespmem:$0xF100] =	vst v63  }
0xc4: {  	_ =	swait.ge [sflag:s9], $0x5000  }
0xc5: {  	[sflag:s9] =	ssyncset.done $0x0  }
0xc6: {  	[sflag:s9] =	ssyncadd.s32 $0xFFFFB000  }
0xc7: {  	_ =	swait.ge [sflag:s10], $0x5000  }
0xc8: {  	[sflag:s10] =	ssyncset.done $0x0  }
0xc9: {  	[sflag:s10] =	ssyncadd.s32 $0xFFFFB000  }
0xca: {  	_ =	swait.ge [sflag:s28], $0x5000  }
0xcb: {  	s6 =	rddreg [dreg:$0x3];
	[sflag:s28] =	ssyncset.done $0x0  }
0xcc: {  	[sflag:s28] =	ssyncadd.s32 $0xFFFFB000;
	s0 =	sadd.s32 s1, s6;
	s6 =	rddreg [dreg:$0x4]  }
0xcd: {  	[hbm4b:s0+s3] =	stream.linear.scatter [tilespmem:s11], [sflag:$0x1], $0x5000, $0x38;
	[tilespmem:$0xF100] =	vst v63  }
0xce: {  	s0 =	rddreg [dreg:$0x5];
	s6 =	sadd.s32 s1, s6  }
0xcf: {  	[hbm4b:s6+s3] =	stream.linear.scatter [tilespmem:s12], [sflag:$0x2], $0x5000, $0x38;
	[tilespmem:$0xF100] =	vst v63  }
0xd0: {  	s0 =	sadd.s32 s1, s0  }
0xd1: {  	[hbm4b:s0+s3] =	stream.linear.scatter [tilespmem:s17], [sflag:$0x3], $0x5000, $0x38;
	[tilespmem:$0xF100] =	vst v63  }
0xd2: {  	_ =	swait.ge [sflag:s9], $0x5000  }
0xd3: {  	[sflag:s9] =	ssyncset.done $0x0  }
0xd4: {  	[sflag:s9] =	ssyncadd.s32 $0xFFFFB000  }
0xd5: {  	p0 =	sne.s32 s1, $0x4D800;
	_ =	swait.ge [sflag:s10], $0x5000  }
.Ltmp0:
0xd6: {  	[sflag:s10] =	ssyncset.done $0x0;
	(pc) =	sbr.rel @p0 .LBB2_2-.Ltmp0, $4  }
0xd7: {  	[sflag:s10] =	ssyncadd.s32 $0xFFFFB000  }
0xd8: {  	_ =	swait.ge [sflag:s28], $0x5000  }
0xd9: {  	s30 =	sadd.s32 $0xA, s30;
	[sflag:s28] =	ssyncset.done $0x0  }
0xda: {  	s31 =	sadd.s32 $0xA, s31;
	s1 =	sadd.s32 $0xA00, s1;
	[sflag:s28] =	ssyncadd.s32 $0xFFFFB000  }
0xdb: {  	s29 =	sadd.s32 $0x1, s29;
	s0 =	rddreg [dreg:$0x15]  }
0xdc: {  	p0 =	sne.s32 s29, s0  }
.Ltmp1:
0xdd: {  	_ = 	snop;
	(pc) =	sbr.rel @p0 .LBB2_1-.Ltmp1, $1  }
0xde: {  	_ =	sdelay $0x3  }
0xdf: {  	_ =	sfence.sel $0x180000  }
0xe0: {  	[bflag:$0x0] =	sbarrier.arrive $0xFFFF  }
0xe1: {  	_ =	strace $0x9000004D  }
0xe2: {  	s0 =	stileid.u32;
	[bflag:$0x2] =	sbarrier.arrive $0xFFFF  }
0xe3: {  	p0 =	sne.s32 s0, $0x0;
	s0 =	rddreg [dreg:$0x2]  }
0xe4: {  	s0 =	sadd.s32 @!p0 $0x100000, s0  }
0xe5: {  	[sflag:s0] =	ssyncadd.tile.s32 @!p0 $0x1;
	_ =	shalt  }
.Lfunc_end2:
_tile_overlayer_lowered:
.L_overlay_start_2:
0xe6: {  	(tag) =	ssettag $0x2  }
0xe7: {  	s0 =	rddreg [dreg:$0x0];
	s2 =	stileid.u32  }
0xe8: {  	s1 =	rddreg [dreg:$0x1];
	p0 =	sne.s32 s2, $0x0  }
0xe9: {  	s3 =	rddreg [dreg:$0x2];
	[bflag:$0x3] =	sbarrier.arrive $0xFFFF;
	s2 =	simm.s32 @!p0 $0x1C04  }
0xea: {  	[timem:s3], [sflag:s2] =	dma.local @!p0 [hbm:s0], s1  }
0xeb: {  	s0 =	simm.s32 @!p0 $0x4  }
0xec: {  	_ =	swait.ge @!p0 [sflag:s0], s1  }
0xed: {  	s1 =	ssub.s32 @!p0 $0x0, s1;
	[sflag:s0] =	ssyncset.done @!p0 $0x0  }
0xee: {  	[sflag:s0] =	ssyncadd.s32 @!p0 s1  }
0xef: {  	[bflag:$0x3] =	sbarrier.arrive $0xFFFF  }
0xf0: {  	_ =	shalt  }

// kernel: kernel.20.cloned.1.call-start
scs
__scs_entry_jumppad:
0x0: {  	(pc) =	sbr.rel $0x88, $3  }
0x1: {  	(tag) =	ssettag $0x0;
	lr =	simm.s32 $0x1  }
0x2: {  	[smem:$0x3F8B] =	sst lr;
	_ =	strace $0xD0000000  }
0x3: {  	_ = 	snop  }
0x4: {  	_ = 	snop  }
0x5: {  	_ = 	snop  }
0x6: {  	_ = 	snop  }
0x7: {  	_ = 	snop  }
__scs_overlays_trampoline_lowered:
0x8: {  	[smem:$0x3F9A] =	sst s0  }
0x9: {  	[smem:$0x3F9B] =	sst s1  }
0xa: {  	[smem:$0x3F9C] =	sst s2  }
0xb: {  	[smem:$0x3F9D] =	sst s3  }
0xc: {  	[smem:$0x3F9E] =	sst s4  }
0xd: {  	[smem:$0x3F9F] =	sst s5  }
0xe: {  	[smem:$0x3FA0] =	sst s6  }
0xf: {  	[smem:$0x3FA1] =	sst s7  }
0x10: {  	[smem:$0x3FA2] =	sst s8  }
0x11: {  	[smem:$0x3FA3] =	sst s9;
	s0 =	simm.s32 @!p0 $0x0  }
0x12: {  	s1 =	sld [smem:$0x3F89];
	s0 =	simm.s32 @p0 $0x1  }
0x13: {  	[smem:$0x3FA4] =	sst s0;
	s0 =	simm.s32 @!p1 $0x0  }
0x14: {  	s2 =	sld [smem:$0x3F88];
	s0 =	simm.s32 @p1 $0x1  }
0x15: {  	[smem:$0x3FA5] =	sst s0;
	s0 =	simm.s32 @!p2 $0x0  }
0x16: {  	s3 =	sld [smem:$0x3FDB];
	s0 =	simm.s32 @p2 $0x1  }
0x17: {  	s4 =	simm.s32 $0x1BF5;
	[smem:$0x3FA7] =	sst s0  }
0x18: {  	s0 =	sld [smem:$0x3F8A];
	_ =	swait.ge [sflag:s4], $0x0  }
0x19: {  	s7 =	sld [smem:$0x3F8B]  }
0x1a: {  	s8 =	sadd.s32 $0xFFFFE003, lr  }
0x1b: {  	s9 =	sadd.s32 $0xFFFFFEF7, lr;
	s5 =	simm.s32 $0xFFFFFFFF;
	p2 =	slt.u32 s8, $0xFFFFF086  }
0x1c: {  	p1 =	slt.u32 s9, $0xF7A;
	s5 =	simm.s32 @!p2 $0x0  }
0x1d: {  	s5 =	simm.s32 @p1 $0x1;
	p0 =	seq.s32 s7, s2  }
0x1e: {  	s7 =	smul.u32 @!p0 $0xF7A, s2;
	p2 =	seq.s32 @!p0 s5, $0x0  }
0x1f: {  	s9 =	smul.u32 $0xF7A, s1;
	s8 =	simm.s32 @!p0 $0x1BF5;
	p2 =	por !p2, p0  }
0x20: {  	[sflag:s8] =	ssyncset.s32 @!p0 $0xFFFFF086;
	s6 =	sadd.s32 @!p0 s3, s7;
	s7 =	simm.s32 @!p0 $0x108  }
0x21: {  	s3 =	sadd.s32 s3, s9;
	s6 =	sadd.s32 @!p0 $0x88, s6;
	s7 =	simm.s32 @p2 $0x1082  }
0x22: {  	[simem:s7], [sflag:s8] =	dma.local @!p0 [hbm:s6], $0xF7A  }
0x23: {  	s9 =	sor.u32 $0xD0000000, s2;
	s6 =	simm.s32 $0x108;
	_ =	swait.ge @!p0 [sflag:s8], $0x0  }
0x24: {  	s3 =	sadd.s32 $0x88, s3;
	s6 =	simm.s32 @!p1 $0x1082;
	[sflag:s4] =	ssyncset.s32 $0xFFFFF086  }
0x25: {  	[simem:s6], [sflag:s4] =	dma.local [hbm:s3], $0xF7A  }
0x26: {  	[smem:$0x3F8B] =	sst s1;
	(tag) =	ssettag s2;
	_ =	strace s9  }
0x27: {  	s1 =	sld [smem:$0x3F9B]  }
0x28: {  	s2 =	sld [smem:$0x3F9C]  }
0x29: {  	s4 =	sld [smem:$0x3F9E]  }
0x2a: {  	p0 =	seq.s32 s5, $0x0;
	s5 =	sld [smem:$0x3F9F]  }
0x2b: {  	s6 =	sld [smem:$0x3FA0]  }
0x2c: {  	s7 =	sld [smem:$0x3FA1]  }
0x2d: {  	s3 =	simm.s32 $0x108;
	s8 =	sld [smem:$0x3FA2]  }
0x2e: {  	s3 =	simm.s32 @!p0 $0x1082;
	s9 =	sld [smem:$0x3FA3]  }
0x2f: {  	lr =	sadd.s32 s0, s3;
	s0 =	sld [smem:$0x3F9A]  }
0x30: {  	s3 =	sld [smem:$0x3F9D]  }
0x31: {  	[smem:$0x3FA6] =	sst s10  }
0x32: {  	s10 =	sld [smem:$0x3FA4];
	_ =	sdelay $0x3  }
0x33: {  	p0 =	seq.s32 s10, $0x1;
	s10 =	sld [smem:$0x3FA6];
	_ =	sdelay $0x3  }
0x34: {  	[smem:$0x3FA6] =	sst s10  }
0x35: {  	s10 =	sld [smem:$0x3FA5];
	_ =	sdelay $0x3  }
0x36: {  	p1 =	seq.s32 s10, $0x1;
	s10 =	sld [smem:$0x3FA6];
	_ =	sdelay $0x3  }
0x37: {  	[smem:$0x3FA6] =	sst s10  }
0x38: {  	s10 =	sld [smem:$0x3FA7]  }
0x39: {  	_ = 	snop;
	(pc) =	sbr.ind lr, $3  }
0x3a: {  	_ = 	snop  }
0x3b: {  	_ = 	snop  }
0x3c: {  	p2 =	seq.s32 s10, $0x1;
	s10 =	sld [smem:$0x3FA6]  }
0x3d: {  	_ =	shalt  }
0x3e: {  	_ =	shalt  }
0x3f: {  	_ =	shalt  }
0x40: {  	_ =	shalt  }
0x41: {  	_ =	shalt  }
0x42: {  	_ =	shalt  }
0x43: {  	_ =	shalt  }
0x44: {  	_ =	shalt  }
0x45: {  	_ =	shalt  }
0x46: {  	_ =	shalt  }
0x47: {  	_ =	shalt  }
0x48: {  	_ =	shalt  }
0x49: {  	_ =	shalt  }
0x4a: {  	_ =	shalt  }
0x4b: {  	_ =	shalt  }
0x4c: {  	_ =	shalt  }
0x4d: {  	_ =	shalt  }
0x4e: {  	_ =	shalt  }
0x4f: {  	_ =	shalt  }
0x50: {  	_ =	shalt  }
0x51: {  	_ =	shalt  }
0x52: {  	_ =	shalt  }
0x53: {  	_ =	shalt  }
0x54: {  	_ =	shalt  }
0x55: {  	_ =	shalt  }
0x56: {  	_ =	shalt  }
0x57: {  	_ =	shalt  }
0x58: {  	_ =	shalt  }
0x59: {  	_ =	shalt  }
0x5a: {  	_ =	shalt  }
0x5b: {  	_ =	shalt  }
0x5c: {  	_ =	shalt  }
0x5d: {  	_ =	shalt  }
0x5e: {  	_ =	shalt  }
0x5f: {  	_ =	shalt  }
0x60: {  	_ =	shalt  }
0x61: {  	_ =	shalt  }
0x62: {  	_ =	shalt  }
0x63: {  	_ =	shalt  }
0x64: {  	_ =	shalt  }
0x65: {  	_ =	shalt  }
0x66: {  	_ =	shalt  }
0x67: {  	_ =	shalt  }
0x68: {  	_ =	shalt  }
0x69: {  	_ =	shalt  }
0x6a: {  	_ =	shalt  }
0x6b: {  	_ =	shalt  }
0x6c: {  	_ =	shalt  }
0x6d: {  	_ =	shalt  }
0x6e: {  	_ =	shalt  }
0x6f: {  	_ =	shalt  }
0x70: {  	_ =	shalt  }
0x71: {  	_ =	shalt  }
0x72: {  	_ =	shalt  }
0x73: {  	_ =	shalt  }
0x74: {  	_ =	shalt  }
0x75: {  	_ =	shalt  }
0x76: {  	_ =	shalt  }
0x77: {  	_ =	shalt  }
0x78: {  	_ =	shalt  }
0x79: {  	_ =	shalt  }
0x7a: {  	_ =	shalt  }
0x7b: {  	_ =	shalt  }
0x7c: {  	_ =	shalt  }
0x7d: {  	_ =	shalt  }
0x7e: {  	_ =	shalt  }
0x7f: {  	_ =	shalt  }
0x80: {  	_ =	shalt  }
0x81: {  	_ =	shalt  }
0x82: {  	_ =	shalt  }
0x83: {  	_ =	shalt  }
0x84: {  	_ =	shalt  }
0x85: {  	_ =	shalt  }
0x86: {  	_ =	shalt  }
0x87: {  	_ =	shalt  }
.Lfunc_end0:
.L_simem_size_0:
called_computation.3_lowered:
.L_overlay_start_0:
0x88: {  	s2 =	sld [smem:$0x3FD9]  }
0x89: {  	s3 =	sld [smem:$0x3FFE];
	_ =	sdelay $0x1  }
0x8a: {  	s1 =	srdreg.scid  }
0x8b: {  	s0 =	sand.u32 $0x1, s1  }
0x8c: {  	s17 =	sshll.u32 s0, $0xA;
	s2 =	sadd.s32 s3, s2  }
0x8d: {  	s2 =	sadd.s32 s2, s17  }
0x8e: {  	[smem:$0x3FB2] =	sst s2  }
0x8f: {  	_ = 	snop  }
0x90: {  	s2 =	sld [smem:$0x3FD0];
	(tm) =	ssettm $0x1  }
0x91: {  	s18 =	sld [smem:$0x3FFB];
	_ =	sdelay $0x3  }
0x92: {  	_ =	strace s18  }
0x93: {  	s3 =	sld [smem:$0x3FFC];
	_ =	sdelay $0x3  }
0x94: {  	_ =	strace s3  }
0x95: {  	s3 =	sld [smem:$0x3FFD];
	_ =	sdelay $0x3  }
0x96: {  	_ =	strace s3  }
0x97: {  	_ =	strace $0x8FFFFFFF  }
0x98: {  	s19 =	sld [smem:$0x3FDB];
	_ =	sdelay $0x1  }
0x99: {  	s4 =	simm.s32 $_scs_section_size  }
0x9a: {  	s5 =	simm.s32 $_size__tile_overlayer_lowered;
	s6 =	simm.s32 $_tile_overlayer_lowered  }
0x9b: {  	s22 =	simm.s32 $0x1BFF;
	s21 =	sshll.u32 s6, $0x1;
	s3 =	sadd.s32 s4, s19  }
0x9c: {  	s7 =	simm.s32 $0x0;
	s20 =	sshll.u32 s5, $0x1;
	s5 =	sadd.s32 s21, s3  }
0x9d: {  	[timem:s7], [sflag:s22] =	dma.local [hbm:s5], s20  }
0x9e: {  	_ =	swait.ge [sflag:s22], s20  }
0x9f: {  	s4 =	ssub.s32 $0x0, s20;
	[sflag:s22] =	ssyncset.done $0x0  }
0xa0: {  	[sflag:s22] =	ssyncadd.s32 s4;
	_ =	sdelay $0x1  }
0xa1: {  	s23 =	simm.s32 $0x1B8B  }
0xa2: {  	_ =	swait.ge [sflag:s23], $0x1  }
0xa3: {  	[sflag:s23] =	ssyncset.done $0x0  }
0xa4: {  	s25 =	simm.s32 $0x1B8E;
	s24 =	sld [smem:$0x3FFE];
	[sflag:s23] =	ssyncadd.s32 $0xFFFFFFFF  }
0xa5: {  	s26 =	simm.s32 $execute0_lowered;
	[smem:$0x3FD2] =	sst s25  }
0xa6: {  	s5 =	sshll.u32 s26, $0x1;
	_ =	strace $0x8000004F;
	[dreg:$0x1] =	wrdreg $0xFFFFFFFF  }
0xa7: {  	s28 =	simm.s32 $_size_execute0_lowered;
	s3 =	sadd.s32 s3, s5;
	[dreg:$0x0] =	wrdreg $0x0  }
0xa8: {  	s5 =	sshll.u32 s28, $0x1;
	[dreg:$0x2] =	wrdreg s3  }
0xa9: {  	[dreg:$0x3] =	wrdreg s5  }
0xaa: {  	[dreg:$0x4] =	wrdreg $0xC0  }
0xab: {  	_ =	task [dreg:s7], $0x5FFFF  }
0xac: {  	[dreg:$0x1] =	wrdreg $0xFFFFFFFF  }
0xad: {  	[dreg:$0x0] =	wrdreg $0x60  }
0xae: {  	[dreg:$0x2] =	wrdreg s24  }
0xaf: {  	[dreg:$0x3] =	wrdreg s2  }
0xb0: {  	[dreg:$0x4] =	wrdreg $0x50800  }
0xb1: {  	[dreg:$0x5] =	wrdreg $0x9  }
0xb2: {  	_ =	task.clear_ibuf [dreg:s7], $0x6FFFF;
	_ =	strace $0x9000004F  }
0xb3: {  	s29 =	simm.s32 $0x9;
	_ =	strace $0x80000051  }
0xb4: {  	_ =	swait.ge [sflag:s29], $0x1  }
0xb5: {  	[sflag:s29] =	ssyncadd.s32 $0xFFFFFFFF  }
0xb6: {  	_ =	strace $0x90000051  }
0xb7: {  	_ =	sfence  }
0xb8: {  	s30 =	sld [smem:$0x0];
	_ =	sdelay $0x2  }
0xb9: {  	s31 =	sshll.u32 s1, $0xD;
	s1 =	sshrl.u32 s1, $0x2  }
0xba: {  	s3 =	sand.u32 $0x4000, s31;
	s1 =	sadd.s32 s1, s30  }
0xbb: {  	s0 =	sor.u32 s3, s0;
	s1 =	sshll.u32 s1, $0x11  }
0xbc: {  	s0 =	sor.u32 s1, s0  }
0xbd: {  	s0 =	sadd.s32 $0x8F2B, s0  }
0xbe: {  	[sflag:s0] =	ssyncadd.remote.s32 $0x1  }
0xbf: {  	_ =	sfence.sel $0xFFFF  }
0xc0: {  	[dreg:$0x0] =	wrdreg $0xFFFFFFFF;
	(pc) =	sbr.abs _section_cstart, $3  }
0xc1: {  	[dreg:$0x1] =	wrdreg $0xFFFFFFFF  }
0xc2: {  	_ =	task.clear_ibuf [dreg:s7], $0x2FFFF;
	_ =	strace $0x9FFFFFFF  }
0xc3: {  	(tm) =	ssettm $0x7FFFFFFF  }
tec
execute0_lowered:
.L_overlay_start_1:
0x0: {  	(tag) =	ssettag $0x1  }
0x1: {  	s7 =	rddreg [dreg:$0x0]  }
0x2: {  	s2 =	rddreg [dreg:$0x1]  }
0x3: {  	s3 =	rddreg [dreg:$0x2]  }
0x4: {  	s0 =	rddreg [dreg:$0x3]  }
0x5: {  	s4 =	simm.s32 $0x0;
	s1 =	stileid.u32;
	s8 =	srdreg.scid  }
0x6: {  	s13 =	simm.s32 $0x2880;
	s14 =	simm.s32 $0x3;
	s16 =	simm.s32 $0x1  }
0x7: {  	s17 =	simm.s32 $0x2;
	s18 =	simm.s32 $0x50;
	s19 =	simm.s32 $0x0  }
0x8: {  	[smem:$0x7FF] =	sst s4;
	s5 =	smul.u32 $0x4E200, s1;
	s15 =	sand.u32 $0x1, s8  }
0x9: {  	s6 =	smul.u32 $0x9C4, s1;
	_ =	strace $0x80000050;
	s8 =	ssub.s32 $0x2, s15  }
.Ltmp0:
0xa: {  	p0 =	sne.s32 s15, $0x0;
	s15 =	simm.s32 $0x80;
	(pc) =	sbr.rel .LBB2_1-.Ltmp0, $4  }
0xb: {  	s12 =	sadd.s32 s5, s7;
	s10 =	sadd.s32 s6, s7;
	s5 =	sadd.s32 $0x19400, s7  }
0xc: {  	s6 =	sadd.s32 $0x19A00, s7;
	s9 =	sshrl.u32 s8, $0x1;
	s7 =	sadd.s32 $0x40C00, s7  }
0xd: {  	s9 =	ssub.s32 s8, s9;
	s8 =	sadd.s32 $0x23CDE00, s12;
	s10 =	sadd.s32 $0xF600, s10  }
0xe: {  	s11 =	sadd.s32 $0x1EEBE00, s12;
	s12 =	sadd.s32 $0x28AFE00, s12;
	s9 =	smax.u32 s9, $0x1  }
.LBB2_19:
0xf: {  	s21 =	simm.s32 @!p2 $0x80  }
0x10: {  	s24 =	simm.s32 @!p2 $0x4;
	[sflag:s23] =	ssyncadd.s32 @!p1 $0xFFFFD800;
	p1 =	por p2, p2  }
0x11: {  	[tilespmem:s21], [sflag:$0x4] =	stream.linear.gather @!p1 [spmem:s22], $0x2800, $0x38;
	[tilespmem:$0x18900] =	vst v63  }
0x12: {  	_ =	swait.ge @!p1 [sflag:s24], $0x2800  }
0x13: {  	[sflag:s24] =	ssyncset.done @!p1 $0x0  }
0x14: {  	s22 =	simm.s32 @!p1 $0x0;
	s23 =	simm.s32 @!p1 $0x3;
	[sflag:s24] =	ssyncadd.s32 @!p1 $0xFFFFD800  }
0x15: {  	[hbm4b:s20+s22] =	stream.linear.scatter @!p1 [tilespmem:s21], [sflag:$0x3], $0x2800, $0x38;
	[tilespmem:$0x18900] =	vst v63  }
0x16: {  	_ =	swait.ge @!p1 [sflag:s23], $0x2800  }
0x17: {  	[sflag:s23] =	ssyncset.done @!p1 $0x0  }
0x18: {  	[sflag:s23] =	ssyncadd.s32 @!p1 $0xFFFFD800  }
0x19: {  	[bflag:$0x0] =	sbarrier.arrive $0xFFFF  }
.LBB2_20:
0x1a: {  	s19 =	sadd.s32 $0x1, s19  }
0x1b: {  	p1 =	sne.s32 s19, s9  }
.Ltmp1:
0x1c: {  	_ = 	snop;
	(pc) =	sbr.rel @!p1 .LBB2_21-.Ltmp1, $1  }
0x1d: {  	_ =	sdelay $0x3  }
.LBB2_1:
0x1e: {  	[tilespmem:s13], [sflag:$0x3] =	stream.linear.gather [hbm4b:s5+s4], $0x2800, $0x38;
	[tilespmem:$0x18900] =	vst v63  }
0x1f: {  	s20 =	sand.u32 $0xF, s4;
	_ =	swait.ge [sflag:s14], $0x2800  }
0x20: {  	p1 =	sne.s32 s20, s1;
	[sflag:s14] =	ssyncset.done $0x0  }
0x21: {  	s20 =	simm.s32 @!p1 $0x2880;
	s23 =	simm.s32 @!p1 $0x3;
	[sflag:s14] =	ssyncadd.s32 $0xFFFFD800  }
0x22: {  	[spmem:s3] =	stream.linear.scatter @!p1 [tilespmem:s20], [sflag:$0x3], $0x2800, $0x38;
	[tilespmem:$0x18900] =	vst v63  }
0x23: {  	s21 =	simm.s32 $0x1;
	_ =	swait.ge @!p1 [sflag:s23], $0x2800  }
0x24: {  	s22 =	simm.s32 $0x2;
	s20 =	sadd.s32 $0x2800, s3;
	[sflag:s23] =	ssyncset.done @!p1 $0x0  }
.LBB2_2:
0x25: {  	s24 =	sand.u32 $0xF, s21;
	s21 =	smov.u32 s22;
	s22 =	sadd.s32 $0x1, s22  }
0x26: {  	[sflag:s23] =	ssyncadd.s32 @!p1 $0xFFFFD800;
	p2 =	sne.s32 s22, $0x7D  }
.Ltmp2:
0x27: {  	p1 =	sne.s32 s24, s1;
	(pc) =	sbr.rel @p2 .LBB2_2-.Ltmp2, $4  }
0x28: {  	s24 =	simm.s32 @!p1 $0x2880;
	s23 =	simm.s32 @!p1 $0x3  }
0x29: {  	[spmem:s20] =	stream.linear.scatter @!p1 [tilespmem:s24], [sflag:$0x3], $0x2800, $0x38;
	[tilespmem:$0x18900] =	vst v63  }
0x2a: {  	_ =	swait.ge @!p1 [sflag:s23], $0x2800  }
0x2b: {  	s20 =	sadd.s32 $0x2800, s20;
	[sflag:s23] =	ssyncset.done @!p1 $0x0  }
0x2c: {  	s21 =	sand.u32 $0xF, s21  }
0x2d: {  	p2 =	sne.s32 s21, s1  }
0x2e: {  	[sflag:s23] =	ssyncadd.s32 @!p1 $0xFFFFD800;
	s21 =	simm.s32 @!p2 $0x2880;
	s22 =	simm.s32 @!p2 $0x3  }
0x2f: {  	[spmem:s20] =	stream.linear.scatter @!p2 [tilespmem:s21], [sflag:$0x3], $0x2800, $0x38;
	[tilespmem:$0x18900] =	vst v63  }
.Ltmp3:
0x30: {  	_ =	swait.ge @!p2 [sflag:s22], $0x2800;
	(pc) =	sbr.rel @p0 .LBB2_15-.Ltmp3, $4  }
0x31: {  	[sflag:s22] =	ssyncset.done @!p2 $0x0  }
0x32: {  	[sflag:s22] =	ssyncadd.s32 @!p2 $0xFFFFD800  }
0x33: {  	[bflag:$0x0] =	sbarrier.arrive $0xFFFF  }
0x34: {  	s20 =	sadd.s32 $0x0, s10  }
0x35: {  	[tilespmem:s4], [sflag:$0x1] =	stream.linear.gather [hbm4b:s20+s4], $0x50, $0x38;
	[tilespmem:$0x18900] =	vst v63  }
0x36: {  	_ = 	snop  }
0x37: {  	[tilespmem:s15], [sflag:$0x2] =	stream.linear.gather [hbm4b:s11+s4], $0x2800, $0x38;
	[tilespmem:$0x18900] =	vst v63  }
0x38: {  	_ =	swait.ge [sflag:s16], $0x50  }
0x39: {  	[sflag:s16] =	ssyncset.done $0x0  }
0x3a: {  	[sflag:s16] =	ssyncadd.s32 $0xFFFFFFB0  }
0x3b: {  	_ =	swait.ge [sflag:s17], $0x2800  }
0x3c: {  	[sflag:s17] =	ssyncset.done $0x0  }
0x3d: {  	[sflag:s17] =	ssyncadd.s32 $0xFFFFD800  }
0x3e: {  	[spmem:s3] =	stream.indirect.scatter.add.f32 [tilespmem:s15], [sflag:$0x3], $0x80, s4, s18, $0xb8;
	[tilespmem:$0x18900] =	vst v63  }
0x3f: {  	s21 =	simm.s32 $0xA;
	_ =	swait.ge [sflag:s14], $0x2800  }
0x40: {  	s22 =	simm.s32 $0x14;
	s20 =	sadd.s32 $0x500, s11;
	[sflag:s14] =	ssyncset.done $0x0  }
.LBB2_5:
0x41: {  	s23 =	sadd.s32 s21, s10  }
0x42: {  	[sflag:s14] =	ssyncadd.s32 $0xFFFFD800;
	s21 =	smov.u32 s22;
	s24 =	sadd.s32 $0xA, s22  }
0x43: {  	[tilespmem:s4], [sflag:$0x1] =	stream.linear.gather [hbm4b:s23+s4], $0x50, $0x38;
	[tilespmem:$0x18900] =	vst v63  }
0x44: {  	p1 =	seq.s32 s22, $0x9BA  }
0x45: {  	[tilespmem:s15], [sflag:$0x2] =	stream.linear.gather [hbm4b:s20+s4], $0x2800, $0x38;
	[tilespmem:$0x18900] =	vst v63  }
0x46: {  	_ =	swait.ge [sflag:s16], $0x50  }
0x47: {  	[sflag:s16] =	ssyncset.done $0x0  }
0x48: {  	[sflag:s16] =	ssyncadd.s32 $0xFFFFFFB0  }
0x49: {  	_ =	swait.ge [sflag:s17], $0x2800  }
.Ltmp4:
0x4a: {  	[sflag:s17] =	ssyncset.done $0x0;
	(pc) =	sbr.rel @!p1 .LBB2_5-.Ltmp4, $4  }
0x4b: {  	[sflag:s17] =	ssyncadd.s32 $0xFFFFD800  }
0x4c: {  	[spmem:s3] =	stream.indirect.scatter.add.f32 [tilespmem:s15], [sflag:$0x3], $0x80, s4, s18, $0xb8;
	[tilespmem:$0x18900] =	vst v63  }
0x4d: {  	_ =	swait.ge [sflag:s14], $0x2800  }
0x4e: {  	s22 =	smov.u32 s24;
	s20 =	sadd.s32 $0x500, s20;
	[sflag:s14] =	ssyncset.done $0x0  }
0x4f: {  	s21 =	sadd.s32 s21, s10;
	[sflag:s14] =	ssyncadd.s32 $0xFFFFD800  }
0x50: {  	[tilespmem:s4], [sflag:$0x1] =	stream.linear.gather [hbm4b:s21+s4], $0x50, $0x38;
	[tilespmem:$0x18900] =	vst v63  }
0x51: {  	_ = 	snop  }
0x52: {  	[tilespmem:s15], [sflag:$0x2] =	stream.linear.gather [hbm4b:s20+s4], $0x2800, $0x38;
	[tilespmem:$0x18900] =	vst v63  }
0x53: {  	_ =	swait.ge [sflag:s16], $0x50  }
0x54: {  	[sflag:s16] =	ssyncset.done $0x0  }
0x55: {  	[sflag:s16] =	ssyncadd.s32 $0xFFFFFFB0  }
0x56: {  	_ =	swait.ge [sflag:s17], $0x2800  }
0x57: {  	[sflag:s17] =	ssyncset.done $0x0  }
0x58: {  	s30 =	simm.s32 $0x0;
	[sflag:s17] =	ssyncadd.s32 $0xFFFFD800  }
0x59: {  	[spmem:s3] =	stream.indirect.scatter.add.f32 [tilespmem:s15], [sflag:$0x3], $0x80, s4, s18, $0xb8;
	[tilespmem:$0x18900] =	vst v63  }
0x5a: {  	s20 =	sand.u32 $0xF, s30;
	_ =	swait.ge [sflag:s14], $0x2800  }
0x5b: {  	p1 =	sne.s32 s20, s1;
	[sflag:s14] =	ssyncset.done $0x0  }
0x5c: {  	s20 =	simm.s32 @!p1 $0x80;
	[sflag:s14] =	ssyncadd.s32 $0xFFFFD800  }
0x5d: {  	s22 =	simm.s32 @!p1 $0x4;
	p1 =	por p1, p1;
	[bflag:$0x0] =	sbarrier.arrive $0xFFFF  }
0x5e: {  	[tilespmem:s20], [sflag:$0x4] =	stream.linear.gather @!p1 [spmem:s3], $0x2800, $0x38;
	[tilespmem:$0x18900] =	vst v63  }
0x5f: {  	s24 =	simm.s32 $0x1;
	_ =	swait.ge @!p1 [sflag:s22], $0x2800  }
0x60: {  	s31 =	sand.u32 $0xF, s24;
	[sflag:s22] =	ssyncset.done @!p1 $0x0  }
0x61: {  	s23 =	simm.s32 @!p1 $0x3;
	[sflag:s22] =	ssyncadd.s32 @!p1 $0xFFFFD800;
	s22 =	simm.s32 @!p1 $0x0  }
0x62: {  	[hbm4b:s2+s22] =	stream.linear.scatter @!p1 [tilespmem:s20], [sflag:$0x3], $0x2800, $0x38;
	[tilespmem:$0x18900] =	vst v63  }
0x63: {  	s21 =	simm.s32 $0x2;
	p2 =	sne.s32 s31, s1;
	_ =	swait.ge @!p1 [sflag:s23], $0x2800  }
0x64: {  	s20 =	sadd.s32 $0x500, s2;
	s22 =	sadd.s32 $0x2800, s3;
	[sflag:s23] =	ssyncset.done @!p1 $0x0  }
.LBB2_7:
0x65: {  	s24 =	simm.s32 @!p2 $0x80;
	s25 =	simm.s32 @!p2 $0x4;
	[sflag:s23] =	ssyncadd.s32 @!p1 $0xFFFFD800  }
0x66: {  	s26 =	smov.u32 s21;
	p1 =	por p2, p2;
	s21 =	sadd.s32 $0x1, s21  }
0x67: {  	[tilespmem:s24], [sflag:$0x4] =	stream.linear.gather @!p1 [spmem:s22], $0x2800, $0x38;
	[tilespmem:$0x18900] =	vst v63  }
0x68: {  	p3 =	seq.s32 s21, $0x7D;
	_ =	swait.ge @!p1 [sflag:s25], $0x2800  }
.Ltmp5:
0x69: {  	[sflag:s25] =	ssyncset.done @!p1 $0x0;
	(pc) =	sbr.rel @!p3 .LBB2_7-.Ltmp5, $4  }
0x6a: {  	s23 =	simm.s32 @!p1 $0x3;
	[sflag:s25] =	ssyncadd.s32 @!p1 $0xFFFFD800;
	s25 =	simm.s32 @!p1 $0x0  }
0x6b: {  	[hbm4b:s20+s25] =	stream.linear.scatter @!p1 [tilespmem:s24], [sflag:$0x3], $0x2800, $0x38;
	[tilespmem:$0x18900] =	vst v63  }
0x6c: {  	s24 =	sand.u32 $0xF, s26;
	s20 =	sadd.s32 $0x500, s20;
	_ =	swait.ge @!p1 [sflag:s23], $0x2800  }
0x6d: {  	s22 =	sadd.s32 $0x2800, s22;
	p2 =	sne.s32 s24, s1;
	[sflag:s23] =	ssyncset.done @!p1 $0x0  }
0x6e: {  	s21 =	simm.s32 @!p2 $0x80  }
0x6f: {  	s24 =	simm.s32 @!p2 $0x4;
	[sflag:s23] =	ssyncadd.s32 @!p1 $0xFFFFD800;
	p1 =	por p2, p2  }
0x70: {  	[tilespmem:s21], [sflag:$0x4] =	stream.linear.gather @!p1 [spmem:s22], $0x2800, $0x38;
	[tilespmem:$0x18900] =	vst v63  }
0x71: {  	_ =	swait.ge @!p1 [sflag:s24], $0x2800  }
0x72: {  	[sflag:s24] =	ssyncset.done @!p1 $0x0  }
0x73: {  	s22 =	simm.s32 @!p1 $0x0;
	s23 =	simm.s32 @!p1 $0x3;
	[sflag:s24] =	ssyncadd.s32 @!p1 $0xFFFFD800  }
0x74: {  	[hbm4b:s20+s22] =	stream.linear.scatter @!p1 [tilespmem:s21], [sflag:$0x3], $0x2800, $0x38;
	[tilespmem:$0x18900] =	vst v63  }
0x75: {  	s31 =	simm.s32 $0x0;
	_ =	swait.ge @!p1 [sflag:s23], $0x2800  }
0x76: {  	s20 =	sand.u32 $0xF, s31;
	[sflag:s23] =	ssyncset.done @!p1 $0x0  }
0x77: {  	[sflag:s23] =	ssyncadd.s32 @!p1 $0xFFFFD800;
	p1 =	sne.s32 s20, s1  }
0x78: {  	[bflag:$0x0] =	sbarrier.arrive $0xFFFF;
	s20 =	simm.s32 @!p1 $0x2880;
	s23 =	simm.s32 @!p1 $0x3  }
0x79: {  	[spmem:s3] =	stream.linear.scatter @!p1 [tilespmem:s20], [sflag:$0x3], $0x2800, $0x38;
	[tilespmem:$0x18900] =	vst v63  }
0x7a: {  	s21 =	simm.s32 $0x1;
	_ =	swait.ge @!p1 [sflag:s23], $0x2800  }
0x7b: {  	s22 =	simm.s32 $0x2;
	s20 =	sadd.s32 $0x2800, s3;
	[sflag:s23] =	ssyncset.done @!p1 $0x0  }
.LBB2_9:
0x7c: {  	s24 =	sand.u32 $0xF, s21;
	s21 =	smov.u32 s22;
	s22 =	sadd.s32 $0x1, s22  }
0x7d: {  	[sflag:s23] =	ssyncadd.s32 @!p1 $0xFFFFD800;
	p2 =	sne.s32 s22, $0x7D  }
.Ltmp6:
0x7e: {  	p1 =	sne.s32 s24, s1;
	(pc) =	sbr.rel @p2 .LBB2_9-.Ltmp6, $4  }
0x7f: {  	s24 =	simm.s32 @!p1 $0x2880;
	s23 =	simm.s32 @!p1 $0x3  }
0x80: {  	[spmem:s20] =	stream.linear.scatter @!p1 [tilespmem:s24], [sflag:$0x3], $0x2800, $0x38;
	[tilespmem:$0x18900] =	vst v63  }
0x81: {  	_ =	swait.ge @!p1 [sflag:s23], $0x2800  }
0x82: {  	s20 =	sadd.s32 $0x2800, s20;
	[sflag:s23] =	ssyncset.done @!p1 $0x0  }
0x83: {  	s21 =	sand.u32 $0xF, s21  }
0x84: {  	p2 =	sne.s32 s21, s1  }
0x85: {  	[sflag:s23] =	ssyncadd.s32 @!p1 $0xFFFFD800;
	s21 =	simm.s32 @!p2 $0x2880;
	s22 =	simm.s32 @!p2 $0x3  }
0x86: {  	[spmem:s20] =	stream.linear.scatter @!p2 [tilespmem:s21], [sflag:$0x3], $0x2800, $0x38;
	[tilespmem:$0x18900] =	vst v63  }
0x87: {  	_ =	swait.ge @!p2 [sflag:s22], $0x2800  }
0x88: {  	[sflag:s22] =	ssyncset.done @!p2 $0x0  }
0x89: {  	[sflag:s22] =	ssyncadd.s32 @!p2 $0xFFFFD800  }
0x8a: {  	s31 =	sadd.s32 $0x0, s10;
	[bflag:$0x0] =	sbarrier.arrive $0xFFFF  }
0x8b: {  	[tilespmem:s4], [sflag:$0x1] =	stream.linear.gather [hbm4b:s31+s4], $0x50, $0x38;
	[tilespmem:$0x18900] =	vst v63  }
0x8c: {  	_ = 	snop  }
0x8d: {  	[tilespmem:s15], [sflag:$0x2] =	stream.linear.gather [hbm4b:s12+s4], $0x2800, $0x38;
	[tilespmem:$0x18900] =	vst v63  }
0x8e: {  	_ =	swait.ge [sflag:s16], $0x50  }
0x8f: {  	[sflag:s16] =	ssyncset.done $0x0  }
0x90: {  	[sflag:s16] =	ssyncadd.s32 $0xFFFFFFB0  }
0x91: {  	_ =	swait.ge [sflag:s17], $0x2800  }
0x92: {  	[sflag:s17] =	ssyncset.done $0x0  }
0x93: {  	[sflag:s17] =	ssyncadd.s32 $0xFFFFD800  }
0x94: {  	[spmem:s3] =	stream.indirect.scatter.add.f32 [tilespmem:s15], [sflag:$0x3], $0x80, s4, s18, $0xb8;
	[tilespmem:$0x18900] =	vst v63  }
0x95: {  	s21 =	simm.s32 $0xA;
	_ =	swait.ge [sflag:s14], $0x2800  }
0x96: {  	s20 =	sadd.s32 $0x500, s12;
	s22 =	simm.s32 $0x14;
	[sflag:s14] =	ssyncset.done $0x0  }
.LBB2_11:
0x97: {  	s23 =	sadd.s32 s21, s10  }
0x98: {  	[sflag:s14] =	ssyncadd.s32 $0xFFFFD800;
	s21 =	smov.u32 s22;
	s24 =	sadd.s32 $0xA, s22  }
0x99: {  	[tilespmem:s4], [sflag:$0x1] =	stream.linear.gather [hbm4b:s23+s4], $0x50, $0x38;
	[tilespmem:$0x18900] =	vst v63  }
0x9a: {  	p1 =	sne.s32 s22, $0x9BA  }
0x9b: {  	[tilespmem:s15], [sflag:$0x2] =	stream.linear.gather [hbm4b:s20+s4], $0x2800, $0x38;
	[tilespmem:$0x18900] =	vst v63  }
0x9c: {  	_ =	swait.ge [sflag:s16], $0x50  }
0x9d: {  	[sflag:s16] =	ssyncset.done $0x0  }
0x9e: {  	[sflag:s16] =	ssyncadd.s32 $0xFFFFFFB0  }
0x9f: {  	_ =	swait.ge [sflag:s17], $0x2800  }
.Ltmp7:
0xa0: {  	[sflag:s17] =	ssyncset.done $0x0;
	(pc) =	sbr.rel @p1 .LBB2_11-.Ltmp7, $4  }
0xa1: {  	[sflag:s17] =	ssyncadd.s32 $0xFFFFD800  }
0xa2: {  	[spmem:s3] =	stream.indirect.scatter.add.f32 [tilespmem:s15], [sflag:$0x3], $0x80, s4, s18, $0xb8;
	[tilespmem:$0x18900] =	vst v63  }
0xa3: {  	_ =	swait.ge [sflag:s14], $0x2800  }
0xa4: {  	s22 =	smov.u32 s24;
	s20 =	sadd.s32 $0x500, s20;
	[sflag:s14] =	ssyncset.done $0x0  }
0xa5: {  	s21 =	sadd.s32 s21, s10;
	[sflag:s14] =	ssyncadd.s32 $0xFFFFD800  }
0xa6: {  	[tilespmem:s4], [sflag:$0x1] =	stream.linear.gather [hbm4b:s21+s4], $0x50, $0x38;
	[tilespmem:$0x18900] =	vst v63  }
0xa7: {  	_ = 	snop  }
0xa8: {  	[tilespmem:s15], [sflag:$0x2] =	stream.linear.gather [hbm4b:s20+s4], $0x2800, $0x38;
	[tilespmem:$0x18900] =	vst v63  }
0xa9: {  	_ =	swait.ge [sflag:s16], $0x50  }
0xaa: {  	[sflag:s16] =	ssyncset.done $0x0  }
0xab: {  	[sflag:s16] =	ssyncadd.s32 $0xFFFFFFB0  }
0xac: {  	_ =	swait.ge [sflag:s17], $0x2800  }
0xad: {  	[sflag:s17] =	ssyncset.done $0x0  }
0xae: {  	s30 =	simm.s32 $0x0;
	[sflag:s17] =	ssyncadd.s32 $0xFFFFD800  }
0xaf: {  	[spmem:s3] =	stream.indirect.scatter.add.f32 [tilespmem:s15], [sflag:$0x3], $0x80, s4, s18, $0xb8;
	[tilespmem:$0x18900] =	vst v63  }
0xb0: {  	s20 =	sand.u32 $0xF, s30;
	_ =	swait.ge [sflag:s14], $0x2800  }
0xb1: {  	p1 =	sne.s32 s20, s1;
	[sflag:s14] =	ssyncset.done $0x0  }
0xb2: {  	s20 =	simm.s32 @!p1 $0x80;
	[sflag:s14] =	ssyncadd.s32 $0xFFFFD800  }
0xb3: {  	s22 =	simm.s32 @!p1 $0x4;
	p1 =	por p1, p1;
	[bflag:$0x0] =	sbarrier.arrive $0xFFFF  }
0xb4: {  	[tilespmem:s20], [sflag:$0x4] =	stream.linear.gather @!p1 [spmem:s3], $0x2800, $0x38;
	[tilespmem:$0x18900] =	vst v63  }
0xb5: {  	s24 =	simm.s32 $0x1;
	_ =	swait.ge @!p1 [sflag:s22], $0x2800  }
0xb6: {  	s31 =	sand.u32 $0xF, s24;
	[sflag:s22] =	ssyncset.done @!p1 $0x0  }
0xb7: {  	s23 =	simm.s32 @!p1 $0x3;
	[sflag:s22] =	ssyncadd.s32 @!p1 $0xFFFFD800;
	s22 =	simm.s32 @!p1 $0x0  }
0xb8: {  	[hbm4b:s7+s22] =	stream.linear.scatter @!p1 [tilespmem:s20], [sflag:$0x3], $0x2800, $0x38;
	[tilespmem:$0x18900] =	vst v63  }
0xb9: {  	s21 =	simm.s32 $0x2;
	p2 =	sne.s32 s31, s1;
	_ =	swait.ge @!p1 [sflag:s23], $0x2800  }
0xba: {  	s20 =	sadd.s32 $0x500, s7;
	s22 =	sadd.s32 $0x2800, s3;
	[sflag:s23] =	ssyncset.done @!p1 $0x0  }
.LBB2_13:
0xbb: {  	s24 =	simm.s32 @!p2 $0x80;
	s25 =	simm.s32 @!p2 $0x4;
	[sflag:s23] =	ssyncadd.s32 @!p1 $0xFFFFD800  }
0xbc: {  	s26 =	smov.u32 s21;
	p1 =	por p2, p2;
	s21 =	sadd.s32 $0x1, s21  }
0xbd: {  	[tilespmem:s24], [sflag:$0x4] =	stream.linear.gather @!p1 [spmem:s22], $0x2800, $0x38;
	[tilespmem:$0x18900] =	vst v63  }
0xbe: {  	p3 =	sne.s32 s21, $0x7D;
	_ =	swait.ge @!p1 [sflag:s25], $0x2800  }
.Ltmp8:
0xbf: {  	[sflag:s25] =	ssyncset.done @!p1 $0x0;
	(pc) =	sbr.rel @p3 .LBB2_13-.Ltmp8, $4  }
0xc0: {  	s23 =	simm.s32 @!p1 $0x3;
	[sflag:s25] =	ssyncadd.s32 @!p1 $0xFFFFD800;
	s25 =	simm.s32 @!p1 $0x0  }
0xc1: {  	[hbm4b:s20+s25] =	stream.linear.scatter @!p1 [tilespmem:s24], [sflag:$0x3], $0x2800, $0x38;
	[tilespmem:$0x18900] =	vst v63  }
0xc2: {  	s24 =	sand.u32 $0xF, s26;
	s20 =	sadd.s32 $0x500, s20;
	_ =	swait.ge @!p1 [sflag:s23], $0x2800  }
0xc3: {  	s22 =	sadd.s32 $0x2800, s22;
	p2 =	sne.s32 s24, s1;
	[sflag:s23] =	ssyncset.done @!p1 $0x0  }
0xc4: {  	s21 =	simm.s32 @!p2 $0x80  }
0xc5: {  	s24 =	simm.s32 @!p2 $0x4;
	[sflag:s23] =	ssyncadd.s32 @!p1 $0xFFFFD800;
	p1 =	por p2, p2  }
0xc6: {  	[tilespmem:s21], [sflag:$0x4] =	stream.linear.gather @!p1 [spmem:s22], $0x2800, $0x38;
	[tilespmem:$0x18900] =	vst v63  }
0xc7: {  	_ =	swait.ge @!p1 [sflag:s24], $0x2800  }
0xc8: {  	s22 =	simm.s32 @!p1 $0x0;
	[sflag:s24] =	ssyncset.done @!p1 $0x0  }
.Ltmp9:
0xc9: {  	s23 =	simm.s32 @!p1 $0x3;
	[sflag:s24] =	ssyncadd.s32 @!p1 $0xFFFFD800;
	(pc) =	sbr.rel .LBB2_20-.Ltmp9, $4  }
0xca: {  	[hbm4b:s20+s22] =	stream.linear.scatter @!p1 [tilespmem:s21], [sflag:$0x3], $0x2800, $0x38;
	[tilespmem:$0x18900] =	vst v63  }
0xcb: {  	_ =	swait.ge @!p1 [sflag:s23], $0x2800  }
0xcc: {  	[sflag:s23] =	ssyncset.done @!p1 $0x0  }
0xcd: {  	[sflag:s23] =	ssyncadd.s32 @!p1 $0xFFFFD800  }
.LBB2_15:
0xce: {  	[tilespmem:s4], [sflag:$0x1] =	stream.linear.gather [hbm4b:s20+s4], $0x50, $0x38;
	[tilespmem:$0x18900] =	vst v63  }
0xcf: {  	_ = 	snop  }
0xd0: {  	[tilespmem:s15], [sflag:$0x2] =	stream.linear.gather [hbm4b:s8+s4], $0x2800, $0x38;
	[tilespmem:$0x18900] =	vst v63  }
0xd1: {  	_ =	swait.ge [sflag:s16], $0x50  }
0xd2: {  	[sflag:s16] =	ssyncset.done $0x0  }
0xd3: {  	[sflag:s16] =	ssyncadd.s32 $0xFFFFFFB0  }
0xd4: {  	_ =	swait.ge [sflag:s17], $0x2800  }
0xd5: {  	[sflag:s17] =	ssyncset.done $0x0  }
0xd6: {  	[sflag:s17] =	ssyncadd.s32 $0xFFFFD800  }
0xd7: {  	[spmem:s3] =	stream.indirect.scatter.add.f32 [tilespmem:s15], [sflag:$0x3], $0x80, s4, s18, $0xb8;
	[tilespmem:$0x18900] =	vst v63  }
0xd8: {  	s21 =	simm.s32 $0xA;
	_ =	swait.ge [sflag:s14], $0x2800  }
0xd9: {  	s22 =	simm.s32 $0x14;
	s20 =	sadd.s32 $0x500, s8;
	[sflag:s14] =	ssyncset.done $0x0  }
.LBB2_16:
0xda: {  	s23 =	sadd.s32 s21, s10  }
0xdb: {  	[sflag:s14] =	ssyncadd.s32 $0xFFFFD800;
	s21 =	smov.u32 s22;
	s24 =	sadd.s32 $0xA, s22  }
0xdc: {  	[tilespmem:s4], [sflag:$0x1] =	stream.linear.gather [hbm4b:s23+s4], $0x50, $0x38;
	[tilespmem:$0x18900] =	vst v63  }
0xdd: {  	p1 =	seq.s32 s22, $0x9BA  }
0xde: {  	[tilespmem:s15], [sflag:$0x2] =	stream.linear.gather [hbm4b:s20+s4], $0x2800, $0x38;
	[tilespmem:$0x18900] =	vst v63  }
0xdf: {  	_ =	swait.ge [sflag:s16], $0x50  }
0xe0: {  	[sflag:s16] =	ssyncset.done $0x0  }
0xe1: {  	[sflag:s16] =	ssyncadd.s32 $0xFFFFFFB0  }
0xe2: {  	_ =	swait.ge [sflag:s17], $0x2800  }
.Ltmp10:
0xe3: {  	[sflag:s17] =	ssyncset.done $0x0;
	(pc) =	sbr.rel @!p1 .LBB2_16-.Ltmp10, $4  }
0xe4: {  	[sflag:s17] =	ssyncadd.s32 $0xFFFFD800  }
0xe5: {  	[spmem:s3] =	stream.indirect.scatter.add.f32 [tilespmem:s15], [sflag:$0x3], $0x80, s4, s18, $0xb8;
	[tilespmem:$0x18900] =	vst v63  }
0xe6: {  	_ =	swait.ge [sflag:s14], $0x2800  }
0xe7: {  	s22 =	smov.u32 s24;
	s20 =	sadd.s32 $0x500, s20;
	[sflag:s14] =	ssyncset.done $0x0  }
0xe8: {  	s21 =	sadd.s32 s21, s10;
	[sflag:s14] =	ssyncadd.s32 $0xFFFFD800  }
0xe9: {  	[tilespmem:s4], [sflag:$0x1] =	stream.linear.gather [hbm4b:s21+s4], $0x50, $0x38;
	[tilespmem:$0x18900] =	vst v63  }
0xea: {  	_ = 	snop  }
0xeb: {  	[tilespmem:s15], [sflag:$0x2] =	stream.linear.gather [hbm4b:s20+s4], $0x2800, $0x38;
	[tilespmem:$0x18900] =	vst v63  }
0xec: {  	_ =	swait.ge [sflag:s16], $0x50  }
0xed: {  	[sflag:s16] =	ssyncset.done $0x0  }
0xee: {  	[sflag:s16] =	ssyncadd.s32 $0xFFFFFFB0  }
0xef: {  	_ =	swait.ge [sflag:s17], $0x2800  }
0xf0: {  	[sflag:s17] =	ssyncset.done $0x0  }
0xf1: {  	s30 =	simm.s32 $0x0;
	[sflag:s17] =	ssyncadd.s32 $0xFFFFD800  }
0xf2: {  	[spmem:s3] =	stream.indirect.scatter.add.f32 [tilespmem:s15], [sflag:$0x3], $0x80, s4, s18, $0xb8;
	[tilespmem:$0x18900] =	vst v63  }
0xf3: {  	s20 =	sand.u32 $0xF, s30;
	_ =	swait.ge [sflag:s14], $0x2800  }
0xf4: {  	p1 =	sne.s32 s20, s1;
	[sflag:s14] =	ssyncset.done $0x0  }
0xf5: {  	s20 =	simm.s32 @!p1 $0x80;
	[sflag:s14] =	ssyncadd.s32 $0xFFFFD800  }
0xf6: {  	s22 =	simm.s32 @!p1 $0x4;
	p1 =	por p1, p1;
	[bflag:$0x0] =	sbarrier.arrive $0xFFFF  }
0xf7: {  	[tilespmem:s20], [sflag:$0x4] =	stream.linear.gather @!p1 [spmem:s3], $0x2800, $0x38;
	[tilespmem:$0x18900] =	vst v63  }
0xf8: {  	s24 =	simm.s32 $0x1;
	_ =	swait.ge @!p1 [sflag:s22], $0x2800  }
0xf9: {  	s31 =	sand.u32 $0xF, s24;
	[sflag:s22] =	ssyncset.done @!p1 $0x0  }
0xfa: {  	s23 =	simm.s32 @!p1 $0x3;
	[sflag:s22] =	ssyncadd.s32 @!p1 $0xFFFFD800;
	s22 =	simm.s32 @!p1 $0x0  }
0xfb: {  	[hbm4b:s6+s22] =	stream.linear.scatter @!p1 [tilespmem:s20], [sflag:$0x3], $0x2800, $0x38;
	[tilespmem:$0x18900] =	vst v63  }
0xfc: {  	s21 =	simm.s32 $0x2;
	p2 =	sne.s32 s31, s1;
	_ =	swait.ge @!p1 [sflag:s23], $0x2800  }
0xfd: {  	s20 =	sadd.s32 $0x500, s6;
	s22 =	sadd.s32 $0x2800, s3;
	[sflag:s23] =	ssyncset.done @!p1 $0x0  }
.LBB2_18:
0xfe: {  	s24 =	simm.s32 @!p2 $0x80;
	s25 =	simm.s32 @!p2 $0x4;
	[sflag:s23] =	ssyncadd.s32 @!p1 $0xFFFFD800  }
0xff: {  	s26 =	smov.u32 s21;
	p1 =	por p2, p2;
	s21 =	sadd.s32 $0x1, s21  }
0x100: {  	[tilespmem:s24], [sflag:$0x4] =	stream.linear.gather @!p1 [spmem:s22], $0x2800, $0x38;
	[tilespmem:$0x18900] =	vst v63  }
0x101: {  	p3 =	sne.s32 s21, $0x7D;
	_ =	swait.ge @!p1 [sflag:s25], $0x2800  }
.Ltmp11:
0x102: {  	[sflag:s25] =	ssyncset.done @!p1 $0x0;
	(pc) =	sbr.rel @p3 .LBB2_18-.Ltmp11, $4  }
0x103: {  	s23 =	simm.s32 @!p1 $0x3;
	[sflag:s25] =	ssyncadd.s32 @!p1 $0xFFFFD800;
	s25 =	simm.s32 @!p1 $0x0  }
0x104: {  	[hbm4b:s20+s25] =	stream.linear.scatter @!p1 [tilespmem:s24], [sflag:$0x3], $0x2800, $0x38;
	[tilespmem:$0x18900] =	vst v63  }
0x105: {  	s24 =	sand.u32 $0xF, s26;
	s20 =	sadd.s32 $0x500, s20;
	_ =	swait.ge @!p1 [sflag:s23], $0x2800  }
0x106: {  	s22 =	sadd.s32 $0x2800, s22;
	p2 =	sne.s32 s24, s1;
	[sflag:s23] =	ssyncset.done @!p1 $0x0  }
.Ltmp12:
0x107: {  	_ = 	snop;
	(pc) =	sbr.rel .LBB2_19-.Ltmp12, $1  }
0x108: {  	_ =	sdelay $0x3  }
.LBB2_21:
0x109: {  	_ =	sfence.sel $0x180000  }
0x10a: {  	[bflag:$0x0] =	sbarrier.arrive $0xFFFF  }
0x10b: {  	p0 =	sne.s32 s1, $0x0;
	_ =	strace $0x90000050  }
0x10c: {  	s0 =	sadd.s32 @!p0 $0x100000, s0;
	[bflag:$0x2] =	sbarrier.arrive $0xFFFF  }
0x10d: {  	[sflag:s0] =	ssyncadd.tile.s32 @!p0 $0x1;
	_ =	shalt  }
.Lfunc_end2:
_tile_overlayer_lowered:
.L_overlay_start_2:
0x10e: {  	(tag) =	ssettag $0x2  }
0x10f: {  	s0 =	rddreg [dreg:$0x0];
	s2 =	stileid.u32  }
0x110: {  	s1 =	rddreg [dreg:$0x1];
	p0 =	sne.s32 s2, $0x0  }
0x111: {  	s3 =	rddreg [dreg:$0x2];
	[bflag:$0x3] =	sbarrier.arrive $0xFFFF;
	s2 =	simm.s32 @!p0 $0x1C03  }
0x112: {  	[timem:s3], [sflag:s2] =	dma.local @!p0 [hbm:s0], s1  }
0x113: {  	s0 =	simm.s32 @!p0 $0x3  }
0x114: {  	_ =	swait.ge @!p0 [sflag:s0], s1  }
0x115: {  	s1 =	ssub.s32 @!p0 $0x0, s1;
	[sflag:s0] =	ssyncset.done @!p0 $0x0  }
0x116: {  	[sflag:s0] =	ssyncadd.s32 @!p0 s1  }
0x117: {  	[bflag:$0x3] =	sbarrier.arrive $0xFFFF  }
0x118: {  	_ =	shalt  }

</sc_bundles>
